<compile_context>
chip_gen: v7x
topology: tpu7x:2x2x1
jax: 0.10.2.dev20260603
libtpu: 0.0.44.dev20260713+nightly
codegen_flags: <defaults>
</compile_context>

<pallas_src>
import functools

import jax
import jax.numpy as jnp
from jax import lax
from jax.experimental import pallas as pl
from jax.experimental.pallas import tpu as pltpu
from jax.experimental.pallas import tpu_sc as plsc

_N = 10000
_E = 320000
_H = 128
_NC = 2
_NS = 16
_CW = 64
_CPT = 160
_NPH = 2
_CPP = _CPT // _NPH
_EP = _NC * _NS * _CPT * _CW
_NP = 10240
_RPT = _NP // _NS

@functools.cache
def _build_sc_kernels():
    mesh = plsc.VectorSubcoreMesh(core_axis_name="c", subcore_axis_name="s",
                                  num_cores=_NC, num_subcores=_NS)

    _B = 2

    _sc_scratch = [
        pltpu.VMEM((_CPP, _CW), jnp.int32),
        pltpu.VMEM((_CPP, _CW), jnp.int32),
        pltpu.VMEM((_B, _CW, _H), jnp.float32),
        pltpu.VMEM_SHARED((_NP, _H), jnp.float32),
        [pltpu.SemaphoreType.DMA] * _B,
        [pltpu.SemaphoreType.DMA] * _B,
    ]

    @functools.partial(
        pl.kernel,
        out_type=jax.ShapeDtypeStruct((_NC, _NP, _H), jnp.float32),
        mesh=mesh,
        scratch_types=_sc_scratch,
    )
    def _degree(dstr, zeros_nh, ones_h, degp,
                src_idx, dst_idx, rows, acc, gsem, ssem):
        del src_idx, ssem
        c = lax.axis_index("c")
        s = lax.axis_index("s")
        pltpu.sync_copy(zeros_nh.at[pl.ds(s * _RPT, _RPT)],
                        acc.at[pl.ds(s * _RPT, _RPT)])
        pltpu.sync_copy(ones_h, rows.at[0])
        plsc.subcore_barrier()

        grp = 8

        def _acc(g, carry):
            for b in range(grp):
                j = g * grp + b
                pltpu.async_copy(rows.at[0], acc.at[dst_idx.at[j]], gsem[0],
                                 add=True)
            for b in range(grp):
                j = g * grp + b
                pltpu.make_async_copy(rows.at[0], acc.at[dst_idx.at[j]],
                                      gsem[0]).wait()
            return carry

        def _phase(h, carry):
            hb = pl.multiple_of(((s * _NPH + h) * _NC + c) * _CPP, 8)
            pltpu.sync_copy(dstr.at[pl.ds(hb, _CPP)], dst_idx)
            lax.fori_loop(0, _CPP // grp, _acc, 0)
            return carry

        lax.fori_loop(0, _NPH, _phase, 0)
        plsc.subcore_barrier()
        pltpu.sync_copy(acc.at[pl.ds(s * _RPT, _RPT)],
                        degp.at[c, pl.ds(s * _RPT, _RPT)])

    @functools.partial(
        pl.kernel,
        out_type=jax.ShapeDtypeStruct((_NC, _NP, _H), jnp.float32),
        mesh=mesh,
        scratch_types=_sc_scratch,
    )
    def _aggregate(y, srcr, dstr, zeros_nh, aggp,
                   src_idx, dst_idx, rows, acc, gsem, ssem):
        c = lax.axis_index("c")
        s = lax.axis_index("s")
        pltpu.sync_copy(zeros_nh.at[pl.ds(s * _RPT, _RPT)],
                        acc.at[pl.ds(s * _RPT, _RPT)])
        plsc.subcore_barrier()

        def _gather(j, b):
            pltpu.async_copy(y.at[src_idx.at[j]], rows.at[b], gsem[b])

        def _gather_wait(b):
            pltpu.make_async_copy(y.at[src_idx.at[0]], rows.at[b],
                                  gsem[b]).wait()

        def _scatter(j, b):
            pltpu.async_copy(rows.at[b], acc.at[dst_idx.at[j]], ssem[b],
                             add=True)

        def _scatter_wait(b):
            pltpu.make_async_copy(rows.at[b], acc.at[dst_idx.at[0]],
                                  ssem[b]).wait()

        def _group(g, carry):
            for b in range(_B):
                j = g * _B + b
                bp = (b - 1) % _B

                def _refill():
                    _scatter_wait(bp)

                    @pl.when(j + _B - 1 < _CPP)
                    def _():
                        _gather(j + _B - 1, bp)

                if b == 0:
                    pl.when(g > 0)(_refill)
                else:
                    _refill()
                _gather_wait(b)
                _scatter(j, b)
            return carry

        def _phase(h, carry):
            hb = pl.multiple_of(((s * _NPH + h) * _NC + c) * _CPP, 8)
            pltpu.sync_copy(srcr.at[pl.ds(hb, _CPP)], src_idx)
            pltpu.sync_copy(dstr.at[pl.ds(hb, _CPP)], dst_idx)
            for b in range(_B):
                _gather(b, b)
            lax.fori_loop(0, _CPP // _B, _group, 0)
            _scatter_wait((_CPP - 1) % _B)
            return carry

        lax.fori_loop(0, _NPH, _phase, 0)
        plsc.subcore_barrier()
        pltpu.sync_copy(acc.at[pl.ds(s * _RPT, _RPT)],
                        aggp.at[c, pl.ds(s * _RPT, _RPT)])

    return _degree, _aggregate


def _sc_degree(dstr, zeros_nh, ones_h):
    return _build_sc_kernels()[0](dstr, zeros_nh, ones_h)


def _sc_aggregate(y, srcr, dstr, zeros_nh):
    return _build_sc_kernels()[1](y, srcr, dstr, zeros_nh)


_R = 1000
_G = _N // _R


def _dinv_from_partials(degp_blk):
    deg = (jnp.sum(degp_blk[0], axis=1, keepdims=True)
           + jnp.sum(degp_blk[1], axis=1, keepdims=True)) * (1.0 / _H) + 1.0
    return lax.rsqrt(jnp.maximum(deg, 1.0))


def _tc_prescale_body(x_ref, w_ref, degp_ref, y_ref, d8_ref):
    dinv = _dinv_from_partials(degp_ref)
    y_ref[...] = jnp.dot(x_ref[...], w_ref[...],
                         preferred_element_type=jnp.float32) * dinv
    d8_ref[...] = jnp.broadcast_to(dinv, (_R, 8))


def _dinv_from_d8(d8_ref):
    return jnp.sum(d8_ref[...], axis=1, keepdims=True) * 0.125


def _gru_relu(conv, h, wi, wh, bi, bh):
    gi = jnp.dot(conv, wi, preferred_element_type=jnp.float32) + bi
    gh = jnp.dot(h, wh, preferred_element_type=jnp.float32) + bh
    r = jax.nn.sigmoid(gi[:, 0:_H] + gh[:, 0:_H])
    z = jax.nn.sigmoid(gi[:, _H:2 * _H] + gh[:, _H:2 * _H])
    n = jnp.tanh(gi[:, 2 * _H:3 * _H] + r * gh[:, 2 * _H:3 * _H])
    return jnp.maximum((1.0 - z) * n + z * h, 0.0)


def _tc_layer1_body(p_ref, y_ref, d8_ref, b_ref, h_ref, wi_ref, wh_ref,
                    bi_ref, bh_ref, w2_ref, e_ref, y2_ref):
    dinv = _dinv_from_d8(d8_ref)
    conv = (p_ref[0] + p_ref[1] + y_ref[...]) * dinv + b_ref[...]
    e = _gru_relu(conv, h_ref[...], wi_ref[...], wh_ref[...],
                  bi_ref[...], bh_ref[...])
    e_ref[...] = e
    y2_ref[...] = jnp.dot(e, w2_ref[...],
                          preferred_element_type=jnp.float32) * dinv


def _tc_layer2_body(p_ref, y_ref, d8_ref, b_ref, h_ref, wi_ref, wh_ref,
                    bi_ref, bh_ref, e_ref):
    dinv = _dinv_from_d8(d8_ref)
    conv = (p_ref[0] + p_ref[1] + y_ref[...]) * dinv + b_ref[...]
    e_ref[...] = _gru_relu(conv, h_ref[...], wi_ref[...], wh_ref[...],
                           bi_ref[...], bh_ref[...])


_row_spec = pl.BlockSpec((_R, _H), lambda i: (i, 0))
_p_spec = pl.BlockSpec((_NC, _R, _H), lambda i: (0, i, 0))
_degp_spec = pl.BlockSpec((_NC, _R, _H), lambda i: (0, i, 0))
_w_spec = pl.BlockSpec((_H, _H), lambda i: (0, 0))
_wg_spec = pl.BlockSpec((_H, 3 * _H), lambda i: (0, 0))
_b_spec = pl.BlockSpec((1, _H), lambda i: (0, 0))
_d8_spec = pl.BlockSpec((_R, 8), lambda i: (i, 0))
_bg_spec = pl.BlockSpec((1, 3 * _H), lambda i: (0, 0))

_f32 = jnp.float32

_tc_prescale = pl.pallas_call(
    _tc_prescale_body,
    grid=(_G,),
    in_specs=[_row_spec, _w_spec, _degp_spec],
    out_specs=[_row_spec, _d8_spec],
    out_shape=[jax.ShapeDtypeStruct((_N, _H), _f32),
               jax.ShapeDtypeStruct((_N, 8), _f32)],
)

_tc_layer1 = pl.pallas_call(
    _tc_layer1_body,
    grid=(_G,),
    in_specs=[_p_spec, _row_spec, _d8_spec, _b_spec, _row_spec,
              _wg_spec, _wg_spec, _bg_spec, _bg_spec, _w_spec],
    out_specs=[_row_spec, _row_spec],
    out_shape=[jax.ShapeDtypeStruct((_N, _H), _f32),
               jax.ShapeDtypeStruct((_N, _H), _f32)],
)

_tc_layer2 = pl.pallas_call(
    _tc_layer2_body,
    grid=(_G,),
    in_specs=[_p_spec, _row_spec, _d8_spec, _b_spec, _row_spec,
              _wg_spec, _wg_spec, _bg_spec, _bg_spec],
    out_specs=_row_spec,
    out_shape=jax.ShapeDtypeStruct((_N, _H), _f32),
)


def kernel(node_feat, src, dst, last_emb1, last_emb2, W1, b1, W2, b2,
           gru1_Wi, gru1_Wh, gru1_bi, gru1_bh,
           gru2_Wi, gru2_Wh, gru2_bi, gru2_bh,
           num_current_edges=_E, num_previous_edges=300000):
    pad = _EP - _E
    nrow = _EP // _CW
    pad_src = jnp.arange(pad, dtype=jnp.int32) % _N
    pad_dst = _N + (jnp.arange(pad, dtype=jnp.int32) % (_NP - _N))
    srcr = jnp.concatenate(
        [src.astype(jnp.int32), pad_src]
    ).reshape(nrow, _CW)
    dstr = jnp.concatenate(
        [dst.astype(jnp.int32), pad_dst]
    ).reshape(nrow, _CW)
    zeros_nh = jnp.zeros((_NP, _H), _f32)
    ones_h = jnp.ones((_CW, _H), _f32)

    degp = _sc_degree(dstr, zeros_nh, ones_h)
    y1, d8 = _tc_prescale(node_feat, W1, degp)
    aggp1 = _sc_aggregate(y1, srcr, dstr, zeros_nh)
    e1, y2 = _tc_layer1(aggp1, y1, d8, b1.reshape(1, _H), last_emb1,
                        gru1_Wi, gru1_Wh, gru1_bi.reshape(1, 3 * _H),
                        gru1_bh.reshape(1, 3 * _H), W2)
    aggp2 = _sc_aggregate(y2, srcr, dstr, zeros_nh)
    e2 = _tc_layer2(aggp2, y2, d8, b2.reshape(1, _H), last_emb2,
                    gru2_Wi, gru2_Wh, gru2_bi.reshape(1, 3 * _H),
                    gru2_bh.reshape(1, 3 * _H))
    return (e1, e2)

# --- scband reference (transcript-rebuilt; emitter-appended) ---
"""Pipeline reference for scband-recurrent-gcn-9010841387371 (READ-ONLY COPY).

The authoritative reference and input builder live on the scoring server;
editing this copy changes nothing except your own understanding.
"""

import jax, jax.numpy as jnp
import numpy as np

N = 10000
E = 320000
D_IN = 128
NHID = 128


def _glorot(key, shape):
    lim = float(np.sqrt(6.0 / (shape[0] + shape[1])))
    return jax.random.uniform(key, shape, jnp.float32, -lim, lim)


def setup_inputs(seed: int = 0) -> dict:
    key = jax.random.key(seed)
    ks = jax.random.split(key, 12)
    node_feat = jax.random.normal(ks[0], (N, D_IN), jnp.float32)
    src = jax.random.randint(ks[1], (E,), 0, N)
    dst = jax.random.randint(ks[2], (E,), 0, N)
    last_emb1 = jnp.zeros((N, NHID), jnp.float32)
    last_emb2 = jnp.zeros((N, NHID), jnp.float32)
    W1 = _glorot(ks[3], (D_IN, NHID)); b1 = jnp.zeros((NHID,), jnp.float32)
    W2 = _glorot(ks[4], (NHID, NHID)); b2 = jnp.zeros((NHID,), jnp.float32)
    gru1_Wi = _glorot(ks[5], (NHID, 3 * NHID)); gru1_Wh = _glorot(ks[6], (NHID, 3 * NHID))
    gru1_bi = jnp.zeros((3 * NHID,), jnp.float32); gru1_bh = jnp.zeros((3 * NHID,), jnp.float32)
    gru2_Wi = _glorot(ks[7], (NHID, 3 * NHID)); gru2_Wh = _glorot(ks[8], (NHID, 3 * NHID))
    gru2_bi = jnp.zeros((3 * NHID,), jnp.float32); gru2_bh = jnp.zeros((3 * NHID,), jnp.float32)
    return {
        'node_feat': node_feat, 'src': src, 'dst': dst,
        'last_emb1': last_emb1, 'last_emb2': last_emb2,
        'W1': W1, 'b1': b1, 'W2': W2, 'b2': b2,
        'gru1_Wi': gru1_Wi, 'gru1_Wh': gru1_Wh, 'gru1_bi': gru1_bi, 'gru1_bh': gru1_bh,
        'gru2_Wi': gru2_Wi, 'gru2_Wh': gru2_Wh, 'gru2_bi': gru2_bi, 'gru2_bh': gru2_bh,
        'num_current_edges': E, 'num_previous_edges': 300000,
    }


def _gcn_conv(x, W, b, src, dst, num_nodes):
    # GCNConv with added self-loops and symmetric normalization (PyG semantics)
    loops = jnp.arange(num_nodes, dtype=src.dtype)
    s = jnp.concatenate([src, loops])
    d = jnp.concatenate([dst, loops])
    deg = jax.ops.segment_sum(jnp.ones(s.shape[0], x.dtype), d, num_segments=num_nodes)
    dinv = jax.lax.rsqrt(jnp.maximum(deg, 1.0))
    norm = dinv[s] * dinv[d]
    xw = x @ W
    msg = xw[s] * norm[:, None]   # gather
    out = jax.ops.segment_sum(msg, d, num_segments=num_nodes)  # scatter-add
    return out + b


def _gru_cell(x, h, Wi, Wh, bi, bh):
    gi = x @ Wi + bi
    gh = h @ Wh + bh
    i_r, i_z, i_n = jnp.split(gi, 3, axis=1)
    h_r, h_z, h_n = jnp.split(gh, 3, axis=1)
    r = jax.nn.sigmoid(i_r + h_r)
    z = jax.nn.sigmoid(i_z + h_z)
    n = jnp.tanh(i_n + r * h_n)
    return (1.0 - z) * n + z * h


def reference(node_feat, src, dst, last_emb1, last_emb2, W1, b1, W2, b2,
              gru1_Wi, gru1_Wh, gru1_bi, gru1_bh,
              gru2_Wi, gru2_Wh, gru2_bi, gru2_bh,
              num_current_edges=E, num_previous_edges=300000):
    # ROLAND layer 1: GCNConv -> learnable (GRU) embedding update -> ReLU
    h = _gcn_conv(node_feat, W1, b1, src, dst, N)
    h = _gru_cell(h, last_emb1, gru1_Wi, gru1_Wh, gru1_bi, gru1_bh)
    h = jax.nn.relu(h)
    e1 = h
    # ROLAND layer 2
    h = _gcn_conv(h, W2, b2, src, dst, N)
    h = _gru_cell(h, last_emb2, gru2_Wi, gru2_Wh, gru2_bi, gru2_bh)
    h = jax.nn.relu(h)
    e2 = h
    return (e1, e2)

if __name__ == "__main__":
    import jax
    _d = setup_inputs()
    print(jax.jit(kernel)(*tuple(_d.values())))

</pallas_src>

<mosaic_0001>
#map = affine_map<(d0, d1) -> (0, 0)>
#map1 = affine_map<(d0, d1) -> (0, 0, 0)>
module attributes {stable_mosaic.version = 14 : i64} {
  func.func @_aggregate(%arg0: i32, %arg1: i32, %arg2: memref<10000x128xf32, #tpu.memory_space<hbm>>, %arg3: memref<5120x64xi32, #tpu.memory_space<hbm>>, %arg4: memref<5120x64xi32, #tpu.memory_space<hbm>>, %arg5: memref<10240x128xf32, #tpu.memory_space<hbm>>, %arg6: memref<2x10240x128xf32, #tpu.memory_space<hbm>>, %arg7: memref<80x64xi32, #tpu.memory_space<vmem>>, %arg8: memref<80x64xi32, #tpu.memory_space<vmem>>, %arg9: memref<2x64x128xf32, #tpu.memory_space<vmem>>, %arg10: memref<10240x128xf32, #tpu.memory_space<vmem_shared>>, %arg11: memref<!tpu.dma_semaphore, #tpu.memory_space<semaphore_mem>>, %arg12: memref<!tpu.dma_semaphore, #tpu.memory_space<semaphore_mem>>, %arg13: memref<!tpu.dma_semaphore, #tpu.memory_space<semaphore_mem>>, %arg14: memref<!tpu.dma_semaphore, #tpu.memory_space<semaphore_mem>>) attributes {dimension_semantics = [#tpu.dimension_semantics<core_parallel>, #tpu.dimension_semantics<subcore_parallel>], iteration_bounds = array<i64: 2, 16>, scalar_prefetch = 0 : i64, scratch_operands = 8 : i64, tpu.core_type = #tpu.core_type<sc_vector_subcore>, window_params = [{transform_indices = #map}, {transform_indices = #map}, {transform_indices = #map}, {transform_indices = #map}, {transform_indices = #map1}]} {
    %mul3A = arith.constant 640 : i32
    %mul3A_0 = arith.muli %arg1, %mul3A : i32
    %mul3A_1 = arith.constant 640 : i32
    %mul3A_2 = arith.muli %arg1, %mul3A_1 : i32
    "tpu.region"() ({
      %run_scoped3A = tpu.sem_alloc : memref<!tpu.dma_semaphore, #tpu.memory_space<semaphore_mem>>
      %dma_start3A = arith.constant 0 : i32
      %dma_start3A_13 = tpu.memref_slice %arg10[%mul3A_2, %dma_start3A] : memref<10240x128xf32, #tpu.memory_space<vmem_shared>> -> memref<640x128xf32, #tpu.memory_space<vmem_shared>>
      %dma_start3A_14 = arith.constant 0 : i32
      %dma_start3A_15 = tpu.memref_slice %arg5[%mul3A_0, %dma_start3A_14] : memref<10240x128xf32, #tpu.memory_space<hbm>> -> memref<640x128xf32, #tpu.memory_space<hbm>>
      tpu.enqueue_dma source(%dma_start3A_15 : memref<640x128xf32, #tpu.memory_space<hbm>>) target(%dma_start3A_13 : memref<640x128xf32, #tpu.memory_space<vmem_shared>>) target_semaphore(%run_scoped3A : memref<!tpu.dma_semaphore, #tpu.memory_space<semaphore_mem>>)
      %dma_wait3A = arith.constant 0 : i32
      %dma_wait3A_16 = tpu.memref_slice %arg10[%mul3A_2, %dma_wait3A] : memref<10240x128xf32, #tpu.memory_space<vmem_shared>> -> memref<640x128xf32, #tpu.memory_space<vmem_shared>>
      %dma_wait3A_17 = arith.constant 0 : i32
      %dma_wait3A_18 = tpu.memref_slice %arg5[%mul3A_0, %dma_wait3A_17] : memref<10240x128xf32, #tpu.memory_space<hbm>> -> memref<640x128xf32, #tpu.memory_space<hbm>>
      tpu.wait_dma2 semaphore(%run_scoped3A : memref<!tpu.dma_semaphore, #tpu.memory_space<semaphore_mem>>) src(%dma_wait3A_18 : memref<640x128xf32, #tpu.memory_space<hbm>>) dst(%dma_wait3A_16 : memref<640x128xf32, #tpu.memory_space<vmem_shared>>)
      tpu.yield
    }) : () -> ()
    %barrier3A = arith.constant 0 : index
    tpu.barrier barrier_id(%barrier3A)
    %scan3A = arith.constant 0 : i32
    %scan3A_3 = arith.constant 0 : i32
    %scan3A_4 = arith.constant 2 : i32
    %scan3A_5 = arith.addi %scan3A_3, %scan3A_4 : i32
    %scan3A_6 = arith.constant 1 : i32
    scf.for %scan3A_13 = %scan3A_3 to %scan3A_5 step %scan3A_6  : i32 {
      %mul3A_14 = arith.constant 2 : i32
      %mul3A_15 = arith.muli %arg1, %mul3A_14 : i32
      %add3A = arith.addi %mul3A_15, %scan3A_13 : i32
      %mul3A_16 = arith.constant 2 : i32
      %mul3A_17 = arith.muli %add3A, %mul3A_16 : i32
      %add3A_18 = arith.addi %mul3A_17, %arg0 : i32
      %mul3A_19 = arith.constant 80 : i32
      %mul3A_20 = arith.muli %add3A_18, %mul3A_19 : i32
      %multiple_of3A = tpu.assume_multiple %mul3A_20, 8 : i32
      "tpu.region"() ({
        %run_scoped3A = tpu.sem_alloc : memref<!tpu.dma_semaphore, #tpu.memory_space<semaphore_mem>>
        %dma_start3A_61 = arith.constant 0 : i32
        %dma_start3A_62 = tpu.memref_slice %arg3[%multiple_of3A, %dma_start3A_61] : memref<5120x64xi32, #tpu.memory_space<hbm>> -> memref<80x64xi32, #tpu.memory_space<hbm>>
        %dma_start3A_63 = arith.constant 0 : i32
        %dma_start3A_64 = tpu.memref_slice %arg3[%multiple_of3A, %dma_start3A_63] : memref<5120x64xi32, #tpu.memory_space<hbm>> -> memref<80x64xi32, #tpu.memory_space<hbm>>
        tpu.enqueue_dma source(%dma_start3A_64 : memref<80x64xi32, #tpu.memory_space<hbm>>) target(%arg7 : memref<80x64xi32, #tpu.memory_space<vmem>>) target_semaphore(%run_scoped3A : memref<!tpu.dma_semaphore, #tpu.memory_space<semaphore_mem>>)
        %dma_wait3A_65 = arith.constant 0 : i32
        %dma_wait3A_66 = tpu.memref_slice %arg3[%multiple_of3A, %dma_wait3A_65] : memref<5120x64xi32, #tpu.memory_space<hbm>> -> memref<80x64xi32, #tpu.memory_space<hbm>>
        %dma_wait3A_67 = arith.constant 0 : i32
        %dma_wait3A_68 = tpu.memref_slice %arg3[%multiple_of3A, %dma_wait3A_67] : memref<5120x64xi32, #tpu.memory_space<hbm>> -> memref<80x64xi32, #tpu.memory_space<hbm>>
        tpu.wait_dma2 semaphore(%run_scoped3A : memref<!tpu.dma_semaphore, #tpu.memory_space<semaphore_mem>>) src(%dma_wait3A_68 : memref<80x64xi32, #tpu.memory_space<hbm>>) dst(%arg7 : memref<80x64xi32, #tpu.memory_space<vmem>>)
        tpu.yield
      }) : () -> ()
      "tpu.region"() ({
        %run_scoped3A = tpu.sem_alloc : memref<!tpu.dma_semaphore, #tpu.memory_space<semaphore_mem>>
        %dma_start3A_61 = arith.constant 0 : i32
        %dma_start3A_62 = tpu.memref_slice %arg4[%multiple_of3A, %dma_start3A_61] : memref<5120x64xi32, #tpu.memory_space<hbm>> -> memref<80x64xi32, #tpu.memory_space<hbm>>
        %dma_start3A_63 = arith.constant 0 : i32
        %dma_start3A_64 = tpu.memref_slice %arg4[%multiple_of3A, %dma_start3A_63] : memref<5120x64xi32, #tpu.memory_space<hbm>> -> memref<80x64xi32, #tpu.memory_space<hbm>>
        tpu.enqueue_dma source(%dma_start3A_64 : memref<80x64xi32, #tpu.memory_space<hbm>>) target(%arg8 : memref<80x64xi32, #tpu.memory_space<vmem>>) target_semaphore(%run_scoped3A : memref<!tpu.dma_semaphore, #tpu.memory_space<semaphore_mem>>)
        %dma_wait3A_65 = arith.constant 0 : i32
        %dma_wait3A_66 = tpu.memref_slice %arg4[%multiple_of3A, %dma_wait3A_65] : memref<5120x64xi32, #tpu.memory_space<hbm>> -> memref<80x64xi32, #tpu.memory_space<hbm>>
        %dma_wait3A_67 = arith.constant 0 : i32
        %dma_wait3A_68 = tpu.memref_slice %arg4[%multiple_of3A, %dma_wait3A_67] : memref<5120x64xi32, #tpu.memory_space<hbm>> -> memref<80x64xi32, #tpu.memory_space<hbm>>
        tpu.wait_dma2 semaphore(%run_scoped3A : memref<!tpu.dma_semaphore, #tpu.memory_space<semaphore_mem>>) src(%dma_wait3A_68 : memref<80x64xi32, #tpu.memory_space<hbm>>) dst(%arg8 : memref<80x64xi32, #tpu.memory_space<vmem>>)
        tpu.yield
      }) : () -> ()
      %dma_start3A = arith.constant 0 : i32
      %dma_start3A_21 = arith.constant 0 : i32
      %dma_start3A_22 = arith.constant 0 : i32
      %dma_start3A_23 = arith.constant 0 : i32
      %dma_start3A_24 = tpu.memref_slice %arg9[%dma_start3A_21, %dma_start3A_22, %dma_start3A_23] : memref<2x64x128xf32, #tpu.memory_space<vmem>> -> memref<1x64x128xf32, #tpu.memory_space<vmem>>
      %dma_start3A_25 = tpu.memref_squeeze %dma_start3A_24 : memref<1x64x128xf32, #tpu.memory_space<vmem>> -> memref<64x128xf32, #tpu.memory_space<vmem>>
      %dma_start3A_26 = arith.constant 0 : i32
      %dma_start3A_27 = tpu.memref_slice %arg7[%dma_start3A, %dma_start3A_26] : memref<80x64xi32, #tpu.memory_space<vmem>> -> memref<1x64xi32, #tpu.memory_space<vmem>>
      %dma_start3A_28 = tpu.memref_squeeze %dma_start3A_27 : memref<1x64xi32, #tpu.memory_space<vmem>> -> memref<64xi32, #tpu.memory_space<vmem>>
      %dma_start3A_29 = arith.constant 0 : i32
      %dma_start3A_30 = arith.constant 0 : i32
      %dma_start3A_31 = tpu.memref_slice %arg2[%dma_start3A_29, %dma_start3A_30] : memref<10000x128xf32, #tpu.memory_space<hbm>> -> memref<10000x128xf32, #tpu.memory_space<hbm>>
      tpu.enqueue_indirect_dma source(%dma_start3A_31 : memref<10000x128xf32, #tpu.memory_space<hbm>>) target(%dma_start3A_25 : memref<64x128xf32, #tpu.memory_space<vmem>>) offsets(%dma_start3A_28 : memref<64xi32, #tpu.memory_space<vmem>>) semaphore(%arg11 : memref<!tpu.dma_semaphore, #tpu.memory_space<semaphore_mem>>)
      %dma_start3A_32 = arith.constant 1 : i32
      %dma_start3A_33 = arith.constant 1 : i32
      %dma_start3A_34 = arith.constant 0 : i32
      %dma_start3A_35 = arith.constant 0 : i32
      %dma_start3A_36 = tpu.memref_slice %arg9[%dma_start3A_33, %dma_start3A_34, %dma_start3A_35] : memref<2x64x128xf32, #tpu.memory_space<vmem>> -> memref<1x64x128xf32, #tpu.memory_space<vmem>>
      %dma_start3A_37 = tpu.memref_squeeze %dma_start3A_36 : memref<1x64x128xf32, #tpu.memory_space<vmem>> -> memref<64x128xf32, #tpu.memory_space<vmem>>
      %dma_start3A_38 = arith.constant 0 : i32
      %dma_start3A_39 = tpu.memref_slice %arg7[%dma_start3A_32, %dma_start3A_38] : memref<80x64xi32, #tpu.memory_space<vmem>> -> memref<1x64xi32, #tpu.memory_space<vmem>>
      %dma_start3A_40 = tpu.memref_squeeze %dma_start3A_39 : memref<1x64xi32, #tpu.memory_space<vmem>> -> memref<64xi32, #tpu.memory_space<vmem>>
      %dma_start3A_41 = arith.constant 0 : i32
      %dma_start3A_42 = arith.constant 0 : i32
      %dma_start3A_43 = tpu.memref_slice %arg2[%dma_start3A_41, %dma_start3A_42] : memref<10000x128xf32, #tpu.memory_space<hbm>> -> memref<10000x128xf32, #tpu.memory_space<hbm>>
      tpu.enqueue_indirect_dma source(%dma_start3A_43 : memref<10000x128xf32, #tpu.memory_space<hbm>>) target(%dma_start3A_37 : memref<64x128xf32, #tpu.memory_space<vmem>>) offsets(%dma_start3A_40 : memref<64xi32, #tpu.memory_space<vmem>>) semaphore(%arg12 : memref<!tpu.dma_semaphore, #tpu.memory_space<semaphore_mem>>)
      %scan3A_44 = arith.constant 0 : i32
      %scan3A_45 = arith.constant 0 : i32
      %scan3A_46 = arith.constant 40 : i32
      %scan3A_47 = arith.addi %scan3A_45, %scan3A_46 : i32
      %scan3A_48 = arith.constant 1 : i32
      scf.for %scan3A_61 = %scan3A_45 to %scan3A_47 step %scan3A_48  : i32 {
        %mul3A_62 = arith.constant 2 : i32
        %mul3A_63 = arith.muli %scan3A_61, %mul3A_62 : i32
        %add3A_64 = arith.constant 0 : i32
        %add3A_65 = arith.addi %mul3A_63, %add3A_64 : i32
        %gt3A = arith.constant 0 : i32
        %gt3A_66 = arith.cmpi sgt, %scan3A_61, %gt3A : i32
        %convert_element_type3A = arith.extui %gt3A_66 : i1 to i32
        %cond3A = arith.constant 0 : i32
        %cond3A_67 = arith.cmpi ne, %convert_element_type3A, %cond3A : i32
        scf.if %cond3A_67 {
          %dma_wait3A_137 = arith.constant 1 : i32
          %dma_wait3A_138 = arith.constant 0 : i32
          %dma_wait3A_139 = arith.constant 0 : i32
          %dma_wait3A_140 = arith.constant 0 : i32
          %dma_wait3A_141 = tpu.memref_slice %arg9[%dma_wait3A_137, %dma_wait3A_139, %dma_wait3A_140] : memref<2x64x128xf32, #tpu.memory_space<vmem>> -> memref<1x64x128xf32, #tpu.memory_space<vmem>>
          %dma_wait3A_142 = tpu.memref_squeeze %dma_wait3A_141 : memref<1x64x128xf32, #tpu.memory_space<vmem>> -> memref<64x128xf32, #tpu.memory_space<vmem>>
          %dma_wait3A_143 = arith.constant 0 : i32
          %dma_wait3A_144 = tpu.memref_slice %arg8[%dma_wait3A_138, %dma_wait3A_143] : memref<80x64xi32, #tpu.memory_space<vmem>> -> memref<1x64xi32, #tpu.memory_space<vmem>>
          %dma_wait3A_145 = tpu.memref_squeeze %dma_wait3A_144 : memref<1x64xi32, #tpu.memory_space<vmem>> -> memref<64xi32, #tpu.memory_space<vmem>>
          %dma_wait3A_146 = arith.constant 0 : i32
          %dma_wait3A_147 = arith.constant 0 : i32
          %dma_wait3A_148 = tpu.memref_slice %arg10[%dma_wait3A_146, %dma_wait3A_147] : memref<10240x128xf32, #tpu.memory_space<vmem_shared>> -> memref<10240x128xf32, #tpu.memory_space<vmem_shared>>
          tpu.wait_indirect_dma semaphore(%arg14 : memref<!tpu.dma_semaphore, #tpu.memory_space<semaphore_mem>>) src(%dma_wait3A_142 : memref<64x128xf32, #tpu.memory_space<vmem>>) dst(%dma_wait3A_148 : memref<10240x128xf32, #tpu.memory_space<vmem_shared>>)
          %add3A_149 = arith.constant 2 : i32
          %add3A_150 = arith.addi %add3A_65, %add3A_149 : i32
          %sub3A_151 = arith.constant 1 : i32
          %sub3A_152 = arith.subi %add3A_150, %sub3A_151 : i32
          %lt3A_153 = arith.constant 80 : i32
          %lt3A_154 = arith.cmpi slt, %sub3A_152, %lt3A_153 : i32
          %convert_element_type3A_155 = arith.extui %lt3A_154 : i1 to i32
          %cond3A_156 = arith.constant 0 : i32
          %cond3A_157 = arith.cmpi ne, %convert_element_type3A_155, %cond3A_156 : i32
          scf.if %cond3A_157 {
            %add3A_158 = arith.constant 2 : i32
            %add3A_159 = arith.addi %add3A_65, %add3A_158 : i32
            %sub3A_160 = arith.constant 1 : i32
            %sub3A_161 = arith.subi %add3A_159, %sub3A_160 : i32
            %dma_start3A_162 = arith.constant 1 : i32
            %dma_start3A_163 = arith.constant 0 : i32
            %dma_start3A_164 = arith.constant 0 : i32
            %dma_start3A_165 = tpu.memref_slice %arg9[%dma_start3A_162, %dma_start3A_163, %dma_start3A_164] : memref<2x64x128xf32, #tpu.memory_space<vmem>> -> memref<1x64x128xf32, #tpu.memory_space<vmem>>
            %dma_start3A_166 = tpu.memref_squeeze %dma_start3A_165 : memref<1x64x128xf32, #tpu.memory_space<vmem>> -> memref<64x128xf32, #tpu.memory_space<vmem>>
            %dma_start3A_167 = arith.constant 0 : i32
            %dma_start3A_168 = tpu.memref_slice %arg7[%sub3A_161, %dma_start3A_167] : memref<80x64xi32, #tpu.memory_space<vmem>> -> memref<1x64xi32, #tpu.memory_space<vmem>>
            %dma_start3A_169 = tpu.memref_squeeze %dma_start3A_168 : memref<1x64xi32, #tpu.memory_space<vmem>> -> memref<64xi32, #tpu.memory_space<vmem>>
            %dma_start3A_170 = arith.constant 0 : i32
            %dma_start3A_171 = arith.constant 0 : i32
            %dma_start3A_172 = tpu.memref_slice %arg2[%dma_start3A_170, %dma_start3A_171] : memref<10000x128xf32, #tpu.memory_space<hbm>> -> memref<10000x128xf32, #tpu.memory_space<hbm>>
            tpu.enqueue_indirect_dma source(%dma_start3A_172 : memref<10000x128xf32, #tpu.memory_space<hbm>>) target(%dma_start3A_166 : memref<64x128xf32, #tpu.memory_space<vmem>>) offsets(%dma_start3A_169 : memref<64xi32, #tpu.memory_space<vmem>>) semaphore(%arg12 : memref<!tpu.dma_semaphore, #tpu.memory_space<semaphore_mem>>)
          } else {
          }
        } else {
        }
        %dma_wait3A_68 = arith.constant 0 : i32
        %dma_wait3A_69 = arith.constant 0 : i32
        %dma_wait3A_70 = arith.constant 0 : i32
        %dma_wait3A_71 = arith.constant 0 : i32
        %dma_wait3A_72 = tpu.memref_slice %arg9[%dma_wait3A_69, %dma_wait3A_70, %dma_wait3A_71] : memref<2x64x128xf32, #tpu.memory_space<vmem>> -> memref<1x64x128xf32, #tpu.memory_space<vmem>>
        %dma_wait3A_73 = tpu.memref_squeeze %dma_wait3A_72 : memref<1x64x128xf32, #tpu.memory_space<vmem>> -> memref<64x128xf32, #tpu.memory_space<vmem>>
        %dma_wait3A_74 = arith.constant 0 : i32
        %dma_wait3A_75 = tpu.memref_slice %arg7[%dma_wait3A_68, %dma_wait3A_74] : memref<80x64xi32, #tpu.memory_space<vmem>> -> memref<1x64xi32, #tpu.memory_space<vmem>>
        %dma_wait3A_76 = tpu.memref_squeeze %dma_wait3A_75 : memref<1x64xi32, #tpu.memory_space<vmem>> -> memref<64xi32, #tpu.memory_space<vmem>>
        %dma_wait3A_77 = arith.constant 0 : i32
        %dma_wait3A_78 = arith.constant 0 : i32
        %dma_wait3A_79 = tpu.memref_slice %arg2[%dma_wait3A_77, %dma_wait3A_78] : memref<10000x128xf32, #tpu.memory_space<hbm>> -> memref<10000x128xf32, #tpu.memory_space<hbm>>
        tpu.wait_indirect_dma semaphore(%arg11 : memref<!tpu.dma_semaphore, #tpu.memory_space<semaphore_mem>>) src(%dma_wait3A_79 : memref<10000x128xf32, #tpu.memory_space<hbm>>) dst(%dma_wait3A_73 : memref<64x128xf32, #tpu.memory_space<vmem>>)
        %dma_start3A_80 = arith.constant 0 : i32
        %dma_start3A_81 = arith.constant 0 : i32
        %dma_start3A_82 = arith.constant 0 : i32
        %dma_start3A_83 = tpu.memref_slice %arg9[%dma_start3A_80, %dma_start3A_81, %dma_start3A_82] : memref<2x64x128xf32, #tpu.memory_space<vmem>> -> memref<1x64x128xf32, #tpu.memory_space<vmem>>
        %dma_start3A_84 = tpu.memref_squeeze %dma_start3A_83 : memref<1x64x128xf32, #tpu.memory_space<vmem>> -> memref<64x128xf32, #tpu.memory_space<vmem>>
        %dma_start3A_85 = arith.constant 0 : i32
        %dma_start3A_86 = tpu.memref_slice %arg8[%add3A_65, %dma_start3A_85] : memref<80x64xi32, #tpu.memory_space<vmem>> -> memref<1x64xi32, #tpu.memory_space<vmem>>
        %dma_start3A_87 = tpu.memref_squeeze %dma_start3A_86 : memref<1x64xi32, #tpu.memory_space<vmem>> -> memref<64xi32, #tpu.memory_space<vmem>>
        %dma_start3A_88 = arith.constant 0 : i32
        %dma_start3A_89 = arith.constant 0 : i32
        %dma_start3A_90 = tpu.memref_slice %arg10[%dma_start3A_88, %dma_start3A_89] : memref<10240x128xf32, #tpu.memory_space<vmem_shared>> -> memref<10240x128xf32, #tpu.memory_space<vmem_shared>>
        tpu.enqueue_indirect_dma source(%dma_start3A_84 : memref<64x128xf32, #tpu.memory_space<vmem>>) target(%dma_start3A_90 : memref<10240x128xf32, #tpu.memory_space<vmem_shared>>) offsets(%dma_start3A_87 : memref<64xi32, #tpu.memory_space<vmem>>) semaphore(%arg13 : memref<!tpu.dma_semaphore, #tpu.memory_space<semaphore_mem>>) {add = true}
        %mul3A_91 = arith.constant 2 : i32
        %mul3A_92 = arith.muli %scan3A_61, %mul3A_91 : i32
        %add3A_93 = arith.constant 1 : i32
        %add3A_94 = arith.addi %mul3A_92, %add3A_93 : i32
        %dma_wait3A_95 = arith.constant 0 : i32
        %dma_wait3A_96 = arith.constant 0 : i32
        %dma_wait3A_97 = arith.constant 0 : i32
        %dma_wait3A_98 = arith.constant 0 : i32
        %dma_wait3A_99 = tpu.memref_slice %arg9[%dma_wait3A_95, %dma_wait3A_97, %dma_wait3A_98] : memref<2x64x128xf32, #tpu.memory_space<vmem>> -> memref<1x64x128xf32, #tpu.memory_space<vmem>>
        %dma_wait3A_100 = tpu.memref_squeeze %dma_wait3A_99 : memref<1x64x128xf32, #tpu.memory_space<vmem>> -> memref<64x128xf32, #tpu.memory_space<vmem>>
        %dma_wait3A_101 = arith.constant 0 : i32
        %dma_wait3A_102 = tpu.memref_slice %arg8[%dma_wait3A_96, %dma_wait3A_101] : memref<80x64xi32, #tpu.memory_space<vmem>> -> memref<1x64xi32, #tpu.memory_space<vmem>>
        %dma_wait3A_103 = tpu.memref_squeeze %dma_wait3A_102 : memref<1x64xi32, #tpu.memory_space<vmem>> -> memref<64xi32, #tpu.memory_space<vmem>>
        %dma_wait3A_104 = arith.constant 0 : i32
        %dma_wait3A_105 = arith.constant 0 : i32
        %dma_wait3A_106 = tpu.memref_slice %arg10[%dma_wait3A_104, %dma_wait3A_105] : memref<10240x128xf32, #tpu.memory_space<vmem_shared>> -> memref<10240x128xf32, #tpu.memory_space<vmem_shared>>
        tpu.wait_indirect_dma semaphore(%arg13 : memref<!tpu.dma_semaphore, #tpu.memory_space<semaphore_mem>>) src(%dma_wait3A_100 : memref<64x128xf32, #tpu.memory_space<vmem>>) dst(%dma_wait3A_106 : memref<10240x128xf32, #tpu.memory_space<vmem_shared>>)
        %add3A_107 = arith.constant 2 : i32
        %add3A_108 = arith.addi %add3A_94, %add3A_107 : i32
        %sub3A = arith.constant 1 : i32
        %sub3A_109 = arith.subi %add3A_108, %sub3A : i32
        %lt3A = arith.constant 80 : i32
        %lt3A_110 = arith.cmpi slt, %sub3A_109, %lt3A : i32
        %convert_element_type3A_111 = arith.extui %lt3A_110 : i1 to i32
        %cond3A_112 = arith.constant 0 : i32
        %cond3A_113 = arith.cmpi ne, %convert_element_type3A_111, %cond3A_112 : i32
        scf.if %cond3A_113 {
          %add3A_137 = arith.constant 2 : i32
          %add3A_138 = arith.addi %add3A_94, %add3A_137 : i32
          %sub3A_139 = arith.constant 1 : i32
          %sub3A_140 = arith.subi %add3A_138, %sub3A_139 : i32
          %dma_start3A_141 = arith.constant 0 : i32
          %dma_start3A_142 = arith.constant 0 : i32
          %dma_start3A_143 = arith.constant 0 : i32
          %dma_start3A_144 = tpu.memref_slice %arg9[%dma_start3A_141, %dma_start3A_142, %dma_start3A_143] : memref<2x64x128xf32, #tpu.memory_space<vmem>> -> memref<1x64x128xf32, #tpu.memory_space<vmem>>
          %dma_start3A_145 = tpu.memref_squeeze %dma_start3A_144 : memref<1x64x128xf32, #tpu.memory_space<vmem>> -> memref<64x128xf32, #tpu.memory_space<vmem>>
          %dma_start3A_146 = arith.constant 0 : i32
          %dma_start3A_147 = tpu.memref_slice %arg7[%sub3A_140, %dma_start3A_146] : memref<80x64xi32, #tpu.memory_space<vmem>> -> memref<1x64xi32, #tpu.memory_space<vmem>>
          %dma_start3A_148 = tpu.memref_squeeze %dma_start3A_147 : memref<1x64xi32, #tpu.memory_space<vmem>> -> memref<64xi32, #tpu.memory_space<vmem>>
          %dma_start3A_149 = arith.constant 0 : i32
          %dma_start3A_150 = arith.constant 0 : i32
          %dma_start3A_151 = tpu.memref_slice %arg2[%dma_start3A_149, %dma_start3A_150] : memref<10000x128xf32, #tpu.memory_space<hbm>> -> memref<10000x128xf32, #tpu.memory_space<hbm>>
          tpu.enqueue_indirect_dma source(%dma_start3A_151 : memref<10000x128xf32, #tpu.memory_space<hbm>>) target(%dma_start3A_145 : memref<64x128xf32, #tpu.memory_space<vmem>>) offsets(%dma_start3A_148 : memref<64xi32, #tpu.memory_space<vmem>>) semaphore(%arg11 : memref<!tpu.dma_semaphore, #tpu.memory_space<semaphore_mem>>)
        } else {
        }
        %dma_wait3A_114 = arith.constant 0 : i32
        %dma_wait3A_115 = arith.constant 1 : i32
        %dma_wait3A_116 = arith.constant 0 : i32
        %dma_wait3A_117 = arith.constant 0 : i32
        %dma_wait3A_118 = tpu.memref_slice %arg9[%dma_wait3A_115, %dma_wait3A_116, %dma_wait3A_117] : memref<2x64x128xf32, #tpu.memory_space<vmem>> -> memref<1x64x128xf32, #tpu.memory_space<vmem>>
        %dma_wait3A_119 = tpu.memref_squeeze %dma_wait3A_118 : memref<1x64x128xf32, #tpu.memory_space<vmem>> -> memref<64x128xf32, #tpu.memory_space<vmem>>
        %dma_wait3A_120 = arith.constant 0 : i32
        %dma_wait3A_121 = tpu.memref_slice %arg7[%dma_wait3A_114, %dma_wait3A_120] : memref<80x64xi32, #tpu.memory_space<vmem>> -> memref<1x64xi32, #tpu.memory_space<vmem>>
        %dma_wait3A_122 = tpu.memref_squeeze %dma_wait3A_121 : memref<1x64xi32, #tpu.memory_space<vmem>> -> memref<64xi32, #tpu.memory_space<vmem>>
        %dma_wait3A_123 = arith.constant 0 : i32
        %dma_wait3A_124 = arith.constant 0 : i32
        %dma_wait3A_125 = tpu.memref_slice %arg2[%dma_wait3A_123, %dma_wait3A_124] : memref<10000x128xf32, #tpu.memory_space<hbm>> -> memref<10000x128xf32, #tpu.memory_space<hbm>>
        tpu.wait_indirect_dma semaphore(%arg12 : memref<!tpu.dma_semaphore, #tpu.memory_space<semaphore_mem>>) src(%dma_wait3A_125 : memref<10000x128xf32, #tpu.memory_space<hbm>>) dst(%dma_wait3A_119 : memref<64x128xf32, #tpu.memory_space<vmem>>)
        %dma_start3A_126 = arith.constant 1 : i32
        %dma_start3A_127 = arith.constant 0 : i32
        %dma_start3A_128 = arith.constant 0 : i32
        %dma_start3A_129 = tpu.memref_slice %arg9[%dma_start3A_126, %dma_start3A_127, %dma_start3A_128] : memref<2x64x128xf32, #tpu.memory_space<vmem>> -> memref<1x64x128xf32, #tpu.memory_space<vmem>>
        %dma_start3A_130 = tpu.memref_squeeze %dma_start3A_129 : memref<1x64x128xf32, #tpu.memory_space<vmem>> -> memref<64x128xf32, #tpu.memory_space<vmem>>
        %dma_start3A_131 = arith.constant 0 : i32
        %dma_start3A_132 = tpu.memref_slice %arg8[%add3A_94, %dma_start3A_131] : memref<80x64xi32, #tpu.memory_space<vmem>> -> memref<1x64xi32, #tpu.memory_space<vmem>>
        %dma_start3A_133 = tpu.memref_squeeze %dma_start3A_132 : memref<1x64xi32, #tpu.memory_space<vmem>> -> memref<64xi32, #tpu.memory_space<vmem>>
        %dma_start3A_134 = arith.constant 0 : i32
        %dma_start3A_135 = arith.constant 0 : i32
        %dma_start3A_136 = tpu.memref_slice %arg10[%dma_start3A_134, %dma_start3A_135] : memref<10240x128xf32, #tpu.memory_space<vmem_shared>> -> memref<10240x128xf32, #tpu.memory_space<vmem_shared>>
        tpu.enqueue_indirect_dma source(%dma_start3A_130 : memref<64x128xf32, #tpu.memory_space<vmem>>) target(%dma_start3A_136 : memref<10240x128xf32, #tpu.memory_space<vmem_shared>>) offsets(%dma_start3A_133 : memref<64xi32, #tpu.memory_space<vmem>>) semaphore(%arg14 : memref<!tpu.dma_semaphore, #tpu.memory_space<semaphore_mem>>) {add = true}
      }
      %scan3A_49 = arith.constant 40 : i32
      %dma_wait3A = arith.constant 1 : i32
      %dma_wait3A_50 = arith.constant 0 : i32
      %dma_wait3A_51 = arith.constant 0 : i32
      %dma_wait3A_52 = arith.constant 0 : i32
      %dma_wait3A_53 = tpu.memref_slice %arg9[%dma_wait3A, %dma_wait3A_51, %dma_wait3A_52] : memref<2x64x128xf32, #tpu.memory_space<vmem>> -> memref<1x64x128xf32, #tpu.memory_space<vmem>>
      %dma_wait3A_54 = tpu.memref_squeeze %dma_wait3A_53 : memref<1x64x128xf32, #tpu.memory_space<vmem>> -> memref<64x128xf32, #tpu.memory_space<vmem>>
      %dma_wait3A_55 = arith.constant 0 : i32
      %dma_wait3A_56 = tpu.memref_slice %arg8[%dma_wait3A_50, %dma_wait3A_55] : memref<80x64xi32, #tpu.memory_space<vmem>> -> memref<1x64xi32, #tpu.memory_space<vmem>>
      %dma_wait3A_57 = tpu.memref_squeeze %dma_wait3A_56 : memref<1x64xi32, #tpu.memory_space<vmem>> -> memref<64xi32, #tpu.memory_space<vmem>>
      %dma_wait3A_58 = arith.constant 0 : i32
      %dma_wait3A_59 = arith.constant 0 : i32
      %dma_wait3A_60 = tpu.memref_slice %arg10[%dma_wait3A_58, %dma_wait3A_59] : memref<10240x128xf32, #tpu.memory_space<vmem_shared>> -> memref<10240x128xf32, #tpu.memory_space<vmem_shared>>
      tpu.wait_indirect_dma semaphore(%arg14 : memref<!tpu.dma_semaphore, #tpu.memory_space<semaphore_mem>>) src(%dma_wait3A_54 : memref<64x128xf32, #tpu.memory_space<vmem>>) dst(%dma_wait3A_60 : memref<10240x128xf32, #tpu.memory_space<vmem_shared>>)
    }
    %scan3A_7 = arith.constant 2 : i32
    %barrier3A_8 = arith.constant 0 : index
    tpu.barrier barrier_id(%barrier3A_8)
    %mul3A_9 = arith.constant 640 : i32
    %mul3A_10 = arith.muli %arg1, %mul3A_9 : i32
    %mul3A_11 = arith.constant 640 : i32
    %mul3A_12 = arith.muli %arg1, %mul3A_11 : i32
    "tpu.region"() ({
      %run_scoped3A = tpu.sem_alloc : memref<!tpu.dma_semaphore, #tpu.memory_space<semaphore_mem>>
      %dma_start3A = arith.constant 0 : i32
      %dma_start3A_13 = tpu.memref_slice %arg6[%arg0, %mul3A_12, %dma_start3A] : memref<2x10240x128xf32, #tpu.memory_space<hbm>> -> memref<1x640x128xf32, #tpu.memory_space<hbm>>
      %dma_start3A_14 = tpu.memref_squeeze %dma_start3A_13 : memref<1x640x128xf32, #tpu.memory_space<hbm>> -> memref<640x128xf32, #tpu.memory_space<hbm>>
      %dma_start3A_15 = arith.constant 0 : i32
      %dma_start3A_16 = tpu.memref_slice %arg10[%mul3A_10, %dma_start3A_15] : memref<10240x128xf32, #tpu.memory_space<vmem_shared>> -> memref<640x128xf32, #tpu.memory_space<vmem_shared>>
      tpu.enqueue_dma source(%dma_start3A_16 : memref<640x128xf32, #tpu.memory_space<vmem_shared>>) target(%dma_start3A_14 : memref<640x128xf32, #tpu.memory_space<hbm>>) target_semaphore(%run_scoped3A : memref<!tpu.dma_semaphore, #tpu.memory_space<semaphore_mem>>)
      %dma_wait3A = arith.constant 0 : i32
      %dma_wait3A_17 = tpu.memref_slice %arg6[%arg0, %mul3A_12, %dma_wait3A] : memref<2x10240x128xf32, #tpu.memory_space<hbm>> -> memref<1x640x128xf32, #tpu.memory_space<hbm>>
      %dma_wait3A_18 = tpu.memref_squeeze %dma_wait3A_17 : memref<1x640x128xf32, #tpu.memory_space<hbm>> -> memref<640x128xf32, #tpu.memory_space<hbm>>
      %dma_wait3A_19 = arith.constant 0 : i32
      %dma_wait3A_20 = tpu.memref_slice %arg10[%mul3A_10, %dma_wait3A_19] : memref<10240x128xf32, #tpu.memory_space<vmem_shared>> -> memref<640x128xf32, #tpu.memory_space<vmem_shared>>
      tpu.wait_dma2 semaphore(%run_scoped3A : memref<!tpu.dma_semaphore, #tpu.memory_space<semaphore_mem>>) src(%dma_wait3A_20 : memref<640x128xf32, #tpu.memory_space<vmem_shared>>) dst(%dma_wait3A_18 : memref<640x128xf32, #tpu.memory_space<hbm>>)
      tpu.yield
    }) : () -> ()
    return
  }
}

#map = affine_map<(d0, d1) -> (0, 0)>
#map1 = affine_map<(d0, d1) -> (0, 0, 0)>
module attributes {stable_mosaic.version = 14 : i64} {
  func.func @_degree(%arg0: i32, %arg1: i32, %arg2: memref<5120x64xi32, #tpu.memory_space<hbm>>, %arg3: memref<10240x128xf32, #tpu.memory_space<hbm>>, %arg4: memref<64x128xf32, #tpu.memory_space<hbm>>, %arg5: memref<2x10240x128xf32, #tpu.memory_space<hbm>>, %arg6: memref<80x64xi32, #tpu.memory_space<vmem>>, %arg7: memref<80x64xi32, #tpu.memory_space<vmem>>, %arg8: memref<2x64x128xf32, #tpu.memory_space<vmem>>, %arg9: memref<10240x128xf32, #tpu.memory_space<vmem_shared>>, %arg10: memref<!tpu.dma_semaphore, #tpu.memory_space<semaphore_mem>>, %arg11: memref<!tpu.dma_semaphore, #tpu.memory_space<semaphore_mem>>, %arg12: memref<!tpu.dma_semaphore, #tpu.memory_space<semaphore_mem>>, %arg13: memref<!tpu.dma_semaphore, #tpu.memory_space<semaphore_mem>>) attributes {dimension_semantics = [#tpu.dimension_semantics<core_parallel>, #tpu.dimension_semantics<subcore_parallel>], iteration_bounds = array<i64: 2, 16>, scalar_prefetch = 0 : i64, scratch_operands = 8 : i64, tpu.core_type = #tpu.core_type<sc_vector_subcore>, window_params = [{transform_indices = #map}, {transform_indices = #map}, {transform_indices = #map}, {transform_indices = #map1}]} {
    %mul3A = arith.constant 640 : i32
    %mul3A_0 = arith.muli %arg1, %mul3A : i32
    %mul3A_1 = arith.constant 640 : i32
    %mul3A_2 = arith.muli %arg1, %mul3A_1 : i32
    "tpu.region"() ({
      %run_scoped3A_13 = tpu.sem_alloc : memref<!tpu.dma_semaphore, #tpu.memory_space<semaphore_mem>>
      %dma_start3A = arith.constant 0 : i32
      %dma_start3A_14 = tpu.memref_slice %arg9[%mul3A_2, %dma_start3A] : memref<10240x128xf32, #tpu.memory_space<vmem_shared>> -> memref<640x128xf32, #tpu.memory_space<vmem_shared>>
      %dma_start3A_15 = arith.constant 0 : i32
      %dma_start3A_16 = tpu.memref_slice %arg3[%mul3A_0, %dma_start3A_15] : memref<10240x128xf32, #tpu.memory_space<hbm>> -> memref<640x128xf32, #tpu.memory_space<hbm>>
      tpu.enqueue_dma source(%dma_start3A_16 : memref<640x128xf32, #tpu.memory_space<hbm>>) target(%dma_start3A_14 : memref<640x128xf32, #tpu.memory_space<vmem_shared>>) target_semaphore(%run_scoped3A_13 : memref<!tpu.dma_semaphore, #tpu.memory_space<semaphore_mem>>)
      %dma_wait3A = arith.constant 0 : i32
      %dma_wait3A_17 = tpu.memref_slice %arg9[%mul3A_2, %dma_wait3A] : memref<10240x128xf32, #tpu.memory_space<vmem_shared>> -> memref<640x128xf32, #tpu.memory_space<vmem_shared>>
      %dma_wait3A_18 = arith.constant 0 : i32
      %dma_wait3A_19 = tpu.memref_slice %arg3[%mul3A_0, %dma_wait3A_18] : memref<10240x128xf32, #tpu.memory_space<hbm>> -> memref<640x128xf32, #tpu.memory_space<hbm>>
      tpu.wait_dma2 semaphore(%run_scoped3A_13 : memref<!tpu.dma_semaphore, #tpu.memory_space<semaphore_mem>>) src(%dma_wait3A_19 : memref<640x128xf32, #tpu.memory_space<hbm>>) dst(%dma_wait3A_17 : memref<640x128xf32, #tpu.memory_space<vmem_shared>>)
      tpu.yield
    }) : () -> ()
    %run_scoped3A = arith.constant 0 : i32
    "tpu.region"() ({
      %run_scoped3A_13 = tpu.sem_alloc : memref<!tpu.dma_semaphore, #tpu.memory_space<semaphore_mem>>
      %dma_start3A = arith.constant 0 : i32
      %dma_start3A_14 = arith.constant 0 : i32
      %dma_start3A_15 = tpu.memref_slice %arg8[%run_scoped3A, %dma_start3A, %dma_start3A_14] : memref<2x64x128xf32, #tpu.memory_space<vmem>> -> memref<1x64x128xf32, #tpu.memory_space<vmem>>
      %dma_start3A_16 = tpu.memref_squeeze %dma_start3A_15 : memref<1x64x128xf32, #tpu.memory_space<vmem>> -> memref<64x128xf32, #tpu.memory_space<vmem>>
      %dma_start3A_17 = arith.constant 0 : i32
      %dma_start3A_18 = arith.constant 0 : i32
      %dma_start3A_19 = tpu.memref_slice %arg8[%run_scoped3A, %dma_start3A_17, %dma_start3A_18] : memref<2x64x128xf32, #tpu.memory_space<vmem>> -> memref<1x64x128xf32, #tpu.memory_space<vmem>>
      %dma_start3A_20 = tpu.memref_squeeze %dma_start3A_19 : memref<1x64x128xf32, #tpu.memory_space<vmem>> -> memref<64x128xf32, #tpu.memory_space<vmem>>
      tpu.enqueue_dma source(%arg4 : memref<64x128xf32, #tpu.memory_space<hbm>>) target(%dma_start3A_20 : memref<64x128xf32, #tpu.memory_space<vmem>>) target_semaphore(%run_scoped3A_13 : memref<!tpu.dma_semaphore, #tpu.memory_space<semaphore_mem>>)
      %dma_wait3A = arith.constant 0 : i32
      %dma_wait3A_21 = arith.constant 0 : i32
      %dma_wait3A_22 = tpu.memref_slice %arg8[%run_scoped3A, %dma_wait3A, %dma_wait3A_21] : memref<2x64x128xf32, #tpu.memory_space<vmem>> -> memref<1x64x128xf32, #tpu.memory_space<vmem>>
      %dma_wait3A_23 = tpu.memref_squeeze %dma_wait3A_22 : memref<1x64x128xf32, #tpu.memory_space<vmem>> -> memref<64x128xf32, #tpu.memory_space<vmem>>
      %dma_wait3A_24 = arith.constant 0 : i32
      %dma_wait3A_25 = arith.constant 0 : i32
      %dma_wait3A_26 = tpu.memref_slice %arg8[%run_scoped3A, %dma_wait3A_24, %dma_wait3A_25] : memref<2x64x128xf32, #tpu.memory_space<vmem>> -> memref<1x64x128xf32, #tpu.memory_space<vmem>>
      %dma_wait3A_27 = tpu.memref_squeeze %dma_wait3A_26 : memref<1x64x128xf32, #tpu.memory_space<vmem>> -> memref<64x128xf32, #tpu.memory_space<vmem>>
      tpu.wait_dma2 semaphore(%run_scoped3A_13 : memref<!tpu.dma_semaphore, #tpu.memory_space<semaphore_mem>>) src(%arg4 : memref<64x128xf32, #tpu.memory_space<hbm>>) dst(%dma_wait3A_27 : memref<64x128xf32, #tpu.memory_space<vmem>>)
      tpu.yield
    }) : () -> ()
    %barrier3A = arith.constant 0 : index
    tpu.barrier barrier_id(%barrier3A)
    %scan3A = arith.constant 0 : i32
    %scan3A_3 = arith.constant 0 : i32
    %scan3A_4 = arith.constant 2 : i32
    %scan3A_5 = arith.addi %scan3A_3, %scan3A_4 : i32
    %scan3A_6 = arith.constant 1 : i32
    scf.for %scan3A_13 = %scan3A_3 to %scan3A_5 step %scan3A_6  : i32 {
      %mul3A_14 = arith.constant 2 : i32
      %mul3A_15 = arith.muli %arg1, %mul3A_14 : i32
      %add3A = arith.addi %mul3A_15, %scan3A_13 : i32
      %mul3A_16 = arith.constant 2 : i32
      %mul3A_17 = arith.muli %add3A, %mul3A_16 : i32
      %add3A_18 = arith.addi %mul3A_17, %arg0 : i32
      %mul3A_19 = arith.constant 80 : i32
      %mul3A_20 = arith.muli %add3A_18, %mul3A_19 : i32
      %multiple_of3A = tpu.assume_multiple %mul3A_20, 8 : i32
      "tpu.region"() ({
        %run_scoped3A_27 = tpu.sem_alloc : memref<!tpu.dma_semaphore, #tpu.memory_space<semaphore_mem>>
        %dma_start3A = arith.constant 0 : i32
        %dma_start3A_28 = tpu.memref_slice %arg2[%multiple_of3A, %dma_start3A] : memref<5120x64xi32, #tpu.memory_space<hbm>> -> memref<80x64xi32, #tpu.memory_space<hbm>>
        %dma_start3A_29 = arith.constant 0 : i32
        %dma_start3A_30 = tpu.memref_slice %arg2[%multiple_of3A, %dma_start3A_29] : memref<5120x64xi32, #tpu.memory_space<hbm>> -> memref<80x64xi32, #tpu.memory_space<hbm>>
        tpu.enqueue_dma source(%dma_start3A_30 : memref<80x64xi32, #tpu.memory_space<hbm>>) target(%arg7 : memref<80x64xi32, #tpu.memory_space<vmem>>) target_semaphore(%run_scoped3A_27 : memref<!tpu.dma_semaphore, #tpu.memory_space<semaphore_mem>>)
        %dma_wait3A = arith.constant 0 : i32
        %dma_wait3A_31 = tpu.memref_slice %arg2[%multiple_of3A, %dma_wait3A] : memref<5120x64xi32, #tpu.memory_space<hbm>> -> memref<80x64xi32, #tpu.memory_space<hbm>>
        %dma_wait3A_32 = arith.constant 0 : i32
        %dma_wait3A_33 = tpu.memref_slice %arg2[%multiple_of3A, %dma_wait3A_32] : memref<5120x64xi32, #tpu.memory_space<hbm>> -> memref<80x64xi32, #tpu.memory_space<hbm>>
        tpu.wait_dma2 semaphore(%run_scoped3A_27 : memref<!tpu.dma_semaphore, #tpu.memory_space<semaphore_mem>>) src(%dma_wait3A_33 : memref<80x64xi32, #tpu.memory_space<hbm>>) dst(%arg7 : memref<80x64xi32, #tpu.memory_space<vmem>>)
        tpu.yield
      }) : () -> ()
      %scan3A_21 = arith.constant 0 : i32
      %scan3A_22 = arith.constant 0 : i32
      %scan3A_23 = arith.constant 10 : i32
      %scan3A_24 = arith.addi %scan3A_22, %scan3A_23 : i32
      %scan3A_25 = arith.constant 1 : i32
      scf.for %scan3A_27 = %scan3A_22 to %scan3A_24 step %scan3A_25  : i32 {
        %mul3A_28 = arith.constant 8 : i32
        %mul3A_29 = arith.muli %scan3A_27, %mul3A_28 : i32
        %add3A_30 = arith.constant 0 : i32
        %add3A_31 = arith.addi %mul3A_29, %add3A_30 : i32
        %dma_start3A = arith.constant 0 : i32
        %dma_start3A_32 = arith.constant 0 : i32
        %dma_start3A_33 = arith.constant 0 : i32
        %dma_start3A_34 = tpu.memref_slice %arg8[%dma_start3A, %dma_start3A_32, %dma_start3A_33] : memref<2x64x128xf32, #tpu.memory_space<vmem>> -> memref<1x64x128xf32, #tpu.memory_space<vmem>>
        %dma_start3A_35 = tpu.memref_squeeze %dma_start3A_34 : memref<1x64x128xf32, #tpu.memory_space<vmem>> -> memref<64x128xf32, #tpu.memory_space<vmem>>
        %dma_start3A_36 = arith.constant 0 : i32
        %dma_start3A_37 = tpu.memref_slice %arg7[%add3A_31, %dma_start3A_36] : memref<80x64xi32, #tpu.memory_space<vmem>> -> memref<1x64xi32, #tpu.memory_space<vmem>>
        %dma_start3A_38 = tpu.memref_squeeze %dma_start3A_37 : memref<1x64xi32, #tpu.memory_space<vmem>> -> memref<64xi32, #tpu.memory_space<vmem>>
        %dma_start3A_39 = arith.constant 0 : i32
        %dma_start3A_40 = arith.constant 0 : i32
        %dma_start3A_41 = tpu.memref_slice %arg9[%dma_start3A_39, %dma_start3A_40] : memref<10240x128xf32, #tpu.memory_space<vmem_shared>> -> memref<10240x128xf32, #tpu.memory_space<vmem_shared>>
        tpu.enqueue_indirect_dma source(%dma_start3A_35 : memref<64x128xf32, #tpu.memory_space<vmem>>) target(%dma_start3A_41 : memref<10240x128xf32, #tpu.memory_space<vmem_shared>>) offsets(%dma_start3A_38 : memref<64xi32, #tpu.memory_space<vmem>>) semaphore(%arg10 : memref<!tpu.dma_semaphore, #tpu.memory_space<semaphore_mem>>) {add = true}
        %mul3A_42 = arith.constant 8 : i32
        %mul3A_43 = arith.muli %scan3A_27, %mul3A_42 : i32
        %add3A_44 = arith.constant 1 : i32
        %add3A_45 = arith.addi %mul3A_43, %add3A_44 : i32
        %dma_start3A_46 = arith.constant 0 : i32
        %dma_start3A_47 = arith.constant 0 : i32
        %dma_start3A_48 = arith.constant 0 : i32
        %dma_start3A_49 = tpu.memref_slice %arg8[%dma_start3A_46, %dma_start3A_47, %dma_start3A_48] : memref<2x64x128xf32, #tpu.memory_space<vmem>> -> memref<1x64x128xf32, #tpu.memory_space<vmem>>
        %dma_start3A_50 = tpu.memref_squeeze %dma_start3A_49 : memref<1x64x128xf32, #tpu.memory_space<vmem>> -> memref<64x128xf32, #tpu.memory_space<vmem>>
        %dma_start3A_51 = arith.constant 0 : i32
        %dma_start3A_52 = tpu.memref_slice %arg7[%add3A_45, %dma_start3A_51] : memref<80x64xi32, #tpu.memory_space<vmem>> -> memref<1x64xi32, #tpu.memory_space<vmem>>
        %dma_start3A_53 = tpu.memref_squeeze %dma_start3A_52 : memref<1x64xi32, #tpu.memory_space<vmem>> -> memref<64xi32, #tpu.memory_space<vmem>>
        %dma_start3A_54 = arith.constant 0 : i32
        %dma_start3A_55 = arith.constant 0 : i32
        %dma_start3A_56 = tpu.memref_slice %arg9[%dma_start3A_54, %dma_start3A_55] : memref<10240x128xf32, #tpu.memory_space<vmem_shared>> -> memref<10240x128xf32, #tpu.memory_space<vmem_shared>>
        tpu.enqueue_indirect_dma source(%dma_start3A_50 : memref<64x128xf32, #tpu.memory_space<vmem>>) target(%dma_start3A_56 : memref<10240x128xf32, #tpu.memory_space<vmem_shared>>) offsets(%dma_start3A_53 : memref<64xi32, #tpu.memory_space<vmem>>) semaphore(%arg10 : memref<!tpu.dma_semaphore, #tpu.memory_space<semaphore_mem>>) {add = true}
        %mul3A_57 = arith.constant 8 : i32
        %mul3A_58 = arith.muli %scan3A_27, %mul3A_57 : i32
        %add3A_59 = arith.constant 2 : i32
        %add3A_60 = arith.addi %mul3A_58, %add3A_59 : i32
        %dma_start3A_61 = arith.constant 0 : i32
        %dma_start3A_62 = arith.constant 0 : i32
        %dma_start3A_63 = arith.constant 0 : i32
        %dma_start3A_64 = tpu.memref_slice %arg8[%dma_start3A_61, %dma_start3A_62, %dma_start3A_63] : memref<2x64x128xf32, #tpu.memory_space<vmem>> -> memref<1x64x128xf32, #tpu.memory_space<vmem>>
        %dma_start3A_65 = tpu.memref_squeeze %dma_start3A_64 : memref<1x64x128xf32, #tpu.memory_space<vmem>> -> memref<64x128xf32, #tpu.memory_space<vmem>>
        %dma_start3A_66 = arith.constant 0 : i32
        %dma_start3A_67 = tpu.memref_slice %arg7[%add3A_60, %dma_start3A_66] : memref<80x64xi32, #tpu.memory_space<vmem>> -> memref<1x64xi32, #tpu.memory_space<vmem>>
        %dma_start3A_68 = tpu.memref_squeeze %dma_start3A_67 : memref<1x64xi32, #tpu.memory_space<vmem>> -> memref<64xi32, #tpu.memory_space<vmem>>
        %dma_start3A_69 = arith.constant 0 : i32
        %dma_start3A_70 = arith.constant 0 : i32
        %dma_start3A_71 = tpu.memref_slice %arg9[%dma_start3A_69, %dma_start3A_70] : memref<10240x128xf32, #tpu.memory_space<vmem_shared>> -> memref<10240x128xf32, #tpu.memory_space<vmem_shared>>
        tpu.enqueue_indirect_dma source(%dma_start3A_65 : memref<64x128xf32, #tpu.memory_space<vmem>>) target(%dma_start3A_71 : memref<10240x128xf32, #tpu.memory_space<vmem_shared>>) offsets(%dma_start3A_68 : memref<64xi32, #tpu.memory_space<vmem>>) semaphore(%arg10 : memref<!tpu.dma_semaphore, #tpu.memory_space<semaphore_mem>>) {add = true}
        %mul3A_72 = arith.constant 8 : i32
        %mul3A_73 = arith.muli %scan3A_27, %mul3A_72 : i32
        %add3A_74 = arith.constant 3 : i32
        %add3A_75 = arith.addi %mul3A_73, %add3A_74 : i32
        %dma_start3A_76 = arith.constant 0 : i32
        %dma_start3A_77 = arith.constant 0 : i32
        %dma_start3A_78 = arith.constant 0 : i32
        %dma_start3A_79 = tpu.memref_slice %arg8[%dma_start3A_76, %dma_start3A_77, %dma_start3A_78] : memref<2x64x128xf32, #tpu.memory_space<vmem>> -> memref<1x64x128xf32, #tpu.memory_space<vmem>>
        %dma_start3A_80 = tpu.memref_squeeze %dma_start3A_79 : memref<1x64x128xf32, #tpu.memory_space<vmem>> -> memref<64x128xf32, #tpu.memory_space<vmem>>
        %dma_start3A_81 = arith.constant 0 : i32
        %dma_start3A_82 = tpu.memref_slice %arg7[%add3A_75, %dma_start3A_81] : memref<80x64xi32, #tpu.memory_space<vmem>> -> memref<1x64xi32, #tpu.memory_space<vmem>>
        %dma_start3A_83 = tpu.memref_squeeze %dma_start3A_82 : memref<1x64xi32, #tpu.memory_space<vmem>> -> memref<64xi32, #tpu.memory_space<vmem>>
        %dma_start3A_84 = arith.constant 0 : i32
        %dma_start3A_85 = arith.constant 0 : i32
        %dma_start3A_86 = tpu.memref_slice %arg9[%dma_start3A_84, %dma_start3A_85] : memref<10240x128xf32, #tpu.memory_space<vmem_shared>> -> memref<10240x128xf32, #tpu.memory_space<vmem_shared>>
        tpu.enqueue_indirect_dma source(%dma_start3A_80 : memref<64x128xf32, #tpu.memory_space<vmem>>) target(%dma_start3A_86 : memref<10240x128xf32, #tpu.memory_space<vmem_shared>>) offsets(%dma_start3A_83 : memref<64xi32, #tpu.memory_space<vmem>>) semaphore(%arg10 : memref<!tpu.dma_semaphore, #tpu.memory_space<semaphore_mem>>) {add = true}
        %mul3A_87 = arith.constant 8 : i32
        %mul3A_88 = arith.muli %scan3A_27, %mul3A_87 : i32
        %add3A_89 = arith.constant 4 : i32
        %add3A_90 = arith.addi %mul3A_88, %add3A_89 : i32
        %dma_start3A_91 = arith.constant 0 : i32
        %dma_start3A_92 = arith.constant 0 : i32
        %dma_start3A_93 = arith.constant 0 : i32
        %dma_start3A_94 = tpu.memref_slice %arg8[%dma_start3A_91, %dma_start3A_92, %dma_start3A_93] : memref<2x64x128xf32, #tpu.memory_space<vmem>> -> memref<1x64x128xf32, #tpu.memory_space<vmem>>
        %dma_start3A_95 = tpu.memref_squeeze %dma_start3A_94 : memref<1x64x128xf32, #tpu.memory_space<vmem>> -> memref<64x128xf32, #tpu.memory_space<vmem>>
        %dma_start3A_96 = arith.constant 0 : i32
        %dma_start3A_97 = tpu.memref_slice %arg7[%add3A_90, %dma_start3A_96] : memref<80x64xi32, #tpu.memory_space<vmem>> -> memref<1x64xi32, #tpu.memory_space<vmem>>
        %dma_start3A_98 = tpu.memref_squeeze %dma_start3A_97 : memref<1x64xi32, #tpu.memory_space<vmem>> -> memref<64xi32, #tpu.memory_space<vmem>>
        %dma_start3A_99 = arith.constant 0 : i32
        %dma_start3A_100 = arith.constant 0 : i32
        %dma_start3A_101 = tpu.memref_slice %arg9[%dma_start3A_99, %dma_start3A_100] : memref<10240x128xf32, #tpu.memory_space<vmem_shared>> -> memref<10240x128xf32, #tpu.memory_space<vmem_shared>>
        tpu.enqueue_indirect_dma source(%dma_start3A_95 : memref<64x128xf32, #tpu.memory_space<vmem>>) target(%dma_start3A_101 : memref<10240x128xf32, #tpu.memory_space<vmem_shared>>) offsets(%dma_start3A_98 : memref<64xi32, #tpu.memory_space<vmem>>) semaphore(%arg10 : memref<!tpu.dma_semaphore, #tpu.memory_space<semaphore_mem>>) {add = true}
        %mul3A_102 = arith.constant 8 : i32
        %mul3A_103 = arith.muli %scan3A_27, %mul3A_102 : i32
        %add3A_104 = arith.constant 5 : i32
        %add3A_105 = arith.addi %mul3A_103, %add3A_104 : i32
        %dma_start3A_106 = arith.constant 0 : i32
        %dma_start3A_107 = arith.constant 0 : i32
        %dma_start3A_108 = arith.constant 0 : i32
        %dma_start3A_109 = tpu.memref_slice %arg8[%dma_start3A_106, %dma_start3A_107, %dma_start3A_108] : memref<2x64x128xf32, #tpu.memory_space<vmem>> -> memref<1x64x128xf32, #tpu.memory_space<vmem>>
        %dma_start3A_110 = tpu.memref_squeeze %dma_start3A_109 : memref<1x64x128xf32, #tpu.memory_space<vmem>> -> memref<64x128xf32, #tpu.memory_space<vmem>>
        %dma_start3A_111 = arith.constant 0 : i32
        %dma_start3A_112 = tpu.memref_slice %arg7[%add3A_105, %dma_start3A_111] : memref<80x64xi32, #tpu.memory_space<vmem>> -> memref<1x64xi32, #tpu.memory_space<vmem>>
        %dma_start3A_113 = tpu.memref_squeeze %dma_start3A_112 : memref<1x64xi32, #tpu.memory_space<vmem>> -> memref<64xi32, #tpu.memory_space<vmem>>
        %dma_start3A_114 = arith.constant 0 : i32
        %dma_start3A_115 = arith.constant 0 : i32
        %dma_start3A_116 = tpu.memref_slice %arg9[%dma_start3A_114, %dma_start3A_115] : memref<10240x128xf32, #tpu.memory_space<vmem_shared>> -> memref<10240x128xf32, #tpu.memory_space<vmem_shared>>
        tpu.enqueue_indirect_dma source(%dma_start3A_110 : memref<64x128xf32, #tpu.memory_space<vmem>>) target(%dma_start3A_116 : memref<10240x128xf32, #tpu.memory_space<vmem_shared>>) offsets(%dma_start3A_113 : memref<64xi32, #tpu.memory_space<vmem>>) semaphore(%arg10 : memref<!tpu.dma_semaphore, #tpu.memory_space<semaphore_mem>>) {add = true}
        %mul3A_117 = arith.constant 8 : i32
        %mul3A_118 = arith.muli %scan3A_27, %mul3A_117 : i32
        %add3A_119 = arith.constant 6 : i32
        %add3A_120 = arith.addi %mul3A_118, %add3A_119 : i32
        %dma_start3A_121 = arith.constant 0 : i32
        %dma_start3A_122 = arith.constant 0 : i32
        %dma_start3A_123 = arith.constant 0 : i32
        %dma_start3A_124 = tpu.memref_slice %arg8[%dma_start3A_121, %dma_start3A_122, %dma_start3A_123] : memref<2x64x128xf32, #tpu.memory_space<vmem>> -> memref<1x64x128xf32, #tpu.memory_space<vmem>>
        %dma_start3A_125 = tpu.memref_squeeze %dma_start3A_124 : memref<1x64x128xf32, #tpu.memory_space<vmem>> -> memref<64x128xf32, #tpu.memory_space<vmem>>
        %dma_start3A_126 = arith.constant 0 : i32
        %dma_start3A_127 = tpu.memref_slice %arg7[%add3A_120, %dma_start3A_126] : memref<80x64xi32, #tpu.memory_space<vmem>> -> memref<1x64xi32, #tpu.memory_space<vmem>>
        %dma_start3A_128 = tpu.memref_squeeze %dma_start3A_127 : memref<1x64xi32, #tpu.memory_space<vmem>> -> memref<64xi32, #tpu.memory_space<vmem>>
        %dma_start3A_129 = arith.constant 0 : i32
        %dma_start3A_130 = arith.constant 0 : i32
        %dma_start3A_131 = tpu.memref_slice %arg9[%dma_start3A_129, %dma_start3A_130] : memref<10240x128xf32, #tpu.memory_space<vmem_shared>> -> memref<10240x128xf32, #tpu.memory_space<vmem_shared>>
        tpu.enqueue_indirect_dma source(%dma_start3A_125 : memref<64x128xf32, #tpu.memory_space<vmem>>) target(%dma_start3A_131 : memref<10240x128xf32, #tpu.memory_space<vmem_shared>>) offsets(%dma_start3A_128 : memref<64xi32, #tpu.memory_space<vmem>>) semaphore(%arg10 : memref<!tpu.dma_semaphore, #tpu.memory_space<semaphore_mem>>) {add = true}
        %mul3A_132 = arith.constant 8 : i32
        %mul3A_133 = arith.muli %scan3A_27, %mul3A_132 : i32
        %add3A_134 = arith.constant 7 : i32
        %add3A_135 = arith.addi %mul3A_133, %add3A_134 : i32
        %dma_start3A_136 = arith.constant 0 : i32
        %dma_start3A_137 = arith.constant 0 : i32
        %dma_start3A_138 = arith.constant 0 : i32
        %dma_start3A_139 = tpu.memref_slice %arg8[%dma_start3A_136, %dma_start3A_137, %dma_start3A_138] : memref<2x64x128xf32, #tpu.memory_space<vmem>> -> memref<1x64x128xf32, #tpu.memory_space<vmem>>
        %dma_start3A_140 = tpu.memref_squeeze %dma_start3A_139 : memref<1x64x128xf32, #tpu.memory_space<vmem>> -> memref<64x128xf32, #tpu.memory_space<vmem>>
        %dma_start3A_141 = arith.constant 0 : i32
        %dma_start3A_142 = tpu.memref_slice %arg7[%add3A_135, %dma_start3A_141] : memref<80x64xi32, #tpu.memory_space<vmem>> -> memref<1x64xi32, #tpu.memory_space<vmem>>
        %dma_start3A_143 = tpu.memref_squeeze %dma_start3A_142 : memref<1x64xi32, #tpu.memory_space<vmem>> -> memref<64xi32, #tpu.memory_space<vmem>>
        %dma_start3A_144 = arith.constant 0 : i32
        %dma_start3A_145 = arith.constant 0 : i32
        %dma_start3A_146 = tpu.memref_slice %arg9[%dma_start3A_144, %dma_start3A_145] : memref<10240x128xf32, #tpu.memory_space<vmem_shared>> -> memref<10240x128xf32, #tpu.memory_space<vmem_shared>>
        tpu.enqueue_indirect_dma source(%dma_start3A_140 : memref<64x128xf32, #tpu.memory_space<vmem>>) target(%dma_start3A_146 : memref<10240x128xf32, #tpu.memory_space<vmem_shared>>) offsets(%dma_start3A_143 : memref<64xi32, #tpu.memory_space<vmem>>) semaphore(%arg10 : memref<!tpu.dma_semaphore, #tpu.memory_space<semaphore_mem>>) {add = true}
        %mul3A_147 = arith.constant 8 : i32
        %mul3A_148 = arith.muli %scan3A_27, %mul3A_147 : i32
        %add3A_149 = arith.constant 0 : i32
        %add3A_150 = arith.addi %mul3A_148, %add3A_149 : i32
        %dma_wait3A = arith.constant 0 : i32
        %dma_wait3A_151 = arith.constant 0 : i32
        %dma_wait3A_152 = arith.constant 0 : i32
        %dma_wait3A_153 = tpu.memref_slice %arg8[%dma_wait3A, %dma_wait3A_151, %dma_wait3A_152] : memref<2x64x128xf32, #tpu.memory_space<vmem>> -> memref<1x64x128xf32, #tpu.memory_space<vmem>>
        %dma_wait3A_154 = tpu.memref_squeeze %dma_wait3A_153 : memref<1x64x128xf32, #tpu.memory_space<vmem>> -> memref<64x128xf32, #tpu.memory_space<vmem>>
        %dma_wait3A_155 = arith.constant 0 : i32
        %dma_wait3A_156 = tpu.memref_slice %arg7[%add3A_150, %dma_wait3A_155] : memref<80x64xi32, #tpu.memory_space<vmem>> -> memref<1x64xi32, #tpu.memory_space<vmem>>
        %dma_wait3A_157 = tpu.memref_squeeze %dma_wait3A_156 : memref<1x64xi32, #tpu.memory_space<vmem>> -> memref<64xi32, #tpu.memory_space<vmem>>
        %dma_wait3A_158 = arith.constant 0 : i32
        %dma_wait3A_159 = arith.constant 0 : i32
        %dma_wait3A_160 = tpu.memref_slice %arg9[%dma_wait3A_158, %dma_wait3A_159] : memref<10240x128xf32, #tpu.memory_space<vmem_shared>> -> memref<10240x128xf32, #tpu.memory_space<vmem_shared>>
        tpu.wait_indirect_dma semaphore(%arg10 : memref<!tpu.dma_semaphore, #tpu.memory_space<semaphore_mem>>) src(%dma_wait3A_154 : memref<64x128xf32, #tpu.memory_space<vmem>>) dst(%dma_wait3A_160 : memref<10240x128xf32, #tpu.memory_space<vmem_shared>>)
        %mul3A_161 = arith.constant 8 : i32
        %mul3A_162 = arith.muli %scan3A_27, %mul3A_161 : i32
        %add3A_163 = arith.constant 1 : i32
        %add3A_164 = arith.addi %mul3A_162, %add3A_163 : i32
        %dma_wait3A_165 = arith.constant 0 : i32
        %dma_wait3A_166 = arith.constant 0 : i32
        %dma_wait3A_167 = arith.constant 0 : i32
        %dma_wait3A_168 = tpu.memref_slice %arg8[%dma_wait3A_165, %dma_wait3A_166, %dma_wait3A_167] : memref<2x64x128xf32, #tpu.memory_space<vmem>> -> memref<1x64x128xf32, #tpu.memory_space<vmem>>
        %dma_wait3A_169 = tpu.memref_squeeze %dma_wait3A_168 : memref<1x64x128xf32, #tpu.memory_space<vmem>> -> memref<64x128xf32, #tpu.memory_space<vmem>>
        %dma_wait3A_170 = arith.constant 0 : i32
        %dma_wait3A_171 = tpu.memref_slice %arg7[%add3A_164, %dma_wait3A_170] : memref<80x64xi32, #tpu.memory_space<vmem>> -> memref<1x64xi32, #tpu.memory_space<vmem>>
        %dma_wait3A_172 = tpu.memref_squeeze %dma_wait3A_171 : memref<1x64xi32, #tpu.memory_space<vmem>> -> memref<64xi32, #tpu.memory_space<vmem>>
        %dma_wait3A_173 = arith.constant 0 : i32
        %dma_wait3A_174 = arith.constant 0 : i32
        %dma_wait3A_175 = tpu.memref_slice %arg9[%dma_wait3A_173, %dma_wait3A_174] : memref<10240x128xf32, #tpu.memory_space<vmem_shared>> -> memref<10240x128xf32, #tpu.memory_space<vmem_shared>>
        tpu.wait_indirect_dma semaphore(%arg10 : memref<!tpu.dma_semaphore, #tpu.memory_space<semaphore_mem>>) src(%dma_wait3A_169 : memref<64x128xf32, #tpu.memory_space<vmem>>) dst(%dma_wait3A_175 : memref<10240x128xf32, #tpu.memory_space<vmem_shared>>)
        %mul3A_176 = arith.constant 8 : i32
        %mul3A_177 = arith.muli %scan3A_27, %mul3A_176 : i32
        %add3A_178 = arith.constant 2 : i32
        %add3A_179 = arith.addi %mul3A_177, %add3A_178 : i32
        %dma_wait3A_180 = arith.constant 0 : i32
        %dma_wait3A_181 = arith.constant 0 : i32
        %dma_wait3A_182 = arith.constant 0 : i32
        %dma_wait3A_183 = tpu.memref_slice %arg8[%dma_wait3A_180, %dma_wait3A_181, %dma_wait3A_182] : memref<2x64x128xf32, #tpu.memory_space<vmem>> -> memref<1x64x128xf32, #tpu.memory_space<vmem>>
        %dma_wait3A_184 = tpu.memref_squeeze %dma_wait3A_183 : memref<1x64x128xf32, #tpu.memory_space<vmem>> -> memref<64x128xf32, #tpu.memory_space<vmem>>
        %dma_wait3A_185 = arith.constant 0 : i32
        %dma_wait3A_186 = tpu.memref_slice %arg7[%add3A_179, %dma_wait3A_185] : memref<80x64xi32, #tpu.memory_space<vmem>> -> memref<1x64xi32, #tpu.memory_space<vmem>>
        %dma_wait3A_187 = tpu.memref_squeeze %dma_wait3A_186 : memref<1x64xi32, #tpu.memory_space<vmem>> -> memref<64xi32, #tpu.memory_space<vmem>>
        %dma_wait3A_188 = arith.constant 0 : i32
        %dma_wait3A_189 = arith.constant 0 : i32
        %dma_wait3A_190 = tpu.memref_slice %arg9[%dma_wait3A_188, %dma_wait3A_189] : memref<10240x128xf32, #tpu.memory_space<vmem_shared>> -> memref<10240x128xf32, #tpu.memory_space<vmem_shared>>
        tpu.wait_indirect_dma semaphore(%arg10 : memref<!tpu.dma_semaphore, #tpu.memory_space<semaphore_mem>>) src(%dma_wait3A_184 : memref<64x128xf32, #tpu.memory_space<vmem>>) dst(%dma_wait3A_190 : memref<10240x128xf32, #tpu.memory_space<vmem_shared>>)
        %mul3A_191 = arith.constant 8 : i32
        %mul3A_192 = arith.muli %scan3A_27, %mul3A_191 : i32
        %add3A_193 = arith.constant 3 : i32
        %add3A_194 = arith.addi %mul3A_192, %add3A_193 : i32
        %dma_wait3A_195 = arith.constant 0 : i32
        %dma_wait3A_196 = arith.constant 0 : i32
        %dma_wait3A_197 = arith.constant 0 : i32
        %dma_wait3A_198 = tpu.memref_slice %arg8[%dma_wait3A_195, %dma_wait3A_196, %dma_wait3A_197] : memref<2x64x128xf32, #tpu.memory_space<vmem>> -> memref<1x64x128xf32, #tpu.memory_space<vmem>>
        %dma_wait3A_199 = tpu.memref_squeeze %dma_wait3A_198 : memref<1x64x128xf32, #tpu.memory_space<vmem>> -> memref<64x128xf32, #tpu.memory_space<vmem>>
        %dma_wait3A_200 = arith.constant 0 : i32
        %dma_wait3A_201 = tpu.memref_slice %arg7[%add3A_194, %dma_wait3A_200] : memref<80x64xi32, #tpu.memory_space<vmem>> -> memref<1x64xi32, #tpu.memory_space<vmem>>
        %dma_wait3A_202 = tpu.memref_squeeze %dma_wait3A_201 : memref<1x64xi32, #tpu.memory_space<vmem>> -> memref<64xi32, #tpu.memory_space<vmem>>
        %dma_wait3A_203 = arith.constant 0 : i32
        %dma_wait3A_204 = arith.constant 0 : i32
        %dma_wait3A_205 = tpu.memref_slice %arg9[%dma_wait3A_203, %dma_wait3A_204] : memref<10240x128xf32, #tpu.memory_space<vmem_shared>> -> memref<10240x128xf32, #tpu.memory_space<vmem_shared>>
        tpu.wait_indirect_dma semaphore(%arg10 : memref<!tpu.dma_semaphore, #tpu.memory_space<semaphore_mem>>) src(%dma_wait3A_199 : memref<64x128xf32, #tpu.memory_space<vmem>>) dst(%dma_wait3A_205 : memref<10240x128xf32, #tpu.memory_space<vmem_shared>>)
        %mul3A_206 = arith.constant 8 : i32
        %mul3A_207 = arith.muli %scan3A_27, %mul3A_206 : i32
        %add3A_208 = arith.constant 4 : i32
        %add3A_209 = arith.addi %mul3A_207, %add3A_208 : i32
        %dma_wait3A_210 = arith.constant 0 : i32
        %dma_wait3A_211 = arith.constant 0 : i32
        %dma_wait3A_212 = arith.constant 0 : i32
        %dma_wait3A_213 = tpu.memref_slice %arg8[%dma_wait3A_210, %dma_wait3A_211, %dma_wait3A_212] : memref<2x64x128xf32, #tpu.memory_space<vmem>> -> memref<1x64x128xf32, #tpu.memory_space<vmem>>
        %dma_wait3A_214 = tpu.memref_squeeze %dma_wait3A_213 : memref<1x64x128xf32, #tpu.memory_space<vmem>> -> memref<64x128xf32, #tpu.memory_space<vmem>>
        %dma_wait3A_215 = arith.constant 0 : i32
        %dma_wait3A_216 = tpu.memref_slice %arg7[%add3A_209, %dma_wait3A_215] : memref<80x64xi32, #tpu.memory_space<vmem>> -> memref<1x64xi32, #tpu.memory_space<vmem>>
        %dma_wait3A_217 = tpu.memref_squeeze %dma_wait3A_216 : memref<1x64xi32, #tpu.memory_space<vmem>> -> memref<64xi32, #tpu.memory_space<vmem>>
        %dma_wait3A_218 = arith.constant 0 : i32
        %dma_wait3A_219 = arith.constant 0 : i32
        %dma_wait3A_220 = tpu.memref_slice %arg9[%dma_wait3A_218, %dma_wait3A_219] : memref<10240x128xf32, #tpu.memory_space<vmem_shared>> -> memref<10240x128xf32, #tpu.memory_space<vmem_shared>>
        tpu.wait_indirect_dma semaphore(%arg10 : memref<!tpu.dma_semaphore, #tpu.memory_space<semaphore_mem>>) src(%dma_wait3A_214 : memref<64x128xf32, #tpu.memory_space<vmem>>) dst(%dma_wait3A_220 : memref<10240x128xf32, #tpu.memory_space<vmem_shared>>)
        %mul3A_221 = arith.constant 8 : i32
        %mul3A_222 = arith.muli %scan3A_27, %mul3A_221 : i32
        %add3A_223 = arith.constant 5 : i32
        %add3A_224 = arith.addi %mul3A_222, %add3A_223 : i32
        %dma_wait3A_225 = arith.constant 0 : i32
        %dma_wait3A_226 = arith.constant 0 : i32
        %dma_wait3A_227 = arith.constant 0 : i32
        %dma_wait3A_228 = tpu.memref_slice %arg8[%dma_wait3A_225, %dma_wait3A_226, %dma_wait3A_227] : memref<2x64x128xf32, #tpu.memory_space<vmem>> -> memref<1x64x128xf32, #tpu.memory_space<vmem>>
        %dma_wait3A_229 = tpu.memref_squeeze %dma_wait3A_228 : memref<1x64x128xf32, #tpu.memory_space<vmem>> -> memref<64x128xf32, #tpu.memory_space<vmem>>
        %dma_wait3A_230 = arith.constant 0 : i32
        %dma_wait3A_231 = tpu.memref_slice %arg7[%add3A_224, %dma_wait3A_230] : memref<80x64xi32, #tpu.memory_space<vmem>> -> memref<1x64xi32, #tpu.memory_space<vmem>>
        %dma_wait3A_232 = tpu.memref_squeeze %dma_wait3A_231 : memref<1x64xi32, #tpu.memory_space<vmem>> -> memref<64xi32, #tpu.memory_space<vmem>>
        %dma_wait3A_233 = arith.constant 0 : i32
        %dma_wait3A_234 = arith.constant 0 : i32
        %dma_wait3A_235 = tpu.memref_slice %arg9[%dma_wait3A_233, %dma_wait3A_234] : memref<10240x128xf32, #tpu.memory_space<vmem_shared>> -> memref<10240x128xf32, #tpu.memory_space<vmem_shared>>
        tpu.wait_indirect_dma semaphore(%arg10 : memref<!tpu.dma_semaphore, #tpu.memory_space<semaphore_mem>>) src(%dma_wait3A_229 : memref<64x128xf32, #tpu.memory_space<vmem>>) dst(%dma_wait3A_235 : memref<10240x128xf32, #tpu.memory_space<vmem_shared>>)
        %mul3A_236 = arith.constant 8 : i32
        %mul3A_237 = arith.muli %scan3A_27, %mul3A_236 : i32
        %add3A_238 = arith.constant 6 : i32
        %add3A_239 = arith.addi %mul3A_237, %add3A_238 : i32
        %dma_wait3A_240 = arith.constant 0 : i32
        %dma_wait3A_241 = arith.constant 0 : i32
        %dma_wait3A_242 = arith.constant 0 : i32
        %dma_wait3A_243 = tpu.memref_slice %arg8[%dma_wait3A_240, %dma_wait3A_241, %dma_wait3A_242] : memref<2x64x128xf32, #tpu.memory_space<vmem>> -> memref<1x64x128xf32, #tpu.memory_space<vmem>>
        %dma_wait3A_244 = tpu.memref_squeeze %dma_wait3A_243 : memref<1x64x128xf32, #tpu.memory_space<vmem>> -> memref<64x128xf32, #tpu.memory_space<vmem>>
        %dma_wait3A_245 = arith.constant 0 : i32
        %dma_wait3A_246 = tpu.memref_slice %arg7[%add3A_239, %dma_wait3A_245] : memref<80x64xi32, #tpu.memory_space<vmem>> -> memref<1x64xi32, #tpu.memory_space<vmem>>
        %dma_wait3A_247 = tpu.memref_squeeze %dma_wait3A_246 : memref<1x64xi32, #tpu.memory_space<vmem>> -> memref<64xi32, #tpu.memory_space<vmem>>
        %dma_wait3A_248 = arith.constant 0 : i32
        %dma_wait3A_249 = arith.constant 0 : i32
        %dma_wait3A_250 = tpu.memref_slice %arg9[%dma_wait3A_248, %dma_wait3A_249] : memref<10240x128xf32, #tpu.memory_space<vmem_shared>> -> memref<10240x128xf32, #tpu.memory_space<vmem_shared>>
        tpu.wait_indirect_dma semaphore(%arg10 : memref<!tpu.dma_semaphore, #tpu.memory_space<semaphore_mem>>) src(%dma_wait3A_244 : memref<64x128xf32, #tpu.memory_space<vmem>>) dst(%dma_wait3A_250 : memref<10240x128xf32, #tpu.memory_space<vmem_shared>>)
        %mul3A_251 = arith.constant 8 : i32
        %mul3A_252 = arith.muli %scan3A_27, %mul3A_251 : i32
        %add3A_253 = arith.constant 7 : i32
        %add3A_254 = arith.addi %mul3A_252, %add3A_253 : i32
        %dma_wait3A_255 = arith.constant 0 : i32
        %dma_wait3A_256 = arith.constant 0 : i32
        %dma_wait3A_257 = arith.constant 0 : i32
        %dma_wait3A_258 = tpu.memref_slice %arg8[%dma_wait3A_255, %dma_wait3A_256, %dma_wait3A_257] : memref<2x64x128xf32, #tpu.memory_space<vmem>> -> memref<1x64x128xf32, #tpu.memory_space<vmem>>
        %dma_wait3A_259 = tpu.memref_squeeze %dma_wait3A_258 : memref<1x64x128xf32, #tpu.memory_space<vmem>> -> memref<64x128xf32, #tpu.memory_space<vmem>>
        %dma_wait3A_260 = arith.constant 0 : i32
        %dma_wait3A_261 = tpu.memref_slice %arg7[%add3A_254, %dma_wait3A_260] : memref<80x64xi32, #tpu.memory_space<vmem>> -> memref<1x64xi32, #tpu.memory_space<vmem>>
        %dma_wait3A_262 = tpu.memref_squeeze %dma_wait3A_261 : memref<1x64xi32, #tpu.memory_space<vmem>> -> memref<64xi32, #tpu.memory_space<vmem>>
        %dma_wait3A_263 = arith.constant 0 : i32
        %dma_wait3A_264 = arith.constant 0 : i32
        %dma_wait3A_265 = tpu.memref_slice %arg9[%dma_wait3A_263, %dma_wait3A_264] : memref<10240x128xf32, #tpu.memory_space<vmem_shared>> -> memref<10240x128xf32, #tpu.memory_space<vmem_shared>>
        tpu.wait_indirect_dma semaphore(%arg10 : memref<!tpu.dma_semaphore, #tpu.memory_space<semaphore_mem>>) src(%dma_wait3A_259 : memref<64x128xf32, #tpu.memory_space<vmem>>) dst(%dma_wait3A_265 : memref<10240x128xf32, #tpu.memory_space<vmem_shared>>)
      }
      %scan3A_26 = arith.constant 10 : i32
    }
    %scan3A_7 = arith.constant 2 : i32
    %barrier3A_8 = arith.constant 0 : index
    tpu.barrier barrier_id(%barrier3A_8)
    %mul3A_9 = arith.constant 640 : i32
    %mul3A_10 = arith.muli %arg1, %mul3A_9 : i32
    %mul3A_11 = arith.constant 640 : i32
    %mul3A_12 = arith.muli %arg1, %mul3A_11 : i32
    "tpu.region"() ({
      %run_scoped3A_13 = tpu.sem_alloc : memref<!tpu.dma_semaphore, #tpu.memory_space<semaphore_mem>>
      %dma_start3A = arith.constant 0 : i32
      %dma_start3A_14 = tpu.memref_slice %arg5[%arg0, %mul3A_12, %dma_start3A] : memref<2x10240x128xf32, #tpu.memory_space<hbm>> -> memref<1x640x128xf32, #tpu.memory_space<hbm>>
      %dma_start3A_15 = tpu.memref_squeeze %dma_start3A_14 : memref<1x640x128xf32, #tpu.memory_space<hbm>> -> memref<640x128xf32, #tpu.memory_space<hbm>>
      %dma_start3A_16 = arith.constant 0 : i32
      %dma_start3A_17 = tpu.memref_slice %arg9[%mul3A_10, %dma_start3A_16] : memref<10240x128xf32, #tpu.memory_space<vmem_shared>> -> memref<640x128xf32, #tpu.memory_space<vmem_shared>>
      tpu.enqueue_dma source(%dma_start3A_17 : memref<640x128xf32, #tpu.memory_space<vmem_shared>>) target(%dma_start3A_15 : memref<640x128xf32, #tpu.memory_space<hbm>>) target_semaphore(%run_scoped3A_13 : memref<!tpu.dma_semaphore, #tpu.memory_space<semaphore_mem>>)
      %dma_wait3A = arith.constant 0 : i32
      %dma_wait3A_18 = tpu.memref_slice %arg5[%arg0, %mul3A_12, %dma_wait3A] : memref<2x10240x128xf32, #tpu.memory_space<hbm>> -> memref<1x640x128xf32, #tpu.memory_space<hbm>>
      %dma_wait3A_19 = tpu.memref_squeeze %dma_wait3A_18 : memref<1x640x128xf32, #tpu.memory_space<hbm>> -> memref<640x128xf32, #tpu.memory_space<hbm>>
      %dma_wait3A_20 = arith.constant 0 : i32
      %dma_wait3A_21 = tpu.memref_slice %arg9[%mul3A_10, %dma_wait3A_20] : memref<10240x128xf32, #tpu.memory_space<vmem_shared>> -> memref<640x128xf32, #tpu.memory_space<vmem_shared>>
      tpu.wait_dma2 semaphore(%run_scoped3A_13 : memref<!tpu.dma_semaphore, #tpu.memory_space<semaphore_mem>>) src(%dma_wait3A_21 : memref<640x128xf32, #tpu.memory_space<vmem_shared>>) dst(%dma_wait3A_19 : memref<640x128xf32, #tpu.memory_space<hbm>>)
      tpu.yield
    }) : () -> ()
    return
  }
}

#map = affine_map<(d0, d1) -> (0, 0)>
#map1 = affine_map<(d0, d1) -> (0, 0, 0)>
module attributes {stable_mosaic.version = 14 : i64} {
  func.func @_aggregate(%arg0: i32, %arg1: i32, %arg2: memref<10000x128xf32, #tpu.memory_space<hbm>>, %arg3: memref<5120x64xi32, #tpu.memory_space<hbm>>, %arg4: memref<5120x64xi32, #tpu.memory_space<hbm>>, %arg5: memref<10240x128xf32, #tpu.memory_space<hbm>>, %arg6: memref<2x10240x128xf32, #tpu.memory_space<hbm>>, %arg7: memref<80x64xi32, #tpu.memory_space<vmem>>, %arg8: memref<80x64xi32, #tpu.memory_space<vmem>>, %arg9: memref<2x64x128xf32, #tpu.memory_space<vmem>>, %arg10: memref<10240x128xf32, #tpu.memory_space<vmem_shared>>, %arg11: memref<!tpu.dma_semaphore, #tpu.memory_space<semaphore_mem>>, %arg12: memref<!tpu.dma_semaphore, #tpu.memory_space<semaphore_mem>>, %arg13: memref<!tpu.dma_semaphore, #tpu.memory_space<semaphore_mem>>, %arg14: memref<!tpu.dma_semaphore, #tpu.memory_space<semaphore_mem>>) attributes {dimension_semantics = [#tpu.dimension_semantics<core_parallel>, #tpu.dimension_semantics<subcore_parallel>], iteration_bounds = array<i64: 2, 16>, scalar_prefetch = 0 : i64, scratch_operands = 8 : i64, tpu.core_type = #tpu.core_type<sc_vector_subcore>, window_params = [{transform_indices = #map}, {transform_indices = #map}, {transform_indices = #map}, {transform_indices = #map}, {transform_indices = #map1}]} {
    %mul3A = arith.constant 640 : i32
    %mul3A_0 = arith.muli %arg1, %mul3A : i32
    %mul3A_1 = arith.constant 640 : i32
    %mul3A_2 = arith.muli %arg1, %mul3A_1 : i32
    "tpu.region"() ({
      %run_scoped3A = tpu.sem_alloc : memref<!tpu.dma_semaphore, #tpu.memory_space<semaphore_mem>>
      %dma_start3A = arith.constant 0 : i32
      %dma_start3A_13 = tpu.memref_slice %arg10[%mul3A_2, %dma_start3A] : memref<10240x128xf32, #tpu.memory_space<vmem_shared>> -> memref<640x128xf32, #tpu.memory_space<vmem_shared>>
      %dma_start3A_14 = arith.constant 0 : i32
      %dma_start3A_15 = tpu.memref_slice %arg5[%mul3A_0, %dma_start3A_14] : memref<10240x128xf32, #tpu.memory_space<hbm>> -> memref<640x128xf32, #tpu.memory_space<hbm>>
      tpu.enqueue_dma source(%dma_start3A_15 : memref<640x128xf32, #tpu.memory_space<hbm>>) target(%dma_start3A_13 : memref<640x128xf32, #tpu.memory_space<vmem_shared>>) target_semaphore(%run_scoped3A : memref<!tpu.dma_semaphore, #tpu.memory_space<semaphore_mem>>)
      %dma_wait3A = arith.constant 0 : i32
      %dma_wait3A_16 = tpu.memref_slice %arg10[%mul3A_2, %dma_wait3A] : memref<10240x128xf32, #tpu.memory_space<vmem_shared>> -> memref<640x128xf32, #tpu.memory_space<vmem_shared>>
      %dma_wait3A_17 = arith.constant 0 : i32
      %dma_wait3A_18 = tpu.memref_slice %arg5[%mul3A_0, %dma_wait3A_17] : memref<10240x128xf32, #tpu.memory_space<hbm>> -> memref<640x128xf32, #tpu.memory_space<hbm>>
      tpu.wait_dma2 semaphore(%run_scoped3A : memref<!tpu.dma_semaphore, #tpu.memory_space<semaphore_mem>>) src(%dma_wait3A_18 : memref<640x128xf32, #tpu.memory_space<hbm>>) dst(%dma_wait3A_16 : memref<640x128xf32, #tpu.memory_space<vmem_shared>>)
      tpu.yield
    }) : () -> ()
    %barrier3A = arith.constant 0 : index
    tpu.barrier barrier_id(%barrier3A)
    %scan3A = arith.constant 0 : i32
    %scan3A_3 = arith.constant 0 : i32
    %scan3A_4 = arith.constant 2 : i32
    %scan3A_5 = arith.addi %scan3A_3, %scan3A_4 : i32
    %scan3A_6 = arith.constant 1 : i32
    scf.for %scan3A_13 = %scan3A_3 to %scan3A_5 step %scan3A_6  : i32 {
      %mul3A_14 = arith.constant 2 : i32
      %mul3A_15 = arith.muli %arg1, %mul3A_14 : i32
      %add3A = arith.addi %mul3A_15, %scan3A_13 : i32
      %mul3A_16 = arith.constant 2 : i32
      %mul3A_17 = arith.muli %add3A, %mul3A_16 : i32
      %add3A_18 = arith.addi %mul3A_17, %arg0 : i32
      %mul3A_19 = arith.constant 80 : i32
      %mul3A_20 = arith.muli %add3A_18, %mul3A_19 : i32
      %multiple_of3A = tpu.assume_multiple %mul3A_20, 8 : i32
      "tpu.region"() ({
        %run_scoped3A = tpu.sem_alloc : memref<!tpu.dma_semaphore, #tpu.memory_space<semaphore_mem>>
        %dma_start3A_61 = arith.constant 0 : i32
        %dma_start3A_62 = tpu.memref_slice %arg3[%multiple_of3A, %dma_start3A_61] : memref<5120x64xi32, #tpu.memory_space<hbm>> -> memref<80x64xi32, #tpu.memory_space<hbm>>
        %dma_start3A_63 = arith.constant 0 : i32
        %dma_start3A_64 = tpu.memref_slice %arg3[%multiple_of3A, %dma_start3A_63] : memref<5120x64xi32, #tpu.memory_space<hbm>> -> memref<80x64xi32, #tpu.memory_space<hbm>>
        tpu.enqueue_dma source(%dma_start3A_64 : memref<80x64xi32, #tpu.memory_space<hbm>>) target(%arg7 : memref<80x64xi32, #tpu.memory_space<vmem>>) target_semaphore(%run_scoped3A : memref<!tpu.dma_semaphore, #tpu.memory_space<semaphore_mem>>)
        %dma_wait3A_65 = arith.constant 0 : i32
        %dma_wait3A_66 = tpu.memref_slice %arg3[%multiple_of3A, %dma_wait3A_65] : memref<5120x64xi32, #tpu.memory_space<hbm>> -> memref<80x64xi32, #tpu.memory_space<hbm>>
        %dma_wait3A_67 = arith.constant 0 : i32
        %dma_wait3A_68 = tpu.memref_slice %arg3[%multiple_of3A, %dma_wait3A_67] : memref<5120x64xi32, #tpu.memory_space<hbm>> -> memref<80x64xi32, #tpu.memory_space<hbm>>
        tpu.wait_dma2 semaphore(%run_scoped3A : memref<!tpu.dma_semaphore, #tpu.memory_space<semaphore_mem>>) src(%dma_wait3A_68 : memref<80x64xi32, #tpu.memory_space<hbm>>) dst(%arg7 : memref<80x64xi32, #tpu.memory_space<vmem>>)
        tpu.yield
      }) : () -> ()
      "tpu.region"() ({
        %run_scoped3A = tpu.sem_alloc : memref<!tpu.dma_semaphore, #tpu.memory_space<semaphore_mem>>
        %dma_start3A_61 = arith.constant 0 : i32
        %dma_start3A_62 = tpu.memref_slice %arg4[%multiple_of3A, %dma_start3A_61] : memref<5120x64xi32, #tpu.memory_space<hbm>> -> memref<80x64xi32, #tpu.memory_space<hbm>>
        %dma_start3A_63 = arith.constant 0 : i32
        %dma_start3A_64 = tpu.memref_slice %arg4[%multiple_of3A, %dma_start3A_63] : memref<5120x64xi32, #tpu.memory_space<hbm>> -> memref<80x64xi32, #tpu.memory_space<hbm>>
        tpu.enqueue_dma source(%dma_start3A_64 : memref<80x64xi32, #tpu.memory_space<hbm>>) target(%arg8 : memref<80x64xi32, #tpu.memory_space<vmem>>) target_semaphore(%run_scoped3A : memref<!tpu.dma_semaphore, #tpu.memory_space<semaphore_mem>>)
        %dma_wait3A_65 = arith.constant 0 : i32
        %dma_wait3A_66 = tpu.memref_slice %arg4[%multiple_of3A, %dma_wait3A_65] : memref<5120x64xi32, #tpu.memory_space<hbm>> -> memref<80x64xi32, #tpu.memory_space<hbm>>
        %dma_wait3A_67 = arith.constant 0 : i32
        %dma_wait3A_68 = tpu.memref_slice %arg4[%multiple_of3A, %dma_wait3A_67] : memref<5120x64xi32, #tpu.memory_space<hbm>> -> memref<80x64xi32, #tpu.memory_space<hbm>>
        tpu.wait_dma2 semaphore(%run_scoped3A : memref<!tpu.dma_semaphore, #tpu.memory_space<semaphore_mem>>) src(%dma_wait3A_68 : memref<80x64xi32, #tpu.memory_space<hbm>>) dst(%arg8 : memref<80x64xi32, #tpu.memory_space<vmem>>)
        tpu.yield
      }) : () -> ()
      %dma_start3A = arith.constant 0 : i32
      %dma_start3A_21 = arith.constant 0 : i32
      %dma_start3A_22 = arith.constant 0 : i32
      %dma_start3A_23 = arith.constant 0 : i32
      %dma_start3A_24 = tpu.memref_slice %arg9[%dma_start3A_21, %dma_start3A_22, %dma_start3A_23] : memref<2x64x128xf32, #tpu.memory_space<vmem>> -> memref<1x64x128xf32, #tpu.memory_space<vmem>>
      %dma_start3A_25 = tpu.memref_squeeze %dma_start3A_24 : memref<1x64x128xf32, #tpu.memory_space<vmem>> -> memref<64x128xf32, #tpu.memory_space<vmem>>
      %dma_start3A_26 = arith.constant 0 : i32
      %dma_start3A_27 = tpu.memref_slice %arg7[%dma_start3A, %dma_start3A_26] : memref<80x64xi32, #tpu.memory_space<vmem>> -> memref<1x64xi32, #tpu.memory_space<vmem>>
      %dma_start3A_28 = tpu.memref_squeeze %dma_start3A_27 : memref<1x64xi32, #tpu.memory_space<vmem>> -> memref<64xi32, #tpu.memory_space<vmem>>
      %dma_start3A_29 = arith.constant 0 : i32
      %dma_start3A_30 = arith.constant 0 : i32
      %dma_start3A_31 = tpu.memref_slice %arg2[%dma_start3A_29, %dma_start3A_30] : memref<10000x128xf32, #tpu.memory_space<hbm>> -> memref<10000x128xf32, #tpu.memory_space<hbm>>
      tpu.enqueue_indirect_dma source(%dma_start3A_31 : memref<10000x128xf32, #tpu.memory_space<hbm>>) target(%dma_start3A_25 : memref<64x128xf32, #tpu.memory_space<vmem>>) offsets(%dma_start3A_28 : memref<64xi32, #tpu.memory_space<vmem>>) semaphore(%arg11 : memref<!tpu.dma_semaphore, #tpu.memory_space<semaphore_mem>>)
      %dma_start3A_32 = arith.constant 1 : i32
      %dma_start3A_33 = arith.constant 1 : i32
      %dma_start3A_34 = arith.constant 0 : i32
      %dma_start3A_35 = arith.constant 0 : i32
      %dma_start3A_36 = tpu.memref_slice %arg9[%dma_start3A_33, %dma_start3A_34, %dma_start3A_35] : memref<2x64x128xf32, #tpu.memory_space<vmem>> -> memref<1x64x128xf32, #tpu.memory_space<vmem>>
      %dma_start3A_37 = tpu.memref_squeeze %dma_start3A_36 : memref<1x64x128xf32, #tpu.memory_space<vmem>> -> memref<64x128xf32, #tpu.memory_space<vmem>>
      %dma_start3A_38 = arith.constant 0 : i32
      %dma_start3A_39 = tpu.memref_slice %arg7[%dma_start3A_32, %dma_start3A_38] : memref<80x64xi32, #tpu.memory_space<vmem>> -> memref<1x64xi32, #tpu.memory_space<vmem>>
      %dma_start3A_40 = tpu.memref_squeeze %dma_start3A_39 : memref<1x64xi32, #tpu.memory_space<vmem>> -> memref<64xi32, #tpu.memory_space<vmem>>
      %dma_start3A_41 = arith.constant 0 : i32
      %dma_start3A_42 = arith.constant 0 : i32
      %dma_start3A_43 = tpu.memref_slice %arg2[%dma_start3A_41, %dma_start3A_42] : memref<10000x128xf32, #tpu.memory_space<hbm>> -> memref<10000x128xf32, #tpu.memory_space<hbm>>
      tpu.enqueue_indirect_dma source(%dma_start3A_43 : memref<10000x128xf32, #tpu.memory_space<hbm>>) target(%dma_start3A_37 : memref<64x128xf32, #tpu.memory_space<vmem>>) offsets(%dma_start3A_40 : memref<64xi32, #tpu.memory_space<vmem>>) semaphore(%arg12 : memref<!tpu.dma_semaphore, #tpu.memory_space<semaphore_mem>>)
      %scan3A_44 = arith.constant 0 : i32
      %scan3A_45 = arith.constant 0 : i32
      %scan3A_46 = arith.constant 40 : i32
      %scan3A_47 = arith.addi %scan3A_45, %scan3A_46 : i32
      %scan3A_48 = arith.constant 1 : i32
      scf.for %scan3A_61 = %scan3A_45 to %scan3A_47 step %scan3A_48  : i32 {
        %mul3A_62 = arith.constant 2 : i32
        %mul3A_63 = arith.muli %scan3A_61, %mul3A_62 : i32
        %add3A_64 = arith.constant 0 : i32
        %add3A_65 = arith.addi %mul3A_63, %add3A_64 : i32
        %gt3A = arith.constant 0 : i32
        %gt3A_66 = arith.cmpi sgt, %scan3A_61, %gt3A : i32
        %convert_element_type3A = arith.extui %gt3A_66 : i1 to i32
        %cond3A = arith.constant 0 : i32
        %cond3A_67 = arith.cmpi ne, %convert_element_type3A, %cond3A : i32
        scf.if %cond3A_67 {
          %dma_wait3A_137 = arith.constant 1 : i32
          %dma_wait3A_138 = arith.constant 0 : i32
          %dma_wait3A_139 = arith.constant 0 : i32
          %dma_wait3A_140 = arith.constant 0 : i32
          %dma_wait3A_141 = tpu.memref_slice %arg9[%dma_wait3A_137, %dma_wait3A_139, %dma_wait3A_140] : memref<2x64x128xf32, #tpu.memory_space<vmem>> -> memref<1x64x128xf32, #tpu.memory_space<vmem>>
          %dma_wait3A_142 = tpu.memref_squeeze %dma_wait3A_141 : memref<1x64x128xf32, #tpu.memory_space<vmem>> -> memref<64x128xf32, #tpu.memory_space<vmem>>
          %dma_wait3A_143 = arith.constant 0 : i32
          %dma_wait3A_144 = tpu.memref_slice %arg8[%dma_wait3A_138, %dma_wait3A_143] : memref<80x64xi32, #tpu.memory_space<vmem>> -> memref<1x64xi32, #tpu.memory_space<vmem>>
          %dma_wait3A_145 = tpu.memref_squeeze %dma_wait3A_144 : memref<1x64xi32, #tpu.memory_space<vmem>> -> memref<64xi32, #tpu.memory_space<vmem>>
          %dma_wait3A_146 = arith.constant 0 : i32
          %dma_wait3A_147 = arith.constant 0 : i32
          %dma_wait3A_148 = tpu.memref_slice %arg10[%dma_wait3A_146, %dma_wait3A_147] : memref<10240x128xf32, #tpu.memory_space<vmem_shared>> -> memref<10240x128xf32, #tpu.memory_space<vmem_shared>>
          tpu.wait_indirect_dma semaphore(%arg14 : memref<!tpu.dma_semaphore, #tpu.memory_space<semaphore_mem>>) src(%dma_wait3A_142 : memref<64x128xf32, #tpu.memory_space<vmem>>) dst(%dma_wait3A_148 : memref<10240x128xf32, #tpu.memory_space<vmem_shared>>)
          %add3A_149 = arith.constant 2 : i32
          %add3A_150 = arith.addi %add3A_65, %add3A_149 : i32
          %sub3A_151 = arith.constant 1 : i32
          %sub3A_152 = arith.subi %add3A_150, %sub3A_151 : i32
          %lt3A_153 = arith.constant 80 : i32
          %lt3A_154 = arith.cmpi slt, %sub3A_152, %lt3A_153 : i32
          %convert_element_type3A_155 = arith.extui %lt3A_154 : i1 to i32
          %cond3A_156 = arith.constant 0 : i32
          %cond3A_157 = arith.cmpi ne, %convert_element_type3A_155, %cond3A_156 : i32
          scf.if %cond3A_157 {
            %add3A_158 = arith.constant 2 : i32
            %add3A_159 = arith.addi %add3A_65, %add3A_158 : i32
            %sub3A_160 = arith.constant 1 : i32
            %sub3A_161 = arith.subi %add3A_159, %sub3A_160 : i32
            %dma_start3A_162 = arith.constant 1 : i32
            %dma_start3A_163 = arith.constant 0 : i32
            %dma_start3A_164 = arith.constant 0 : i32
            %dma_start3A_165 = tpu.memref_slice %arg9[%dma_start3A_162, %dma_start3A_163, %dma_start3A_164] : memref<2x64x128xf32, #tpu.memory_space<vmem>> -> memref<1x64x128xf32, #tpu.memory_space<vmem>>
            %dma_start3A_166 = tpu.memref_squeeze %dma_start3A_165 : memref<1x64x128xf32, #tpu.memory_space<vmem>> -> memref<64x128xf32, #tpu.memory_space<vmem>>
            %dma_start3A_167 = arith.constant 0 : i32
            %dma_start3A_168 = tpu.memref_slice %arg7[%sub3A_161, %dma_start3A_167] : memref<80x64xi32, #tpu.memory_space<vmem>> -> memref<1x64xi32, #tpu.memory_space<vmem>>
            %dma_start3A_169 = tpu.memref_squeeze %dma_start3A_168 : memref<1x64xi32, #tpu.memory_space<vmem>> -> memref<64xi32, #tpu.memory_space<vmem>>
            %dma_start3A_170 = arith.constant 0 : i32
            %dma_start3A_171 = arith.constant 0 : i32
            %dma_start3A_172 = tpu.memref_slice %arg2[%dma_start3A_170, %dma_start3A_171] : memref<10000x128xf32, #tpu.memory_space<hbm>> -> memref<10000x128xf32, #tpu.memory_space<hbm>>
            tpu.enqueue_indirect_dma source(%dma_start3A_172 : memref<10000x128xf32, #tpu.memory_space<hbm>>) target(%dma_start3A_166 : memref<64x128xf32, #tpu.memory_space<vmem>>) offsets(%dma_start3A_169 : memref<64xi32, #tpu.memory_space<vmem>>) semaphore(%arg12 : memref<!tpu.dma_semaphore, #tpu.memory_space<semaphore_mem>>)
          } else {
          }
        } else {
        }
        %dma_wait3A_68 = arith.constant 0 : i32
        %dma_wait3A_69 = arith.constant 0 : i32
        %dma_wait3A_70 = arith.constant 0 : i32
        %dma_wait3A_71 = arith.constant 0 : i32
        %dma_wait3A_72 = tpu.memref_slice %arg9[%dma_wait3A_69, %dma_wait3A_70, %dma_wait3A_71] : memref<2x64x128xf32, #tpu.memory_space<vmem>> -> memref<1x64x128xf32, #tpu.memory_space<vmem>>
        %dma_wait3A_73 = tpu.memref_squeeze %dma_wait3A_72 : memref<1x64x128xf32, #tpu.memory_space<vmem>> -> memref<64x128xf32, #tpu.memory_space<vmem>>
        %dma_wait3A_74 = arith.constant 0 : i32
        %dma_wait3A_75 = tpu.memref_slice %arg7[%dma_wait3A_68, %dma_wait3A_74] : memref<80x64xi32, #tpu.memory_space<vmem>> -> memref<1x64xi32, #tpu.memory_space<vmem>>
        %dma_wait3A_76 = tpu.memref_squeeze %dma_wait3A_75 : memref<1x64xi32, #tpu.memory_space<vmem>> -> memref<64xi32, #tpu.memory_space<vmem>>
        %dma_wait3A_77 = arith.constant 0 : i32
        %dma_wait3A_78 = arith.constant 0 : i32
        %dma_wait3A_79 = tpu.memref_slice %arg2[%dma_wait3A_77, %dma_wait3A_78] : memref<10000x128xf32, #tpu.memory_space<hbm>> -> memref<10000x128xf32, #tpu.memory_space<hbm>>
        tpu.wait_indirect_dma semaphore(%arg11 : memref<!tpu.dma_semaphore, #tpu.memory_space<semaphore_mem>>) src(%dma_wait3A_79 : memref<10000x128xf32, #tpu.memory_space<hbm>>) dst(%dma_wait3A_73 : memref<64x128xf32, #tpu.memory_space<vmem>>)
        %dma_start3A_80 = arith.constant 0 : i32
        %dma_start3A_81 = arith.constant 0 : i32
        %dma_start3A_82 = arith.constant 0 : i32
        %dma_start3A_83 = tpu.memref_slice %arg9[%dma_start3A_80, %dma_start3A_81, %dma_start3A_82] : memref<2x64x128xf32, #tpu.memory_space<vmem>> -> memref<1x64x128xf32, #tpu.memory_space<vmem>>
        %dma_start3A_84 = tpu.memref_squeeze %dma_start3A_83 : memref<1x64x128xf32, #tpu.memory_space<vmem>> -> memref<64x128xf32, #tpu.memory_space<vmem>>
        %dma_start3A_85 = arith.constant 0 : i32
        %dma_start3A_86 = tpu.memref_slice %arg8[%add3A_65, %dma_start3A_85] : memref<80x64xi32, #tpu.memory_space<vmem>> -> memref<1x64xi32, #tpu.memory_space<vmem>>
        %dma_start3A_87 = tpu.memref_squeeze %dma_start3A_86 : memref<1x64xi32, #tpu.memory_space<vmem>> -> memref<64xi32, #tpu.memory_space<vmem>>
        %dma_start3A_88 = arith.constant 0 : i32
        %dma_start3A_89 = arith.constant 0 : i32
        %dma_start3A_90 = tpu.memref_slice %arg10[%dma_start3A_88, %dma_start3A_89] : memref<10240x128xf32, #tpu.memory_space<vmem_shared>> -> memref<10240x128xf32, #tpu.memory_space<vmem_shared>>
        tpu.enqueue_indirect_dma source(%dma_start3A_84 : memref<64x128xf32, #tpu.memory_space<vmem>>) target(%dma_start3A_90 : memref<10240x128xf32, #tpu.memory_space<vmem_shared>>) offsets(%dma_start3A_87 : memref<64xi32, #tpu.memory_space<vmem>>) semaphore(%arg13 : memref<!tpu.dma_semaphore, #tpu.memory_space<semaphore_mem>>) {add = true}
        %mul3A_91 = arith.constant 2 : i32
        %mul3A_92 = arith.muli %scan3A_61, %mul3A_91 : i32
        %add3A_93 = arith.constant 1 : i32
        %add3A_94 = arith.addi %mul3A_92, %add3A_93 : i32
        %dma_wait3A_95 = arith.constant 0 : i32
        %dma_wait3A_96 = arith.constant 0 : i32
        %dma_wait3A_97 = arith.constant 0 : i32
        %dma_wait3A_98 = arith.constant 0 : i32
        %dma_wait3A_99 = tpu.memref_slice %arg9[%dma_wait3A_95, %dma_wait3A_97, %dma_wait3A_98] : memref<2x64x128xf32, #tpu.memory_space<vmem>> -> memref<1x64x128xf32, #tpu.memory_space<vmem>>
        %dma_wait3A_100 = tpu.memref_squeeze %dma_wait3A_99 : memref<1x64x128xf32, #tpu.memory_space<vmem>> -> memref<64x128xf32, #tpu.memory_space<vmem>>
        %dma_wait3A_101 = arith.constant 0 : i32
        %dma_wait3A_102 = tpu.memref_slice %arg8[%dma_wait3A_96, %dma_wait3A_101] : memref<80x64xi32, #tpu.memory_space<vmem>> -> memref<1x64xi32, #tpu.memory_space<vmem>>
        %dma_wait3A_103 = tpu.memref_squeeze %dma_wait3A_102 : memref<1x64xi32, #tpu.memory_space<vmem>> -> memref<64xi32, #tpu.memory_space<vmem>>
        %dma_wait3A_104 = arith.constant 0 : i32
        %dma_wait3A_105 = arith.constant 0 : i32
        %dma_wait3A_106 = tpu.memref_slice %arg10[%dma_wait3A_104, %dma_wait3A_105] : memref<10240x128xf32, #tpu.memory_space<vmem_shared>> -> memref<10240x128xf32, #tpu.memory_space<vmem_shared>>
        tpu.wait_indirect_dma semaphore(%arg13 : memref<!tpu.dma_semaphore, #tpu.memory_space<semaphore_mem>>) src(%dma_wait3A_100 : memref<64x128xf32, #tpu.memory_space<vmem>>) dst(%dma_wait3A_106 : memref<10240x128xf32, #tpu.memory_space<vmem_shared>>)
        %add3A_107 = arith.constant 2 : i32
        %add3A_108 = arith.addi %add3A_94, %add3A_107 : i32
        %sub3A = arith.constant 1 : i32
        %sub3A_109 = arith.subi %add3A_108, %sub3A : i32
        %lt3A = arith.constant 80 : i32
        %lt3A_110 = arith.cmpi slt, %sub3A_109, %lt3A : i32
        %convert_element_type3A_111 = arith.extui %lt3A_110 : i1 to i32
        %cond3A_112 = arith.constant 0 : i32
        %cond3A_113 = arith.cmpi ne, %convert_element_type3A_111, %cond3A_112 : i32
        scf.if %cond3A_113 {
          %add3A_137 = arith.constant 2 : i32
          %add3A_138 = arith.addi %add3A_94, %add3A_137 : i32
          %sub3A_139 = arith.constant 1 : i32
          %sub3A_140 = arith.subi %add3A_138, %sub3A_139 : i32
          %dma_start3A_141 = arith.constant 0 : i32
          %dma_start3A_142 = arith.constant 0 : i32
          %dma_start3A_143 = arith.constant 0 : i32
          %dma_start3A_144 = tpu.memref_slice %arg9[%dma_start3A_141, %dma_start3A_142, %dma_start3A_143] : memref<2x64x128xf32, #tpu.memory_space<vmem>> -> memref<1x64x128xf32, #tpu.memory_space<vmem>>
          %dma_start3A_145 = tpu.memref_squeeze %dma_start3A_144 : memref<1x64x128xf32, #tpu.memory_space<vmem>> -> memref<64x128xf32, #tpu.memory_space<vmem>>
          %dma_start3A_146 = arith.constant 0 : i32
          %dma_start3A_147 = tpu.memref_slice %arg7[%sub3A_140, %dma_start3A_146] : memref<80x64xi32, #tpu.memory_space<vmem>> -> memref<1x64xi32, #tpu.memory_space<vmem>>
          %dma_start3A_148 = tpu.memref_squeeze %dma_start3A_147 : memref<1x64xi32, #tpu.memory_space<vmem>> -> memref<64xi32, #tpu.memory_space<vmem>>
          %dma_start3A_149 = arith.constant 0 : i32
          %dma_start3A_150 = arith.constant 0 : i32
          %dma_start3A_151 = tpu.memref_slice %arg2[%dma_start3A_149, %dma_start3A_150] : memref<10000x128xf32, #tpu.memory_space<hbm>> -> memref<10000x128xf32, #tpu.memory_space<hbm>>
          tpu.enqueue_indirect_dma source(%dma_start3A_151 : memref<10000x128xf32, #tpu.memory_space<hbm>>) target(%dma_start3A_145 : memref<64x128xf32, #tpu.memory_space<vmem>>) offsets(%dma_start3A_148 : memref<64xi32, #tpu.memory_space<vmem>>) semaphore(%arg11 : memref<!tpu.dma_semaphore, #tpu.memory_space<semaphore_mem>>)
        } else {
        }
        %dma_wait3A_114 = arith.constant 0 : i32
        %dma_wait3A_115 = arith.constant 1 : i32
        %dma_wait3A_116 = arith.constant 0 : i32
        %dma_wait3A_117 = arith.constant 0 : i32
        %dma_wait3A_118 = tpu.memref_slice %arg9[%dma_wait3A_115, %dma_wait3A_116, %dma_wait3A_117] : memref<2x64x128xf32, #tpu.memory_space<vmem>> -> memref<1x64x128xf32, #tpu.memory_space<vmem>>
        %dma_wait3A_119 = tpu.memref_squeeze %dma_wait3A_118 : memref<1x64x128xf32, #tpu.memory_space<vmem>> -> memref<64x128xf32, #tpu.memory_space<vmem>>
        %dma_wait3A_120 = arith.constant 0 : i32
        %dma_wait3A_121 = tpu.memref_slice %arg7[%dma_wait3A_114, %dma_wait3A_120] : memref<80x64xi32, #tpu.memory_space<vmem>> -> memref<1x64xi32, #tpu.memory_space<vmem>>
        %dma_wait3A_122 = tpu.memref_squeeze %dma_wait3A_121 : memref<1x64xi32, #tpu.memory_space<vmem>> -> memref<64xi32, #tpu.memory_space<vmem>>
        %dma_wait3A_123 = arith.constant 0 : i32
        %dma_wait3A_124 = arith.constant 0 : i32
        %dma_wait3A_125 = tpu.memref_slice %arg2[%dma_wait3A_123, %dma_wait3A_124] : memref<10000x128xf32, #tpu.memory_space<hbm>> -> memref<10000x128xf32, #tpu.memory_space<hbm>>
        tpu.wait_indirect_dma semaphore(%arg12 : memref<!tpu.dma_semaphore, #tpu.memory_space<semaphore_mem>>) src(%dma_wait3A_125 : memref<10000x128xf32, #tpu.memory_space<hbm>>) dst(%dma_wait3A_119 : memref<64x128xf32, #tpu.memory_space<vmem>>)
        %dma_start3A_126 = arith.constant 1 : i32
        %dma_start3A_127 = arith.constant 0 : i32
        %dma_start3A_128 = arith.constant 0 : i32
        %dma_start3A_129 = tpu.memref_slice %arg9[%dma_start3A_126, %dma_start3A_127, %dma_start3A_128] : memref<2x64x128xf32, #tpu.memory_space<vmem>> -> memref<1x64x128xf32, #tpu.memory_space<vmem>>
        %dma_start3A_130 = tpu.memref_squeeze %dma_start3A_129 : memref<1x64x128xf32, #tpu.memory_space<vmem>> -> memref<64x128xf32, #tpu.memory_space<vmem>>
        %dma_start3A_131 = arith.constant 0 : i32
        %dma_start3A_132 = tpu.memref_slice %arg8[%add3A_94, %dma_start3A_131] : memref<80x64xi32, #tpu.memory_space<vmem>> -> memref<1x64xi32, #tpu.memory_space<vmem>>
        %dma_start3A_133 = tpu.memref_squeeze %dma_start3A_132 : memref<1x64xi32, #tpu.memory_space<vmem>> -> memref<64xi32, #tpu.memory_space<vmem>>
        %dma_start3A_134 = arith.constant 0 : i32
        %dma_start3A_135 = arith.constant 0 : i32
        %dma_start3A_136 = tpu.memref_slice %arg10[%dma_start3A_134, %dma_start3A_135] : memref<10240x128xf32, #tpu.memory_space<vmem_shared>> -> memref<10240x128xf32, #tpu.memory_space<vmem_shared>>
        tpu.enqueue_indirect_dma source(%dma_start3A_130 : memref<64x128xf32, #tpu.memory_space<vmem>>) target(%dma_start3A_136 : memref<10240x128xf32, #tpu.memory_space<vmem_shared>>) offsets(%dma_start3A_133 : memref<64xi32, #tpu.memory_space<vmem>>) semaphore(%arg14 : memref<!tpu.dma_semaphore, #tpu.memory_space<semaphore_mem>>) {add = true}
      }
      %scan3A_49 = arith.constant 40 : i32
      %dma_wait3A = arith.constant 1 : i32
      %dma_wait3A_50 = arith.constant 0 : i32
      %dma_wait3A_51 = arith.constant 0 : i32
      %dma_wait3A_52 = arith.constant 0 : i32
      %dma_wait3A_53 = tpu.memref_slice %arg9[%dma_wait3A, %dma_wait3A_51, %dma_wait3A_52] : memref<2x64x128xf32, #tpu.memory_space<vmem>> -> memref<1x64x128xf32, #tpu.memory_space<vmem>>
      %dma_wait3A_54 = tpu.memref_squeeze %dma_wait3A_53 : memref<1x64x128xf32, #tpu.memory_space<vmem>> -> memref<64x128xf32, #tpu.memory_space<vmem>>
      %dma_wait3A_55 = arith.constant 0 : i32
      %dma_wait3A_56 = tpu.memref_slice %arg8[%dma_wait3A_50, %dma_wait3A_55] : memref<80x64xi32, #tpu.memory_space<vmem>> -> memref<1x64xi32, #tpu.memory_space<vmem>>
      %dma_wait3A_57 = tpu.memref_squeeze %dma_wait3A_56 : memref<1x64xi32, #tpu.memory_space<vmem>> -> memref<64xi32, #tpu.memory_space<vmem>>
      %dma_wait3A_58 = arith.constant 0 : i32
      %dma_wait3A_59 = arith.constant 0 : i32
      %dma_wait3A_60 = tpu.memref_slice %arg10[%dma_wait3A_58, %dma_wait3A_59] : memref<10240x128xf32, #tpu.memory_space<vmem_shared>> -> memref<10240x128xf32, #tpu.memory_space<vmem_shared>>
      tpu.wait_indirect_dma semaphore(%arg14 : memref<!tpu.dma_semaphore, #tpu.memory_space<semaphore_mem>>) src(%dma_wait3A_54 : memref<64x128xf32, #tpu.memory_space<vmem>>) dst(%dma_wait3A_60 : memref<10240x128xf32, #tpu.memory_space<vmem_shared>>)
    }
    %scan3A_7 = arith.constant 2 : i32
    %barrier3A_8 = arith.constant 0 : index
    tpu.barrier barrier_id(%barrier3A_8)
    %mul3A_9 = arith.constant 640 : i32
    %mul3A_10 = arith.muli %arg1, %mul3A_9 : i32
    %mul3A_11 = arith.constant 640 : i32
    %mul3A_12 = arith.muli %arg1, %mul3A_11 : i32
    "tpu.region"() ({
      %run_scoped3A = tpu.sem_alloc : memref<!tpu.dma_semaphore, #tpu.memory_space<semaphore_mem>>
      %dma_start3A = arith.constant 0 : i32
      %dma_start3A_13 = tpu.memref_slice %arg6[%arg0, %mul3A_12, %dma_start3A] : memref<2x10240x128xf32, #tpu.memory_space<hbm>> -> memref<1x640x128xf32, #tpu.memory_space<hbm>>
      %dma_start3A_14 = tpu.memref_squeeze %dma_start3A_13 : memref<1x640x128xf32, #tpu.memory_space<hbm>> -> memref<640x128xf32, #tpu.memory_space<hbm>>
      %dma_start3A_15 = arith.constant 0 : i32
      %dma_start3A_16 = tpu.memref_slice %arg10[%mul3A_10, %dma_start3A_15] : memref<10240x128xf32, #tpu.memory_space<vmem_shared>> -> memref<640x128xf32, #tpu.memory_space<vmem_shared>>
      tpu.enqueue_dma source(%dma_start3A_16 : memref<640x128xf32, #tpu.memory_space<vmem_shared>>) target(%dma_start3A_14 : memref<640x128xf32, #tpu.memory_space<hbm>>) target_semaphore(%run_scoped3A : memref<!tpu.dma_semaphore, #tpu.memory_space<semaphore_mem>>)
      %dma_wait3A = arith.constant 0 : i32
      %dma_wait3A_17 = tpu.memref_slice %arg6[%arg0, %mul3A_12, %dma_wait3A] : memref<2x10240x128xf32, #tpu.memory_space<hbm>> -> memref<1x640x128xf32, #tpu.memory_space<hbm>>
      %dma_wait3A_18 = tpu.memref_squeeze %dma_wait3A_17 : memref<1x640x128xf32, #tpu.memory_space<hbm>> -> memref<640x128xf32, #tpu.memory_space<hbm>>
      %dma_wait3A_19 = arith.constant 0 : i32
      %dma_wait3A_20 = tpu.memref_slice %arg10[%mul3A_10, %dma_wait3A_19] : memref<10240x128xf32, #tpu.memory_space<vmem_shared>> -> memref<640x128xf32, #tpu.memory_space<vmem_shared>>
      tpu.wait_dma2 semaphore(%run_scoped3A : memref<!tpu.dma_semaphore, #tpu.memory_space<semaphore_mem>>) src(%dma_wait3A_20 : memref<640x128xf32, #tpu.memory_space<vmem_shared>>) dst(%dma_wait3A_18 : memref<640x128xf32, #tpu.memory_space<hbm>>)
      tpu.yield
    }) : () -> ()
    return
  }
}

module attributes {stable_mosaic.version = 14 : i64} {
  func.func @_tc_prescale_body(%arg0: i32, %arg1: memref<1000x128xf32, #tpu.memory_space<vmem>>, %arg2: memref<128x128xf32, #tpu.memory_space<vmem>>, %arg3: memref<2x1000x128xf32, #tpu.memory_space<vmem>>, %arg4: memref<1000x128xf32, #tpu.memory_space<vmem>>, %arg5: memref<1000x8xf32, #tpu.memory_space<vmem>>) attributes {dimension_semantics = [#tpu.dimension_semantics<arbitrary>], iteration_bounds = array<i64: 10>, scalar_prefetch = 0 : i64, scratch_operands = 0 : i64, tpu.core_type = #tpu.core_type<tc>, window_params = [{transform_indices = @transform_0, window_bounds = array<i64: 1000, 128>}, {pipeline_mode = #tpu.pipeline_mode<synchronous>, transform_indices = @transform_1, window_bounds = array<i64: 128, 128>}, {transform_indices = @transform_2, window_bounds = array<i64: 2, 1000, 128>}, {transform_indices = @transform_3, window_bounds = array<i64: 1000, 128>}, {transform_indices = @transform_4, window_bounds = array<i64: 1000, 8>}]} {
    %get3A = arith.constant 0 : index
    %get3A_0 = arith.constant 0 : index
    %get3A_1 = arith.constant 0 : index
    %get3A_2 = vector.load %arg3[%get3A, %get3A_0, %get3A_1] : memref<2x1000x128xf32, #tpu.memory_space<vmem>>, vector<1x1000x128xf32>
    %get3A_3 = vector.shape_cast %get3A_2 : vector<1x1000x128xf32> to vector<1000x128xf32>
    %reduce_sum3A = arith.constant dense<0.000000e+00> : vector<1000xf32>
    %reduce_sum3A_4 = vector.multi_reduction <add>, %get3A_3, %reduce_sum3A [1] : vector<1000x128xf32> to vector<1000xf32>
    %broadcast_in_dim3A = vector.shape_cast %reduce_sum3A_4 : vector<1000xf32> to vector<1000x1xf32>
    %get3A_5 = arith.constant 1 : index
    %get3A_6 = arith.constant 0 : index
    %get3A_7 = arith.constant 0 : index
    %get3A_8 = vector.load %arg3[%get3A_5, %get3A_6, %get3A_7] : memref<2x1000x128xf32, #tpu.memory_space<vmem>>, vector<1x1000x128xf32>
    %get3A_9 = vector.shape_cast %get3A_8 : vector<1x1000x128xf32> to vector<1000x128xf32>
    %reduce_sum3A_10 = arith.constant dense<0.000000e+00> : vector<1000xf32>
    %reduce_sum3A_11 = vector.multi_reduction <add>, %get3A_9, %reduce_sum3A_10 [1] : vector<1000x128xf32> to vector<1000xf32>
    %broadcast_in_dim3A_12 = vector.shape_cast %reduce_sum3A_11 : vector<1000xf32> to vector<1000x1xf32>
    %add3A = arith.addf %broadcast_in_dim3A, %broadcast_in_dim3A_12 : vector<1000x1xf32>
    %mul3A = arith.constant 7.812500e-03 : f32
    %mul3A_13 = vector.broadcast %mul3A : f32 to vector<1000x1xf32>
    %mul3A_14 = arith.mulf %add3A, %mul3A_13 : vector<1000x1xf32>
    %add3A_15 = arith.constant 1.000000e+00 : f32
    %add3A_16 = vector.broadcast %add3A_15 : f32 to vector<1000x1xf32>
    %add3A_17 = arith.addf %mul3A_14, %add3A_16 : vector<1000x1xf32>
    %max3A = arith.constant 1.000000e+00 : f32
    %max3A_18 = vector.broadcast %max3A : f32 to vector<1000x1xf32>
    %max3A_19 = arith.maximumf %add3A_17, %max3A_18 : vector<1000x1xf32>
    %rsqrt3A = math.rsqrt %max3A_19 : vector<1000x1xf32>
    %get3A_20 = arith.constant 0 : index
    %get3A_21 = arith.constant 0 : index
    %get3A_22 = vector.load %arg1[%get3A_20, %get3A_21] : memref<1000x128xf32, #tpu.memory_space<vmem>>, vector<1000x128xf32>
    %get3A_23 = arith.constant 0 : index
    %get3A_24 = arith.constant 0 : index
    %get3A_25 = vector.load %arg2[%get3A_23, %get3A_24] : memref<128x128xf32, #tpu.memory_space<vmem>>, vector<128x128xf32>
    %dot_general3A = arith.constant dense<0.000000e+00> : vector<1000x128xf32>
    %dot_general3A_26 = tpu.matmul %get3A_22, %get3A_25, %dot_general3A {dimension_numbers = #tpu.dot_dimension_numbers<[1], [0], [0], [1], [0, 0, 1, 1], [], []>, transpose_lhs_hint = false} : vector<1000x128xf32>, vector<128x128xf32>, vector<1000x128xf32> -> vector<1000x128xf32>
    %mul3A_27 = vector.broadcast %rsqrt3A : vector<1000x1xf32> to vector<1000x128xf32>
    %mul3A_28 = arith.mulf %dot_general3A_26, %mul3A_27 : vector<1000x128xf32>
    %swap3A = arith.constant 0 : index
    %swap3A_29 = arith.constant 0 : index
    %swap3A_30 = vector.load %arg4[%swap3A, %swap3A_29] : memref<1000x128xf32, #tpu.memory_space<vmem>>, vector<1000x128xf32>
    tpu.vector_store %arg4[%swap3A, %swap3A_29], %mul3A_28 {strides = array<i32>} : memref<1000x128xf32, #tpu.memory_space<vmem>>, vector<1000x128xf32>,
    %broadcast_in_dim3A_31 = vector.shape_cast %rsqrt3A : vector<1000x1xf32> to vector<1000x1xf32>
    %broadcast_in_dim3A_32 = vector.broadcast %broadcast_in_dim3A_31 : vector<1000x1xf32> to vector<1000x8xf32>
    %swap3A_33 = arith.constant 0 : index
    %swap3A_34 = arith.constant 0 : index
    %swap3A_35 = vector.load %arg5[%swap3A_33, %swap3A_34] : memref<1000x8xf32, #tpu.memory_space<vmem>>, vector<1000x8xf32>
    tpu.vector_store %arg5[%swap3A_33, %swap3A_34], %broadcast_in_dim3A_32 {strides = array<i32>} : memref<1000x8xf32, #tpu.memory_space<vmem>>, vector<1000x8xf32>,
    return
  }
  func.func @transform_0(%arg0: i32) -> (i32, i32) {
    %c0_i32 = arith.constant 0 : i32
    %c0_i32_0 = arith.constant 0 : i32
    return %arg0, %c0_i32 : i32, i32
  }
  func.func @transform_1(%arg0: i32) -> (i32, i32) {
    %c0_i32 = arith.constant 0 : i32
    %c0_i32_0 = arith.constant 0 : i32
    %c0_i32_1 = arith.constant 0 : i32
    return %c0_i32, %c0_i32_0 : i32, i32
  }
  func.func @transform_2(%arg0: i32) -> (i32, i32, i32) {
    %c0_i32 = arith.constant 0 : i32
    %c0_i32_0 = arith.constant 0 : i32
    %c0_i32_1 = arith.constant 0 : i32
    return %c0_i32, %arg0, %c0_i32_0 : i32, i32, i32
  }
  func.func @transform_3(%arg0: i32) -> (i32, i32) {
    %c0_i32 = arith.constant 0 : i32
    %c0_i32_0 = arith.constant 0 : i32
    return %arg0, %c0_i32 : i32, i32
  }
  func.func @transform_4(%arg0: i32) -> (i32, i32) {
    %c0_i32 = arith.constant 0 : i32
    %c0_i32_0 = arith.constant 0 : i32
    return %arg0, %c0_i32 : i32, i32
  }
}

module attributes {stable_mosaic.version = 14 : i64} {
  func.func @_tc_layer1_body(%arg0: i32, %arg1: memref<2x1000x128xf32, #tpu.memory_space<vmem>>, %arg2: memref<1000x128xf32, #tpu.memory_space<vmem>>, %arg3: memref<1000x8xf32, #tpu.memory_space<vmem>>, %arg4: memref<1x128xf32, #tpu.memory_space<vmem>>, %arg5: memref<1000x128xf32, #tpu.memory_space<vmem>>, %arg6: memref<128x384xf32, #tpu.memory_space<vmem>>, %arg7: memref<128x384xf32, #tpu.memory_space<vmem>>, %arg8: memref<1x384xf32, #tpu.memory_space<vmem>>, %arg9: memref<1x384xf32, #tpu.memory_space<vmem>>, %arg10: memref<128x128xf32, #tpu.memory_space<vmem>>, %arg11: memref<1000x128xf32, #tpu.memory_space<vmem>>, %arg12: memref<1000x128xf32, #tpu.memory_space<vmem>>) attributes {dimension_semantics = [#tpu.dimension_semantics<arbitrary>], iteration_bounds = array<i64: 10>, scalar_prefetch = 0 : i64, scratch_operands = 0 : i64, tpu.core_type = #tpu.core_type<tc>, window_params = [{transform_indices = @transform_0, window_bounds = array<i64: 2, 1000, 128>}, {transform_indices = @transform_1, window_bounds = array<i64: 1000, 128>}, {transform_indices = @transform_2, window_bounds = array<i64: 1000, 8>}, {pipeline_mode = #tpu.pipeline_mode<synchronous>, transform_indices = @transform_3, window_bounds = array<i64: 1, 128>}, {transform_indices = @transform_4, window_bounds = array<i64: 1000, 128>}, {pipeline_mode = #tpu.pipeline_mode<synchronous>, transform_indices = @transform_5, window_bounds = array<i64: 128, 384>}, {pipeline_mode = #tpu.pipeline_mode<synchronous>, transform_indices = @transform_6, window_bounds = array<i64: 128, 384>}, {pipeline_mode = #tpu.pipeline_mode<synchronous>, transform_indices = @transform_7, window_bounds = array<i64: 1, 384>}, {pipeline_mode = #tpu.pipeline_mode<synchronous>, transform_indices = @transform_8, window_bounds = array<i64: 1, 384>}, {pipeline_mode = #tpu.pipeline_mode<synchronous>, transform_indices = @transform_9, window_bounds = array<i64: 128, 128>}, {transform_indices = @transform_10, window_bounds = array<i64: 1000, 128>}, {transform_indices = @transform_11, window_bounds = array<i64: 1000, 128>}]} {
    %get3A = arith.constant 0 : index
    %get3A_0 = arith.constant 0 : index
    %get3A_1 = vector.load %arg3[%get3A, %get3A_0] : memref<1000x8xf32, #tpu.memory_space<vmem>>, vector<1000x8xf32>
    %reduce_sum3A = arith.constant dense<0.000000e+00> : vector<1000xf32>
    %reduce_sum3A_2 = vector.multi_reduction <add>, %get3A_1, %reduce_sum3A [1] : vector<1000x8xf32> to vector<1000xf32>
    %broadcast_in_dim3A = vector.shape_cast %reduce_sum3A_2 : vector<1000xf32> to vector<1000x1xf32>
    %mul3A = arith.constant 1.250000e-01 : f32
    %mul3A_3 = vector.broadcast %mul3A : f32 to vector<1000x1xf32>
    %mul3A_4 = arith.mulf %broadcast_in_dim3A, %mul3A_3 : vector<1000x1xf32>
    %get3A_5 = arith.constant 0 : index
    %get3A_6 = arith.constant 0 : index
    %get3A_7 = arith.constant 0 : index
    %get3A_8 = vector.load %arg1[%get3A_5, %get3A_6, %get3A_7] : memref<2x1000x128xf32, #tpu.memory_space<vmem>>, vector<1x1000x128xf32>
    %get3A_9 = vector.shape_cast %get3A_8 : vector<1x1000x128xf32> to vector<1000x128xf32>
    %get3A_10 = arith.constant 1 : index
    %get3A_11 = arith.constant 0 : index
    %get3A_12 = arith.constant 0 : index
    %get3A_13 = vector.load %arg1[%get3A_10, %get3A_11, %get3A_12] : memref<2x1000x128xf32, #tpu.memory_space<vmem>>, vector<1x1000x128xf32>
    %get3A_14 = vector.shape_cast %get3A_13 : vector<1x1000x128xf32> to vector<1000x128xf32>
    %add3A = arith.addf %get3A_9, %get3A_14 : vector<1000x128xf32>
    %get3A_15 = arith.constant 0 : index
    %get3A_16 = arith.constant 0 : index
    %get3A_17 = vector.load %arg2[%get3A_15, %get3A_16] : memref<1000x128xf32, #tpu.memory_space<vmem>>, vector<1000x128xf32>
    %add3A_18 = arith.addf %add3A, %get3A_17 : vector<1000x128xf32>
    %mul3A_19 = vector.broadcast %mul3A_4 : vector<1000x1xf32> to vector<1000x128xf32>
    %mul3A_20 = arith.mulf %add3A_18, %mul3A_19 : vector<1000x128xf32>
    %get3A_21 = arith.constant 0 : index
    %get3A_22 = arith.constant 0 : index
    %get3A_23 = vector.load %arg4[%get3A_21, %get3A_22] : memref<1x128xf32, #tpu.memory_space<vmem>>, vector<1x128xf32>
    %add3A_24 = vector.broadcast %get3A_23 : vector<1x128xf32> to vector<1000x128xf32>
    %add3A_25 = arith.addf %mul3A_20, %add3A_24 : vector<1000x128xf32>
    %get3A_26 = arith.constant 0 : index
    %get3A_27 = arith.constant 0 : index
    %get3A_28 = vector.load %arg5[%get3A_26, %get3A_27] : memref<1000x128xf32, #tpu.memory_space<vmem>>, vector<1000x128xf32>
    %get3A_29 = arith.constant 0 : index
    %get3A_30 = arith.constant 0 : index
    %get3A_31 = vector.load %arg6[%get3A_29, %get3A_30] : memref<128x384xf32, #tpu.memory_space<vmem>>, vector<128x384xf32>
    %get3A_32 = arith.constant 0 : index
    %get3A_33 = arith.constant 0 : index
    %get3A_34 = vector.load %arg7[%get3A_32, %get3A_33] : memref<128x384xf32, #tpu.memory_space<vmem>>, vector<128x384xf32>
    %get3A_35 = arith.constant 0 : index
    %get3A_36 = arith.constant 0 : index
    %get3A_37 = vector.load %arg8[%get3A_35, %get3A_36] : memref<1x384xf32, #tpu.memory_space<vmem>>, vector<1x384xf32>
    %get3A_38 = arith.constant 0 : index
    %get3A_39 = arith.constant 0 : index
    %get3A_40 = vector.load %arg9[%get3A_38, %get3A_39] : memref<1x384xf32, #tpu.memory_space<vmem>>, vector<1x384xf32>
    %dot_general3A = arith.constant dense<0.000000e+00> : vector<1000x384xf32>
    %dot_general3A_41 = tpu.matmul %add3A_25, %get3A_31, %dot_general3A {dimension_numbers = #tpu.dot_dimension_numbers<[1], [0], [0], [1], [0, 0, 1, 1], [], []>, transpose_lhs_hint = false} : vector<1000x128xf32>, vector<128x384xf32>, vector<1000x384xf32> -> vector<1000x384xf32>
    %add3A_42 = vector.broadcast %get3A_37 : vector<1x384xf32> to vector<1000x384xf32>
    %add3A_43 = arith.addf %dot_general3A_41, %add3A_42 : vector<1000x384xf32>
    %dot_general3A_44 = arith.constant dense<0.000000e+00> : vector<1000x384xf32>
    %dot_general3A_45 = tpu.matmul %get3A_28, %get3A_34, %dot_general3A_44 {dimension_numbers = #tpu.dot_dimension_numbers<[1], [0], [0], [1], [0, 0, 1, 1], [], []>, transpose_lhs_hint = false} : vector<1000x128xf32>, vector<128x384xf32>, vector<1000x384xf32> -> vector<1000x384xf32>
    %add3A_46 = vector.broadcast %get3A_40 : vector<1x384xf32> to vector<1000x384xf32>
    %add3A_47 = arith.addf %dot_general3A_45, %add3A_46 : vector<1000x384xf32>
    %slice3A = vector.extract_strided_slice %add3A_43 {offsets = [0, 0], sizes = [1000, 128], strides = [1, 1]} : vector<1000x384xf32> to vector<1000x128xf32>
    %slice3A_48 = vector.extract_strided_slice %add3A_47 {offsets = [0, 0], sizes = [1000, 128], strides = [1, 1]} : vector<1000x384xf32> to vector<1000x128xf32>
    %add3A_49 = arith.addf %slice3A, %slice3A_48 : vector<1000x128xf32>
    %logistic3A = arith.negf %add3A_49 : vector<1000x128xf32>
    %logistic3A_50 = math.exp %logistic3A : vector<1000x128xf32>
    %logistic3A_51 = arith.constant 1.000000e+00 : f32
    %logistic3A_52 = vector.broadcast %logistic3A_51 : f32 to vector<1000x128xf32>
    %logistic3A_53 = arith.addf %logistic3A_52, %logistic3A_50 : vector<1000x128xf32>
    %logistic3A_54 = arith.divf %logistic3A_52, %logistic3A_53 : vector<1000x128xf32>
    %slice3A_55 = vector.extract_strided_slice %add3A_43 {offsets = [0, 128], sizes = [1000, 128], strides = [1, 1]} : vector<1000x384xf32> to vector<1000x128xf32>
    %slice3A_56 = vector.extract_strided_slice %add3A_47 {offsets = [0, 128], sizes = [1000, 128], strides = [1, 1]} : vector<1000x384xf32> to vector<1000x128xf32>
    %add3A_57 = arith.addf %slice3A_55, %slice3A_56 : vector<1000x128xf32>
    %logistic3A_58 = arith.negf %add3A_57 : vector<1000x128xf32>
    %logistic3A_59 = math.exp %logistic3A_58 : vector<1000x128xf32>
    %logistic3A_60 = arith.constant 1.000000e+00 : f32
    %logistic3A_61 = vector.broadcast %logistic3A_60 : f32 to vector<1000x128xf32>
    %logistic3A_62 = arith.addf %logistic3A_61, %logistic3A_59 : vector<1000x128xf32>
    %logistic3A_63 = arith.divf %logistic3A_61, %logistic3A_62 : vector<1000x128xf32>
    %slice3A_64 = vector.extract_strided_slice %add3A_43 {offsets = [0, 256], sizes = [1000, 128], strides = [1, 1]} : vector<1000x384xf32> to vector<1000x128xf32>
    %slice3A_65 = vector.extract_strided_slice %add3A_47 {offsets = [0, 256], sizes = [1000, 128], strides = [1, 1]} : vector<1000x384xf32> to vector<1000x128xf32>
    %mul3A_66 = arith.mulf %logistic3A_54, %slice3A_65 : vector<1000x128xf32>
    %add3A_67 = arith.addf %slice3A_64, %mul3A_66 : vector<1000x128xf32>
    %tanh3A = math.tanh %add3A_67 : vector<1000x128xf32>
    %sub3A = arith.constant 1.000000e+00 : f32
    %sub3A_68 = vector.broadcast %sub3A : f32 to vector<1000x128xf32>
    %sub3A_69 = arith.subf %sub3A_68, %logistic3A_63 : vector<1000x128xf32>
    %mul3A_70 = arith.mulf %sub3A_69, %tanh3A : vector<1000x128xf32>
    %mul3A_71 = arith.mulf %logistic3A_63, %get3A_28 : vector<1000x128xf32>
    %add3A_72 = arith.addf %mul3A_70, %mul3A_71 : vector<1000x128xf32>
    %max3A = arith.constant 0.000000e+00 : f32
    %max3A_73 = vector.broadcast %max3A : f32 to vector<1000x128xf32>
    %max3A_74 = arith.maximumf %add3A_72, %max3A_73 : vector<1000x128xf32>
    %swap3A = arith.constant 0 : index
    %swap3A_75 = arith.constant 0 : index
    %swap3A_76 = vector.load %arg11[%swap3A, %swap3A_75] : memref<1000x128xf32, #tpu.memory_space<vmem>>, vector<1000x128xf32>
    tpu.vector_store %arg11[%swap3A, %swap3A_75], %max3A_74 {strides = array<i32>} : memref<1000x128xf32, #tpu.memory_space<vmem>>, vector<1000x128xf32>,
    %get3A_77 = arith.constant 0 : index
    %get3A_78 = arith.constant 0 : index
    %get3A_79 = vector.load %arg10[%get3A_77, %get3A_78] : memref<128x128xf32, #tpu.memory_space<vmem>>, vector<128x128xf32>
    %dot_general3A_80 = arith.constant dense<0.000000e+00> : vector<1000x128xf32>
    %dot_general3A_81 = tpu.matmul %max3A_74, %get3A_79, %dot_general3A_80 {dimension_numbers = #tpu.dot_dimension_numbers<[1], [0], [0], [1], [0, 0, 1, 1], [], []>, transpose_lhs_hint = false} : vector<1000x128xf32>, vector<128x128xf32>, vector<1000x128xf32> -> vector<1000x128xf32>
    %mul3A_82 = vector.broadcast %mul3A_4 : vector<1000x1xf32> to vector<1000x128xf32>
    %mul3A_83 = arith.mulf %dot_general3A_81, %mul3A_82 : vector<1000x128xf32>
    %swap3A_84 = arith.constant 0 : index
    %swap3A_85 = arith.constant 0 : index
    %swap3A_86 = vector.load %arg12[%swap3A_84, %swap3A_85] : memref<1000x128xf32, #tpu.memory_space<vmem>>, vector<1000x128xf32>
    tpu.vector_store %arg12[%swap3A_84, %swap3A_85], %mul3A_83 {strides = array<i32>} : memref<1000x128xf32, #tpu.memory_space<vmem>>, vector<1000x128xf32>,
    return
  }
  func.func @transform_0(%arg0: i32) -> (i32, i32, i32) {
    %c0_i32 = arith.constant 0 : i32
    %c0_i32_0 = arith.constant 0 : i32
    %c0_i32_1 = arith.constant 0 : i32
    return %c0_i32, %arg0, %c0_i32_0 : i32, i32, i32
  }
  func.func @transform_1(%arg0: i32) -> (i32, i32) {
    %c0_i32 = arith.constant 0 : i32
    %c0_i32_0 = arith.constant 0 : i32
    return %arg0, %c0_i32 : i32, i32
  }
  func.func @transform_2(%arg0: i32) -> (i32, i32) {
    %c0_i32 = arith.constant 0 : i32
    %c0_i32_0 = arith.constant 0 : i32
    return %arg0, %c0_i32 : i32, i32
  }
  func.func @transform_3(%arg0: i32) -> (i32, i32) {
    %c0_i32 = arith.constant 0 : i32
    %c0_i32_0 = arith.constant 0 : i32
    %c0_i32_1 = arith.constant 0 : i32
    return %c0_i32, %c0_i32_0 : i32, i32
  }
  func.func @transform_4(%arg0: i32) -> (i32, i32) {
    %c0_i32 = arith.constant 0 : i32
    %c0_i32_0 = arith.constant 0 : i32
    return %arg0, %c0_i32 : i32, i32
  }
  func.func @transform_5(%arg0: i32) -> (i32, i32) {
    %c0_i32 = arith.constant 0 : i32
    %c0_i32_0 = arith.constant 0 : i32
    %c0_i32_1 = arith.constant 0 : i32
    return %c0_i32, %c0_i32_0 : i32, i32
  }
  func.func @transform_6(%arg0: i32) -> (i32, i32) {
    %c0_i32 = arith.constant 0 : i32
    %c0_i32_0 = arith.constant 0 : i32
    %c0_i32_1 = arith.constant 0 : i32
    return %c0_i32, %c0_i32_0 : i32, i32
  }
  func.func @transform_7(%arg0: i32) -> (i32, i32) {
    %c0_i32 = arith.constant 0 : i32
    %c0_i32_0 = arith.constant 0 : i32
    %c0_i32_1 = arith.constant 0 : i32
    return %c0_i32, %c0_i32_0 : i32, i32
  }
  func.func @transform_8(%arg0: i32) -> (i32, i32) {
    %c0_i32 = arith.constant 0 : i32
    %c0_i32_0 = arith.constant 0 : i32
    %c0_i32_1 = arith.constant 0 : i32
    return %c0_i32, %c0_i32_0 : i32, i32
  }
  func.func @transform_9(%arg0: i32) -> (i32, i32) {
    %c0_i32 = arith.constant 0 : i32
    %c0_i32_0 = arith.constant 0 : i32
    %c0_i32_1 = arith.constant 0 : i32
    return %c0_i32, %c0_i32_0 : i32, i32
  }
  func.func @transform_10(%arg0: i32) -> (i32, i32) {
    %c0_i32 = arith.constant 0 : i32
    %c0_i32_0 = arith.constant 0 : i32
    return %arg0, %c0_i32 : i32, i32
  }
  func.func @transform_11(%arg0: i32) -> (i32, i32) {
    %c0_i32 = arith.constant 0 : i32
    %c0_i32_0 = arith.constant 0 : i32
    return %arg0, %c0_i32 : i32, i32
  }
}

module attributes {stable_mosaic.version = 14 : i64} {
  func.func @_tc_layer2_body(%arg0: i32, %arg1: memref<2x1000x128xf32, #tpu.memory_space<vmem>>, %arg2: memref<1000x128xf32, #tpu.memory_space<vmem>>, %arg3: memref<1000x8xf32, #tpu.memory_space<vmem>>, %arg4: memref<1x128xf32, #tpu.memory_space<vmem>>, %arg5: memref<1000x128xf32, #tpu.memory_space<vmem>>, %arg6: memref<128x384xf32, #tpu.memory_space<vmem>>, %arg7: memref<128x384xf32, #tpu.memory_space<vmem>>, %arg8: memref<1x384xf32, #tpu.memory_space<vmem>>, %arg9: memref<1x384xf32, #tpu.memory_space<vmem>>, %arg10: memref<1000x128xf32, #tpu.memory_space<vmem>>) attributes {dimension_semantics = [#tpu.dimension_semantics<arbitrary>], iteration_bounds = array<i64: 10>, scalar_prefetch = 0 : i64, scratch_operands = 0 : i64, tpu.core_type = #tpu.core_type<tc>, window_params = [{transform_indices = @transform_0, window_bounds = array<i64: 2, 1000, 128>}, {transform_indices = @transform_1, window_bounds = array<i64: 1000, 128>}, {transform_indices = @transform_2, window_bounds = array<i64: 1000, 8>}, {pipeline_mode = #tpu.pipeline_mode<synchronous>, transform_indices = @transform_3, window_bounds = array<i64: 1, 128>}, {transform_indices = @transform_4, window_bounds = array<i64: 1000, 128>}, {pipeline_mode = #tpu.pipeline_mode<synchronous>, transform_indices = @transform_5, window_bounds = array<i64: 128, 384>}, {pipeline_mode = #tpu.pipeline_mode<synchronous>, transform_indices = @transform_6, window_bounds = array<i64: 128, 384>}, {pipeline_mode = #tpu.pipeline_mode<synchronous>, transform_indices = @transform_7, window_bounds = array<i64: 1, 384>}, {pipeline_mode = #tpu.pipeline_mode<synchronous>, transform_indices = @transform_8, window_bounds = array<i64: 1, 384>}, {transform_indices = @transform_9, window_bounds = array<i64: 1000, 128>}]} {
    %get3A = arith.constant 0 : index
    %get3A_0 = arith.constant 0 : index
    %get3A_1 = vector.load %arg3[%get3A, %get3A_0] : memref<1000x8xf32, #tpu.memory_space<vmem>>, vector<1000x8xf32>
    %reduce_sum3A = arith.constant dense<0.000000e+00> : vector<1000xf32>
    %reduce_sum3A_2 = vector.multi_reduction <add>, %get3A_1, %reduce_sum3A [1] : vector<1000x8xf32> to vector<1000xf32>
    %broadcast_in_dim3A = vector.shape_cast %reduce_sum3A_2 : vector<1000xf32> to vector<1000x1xf32>
    %mul3A = arith.constant 1.250000e-01 : f32
    %mul3A_3 = vector.broadcast %mul3A : f32 to vector<1000x1xf32>
    %mul3A_4 = arith.mulf %broadcast_in_dim3A, %mul3A_3 : vector<1000x1xf32>
    %get3A_5 = arith.constant 0 : index
    %get3A_6 = arith.constant 0 : index
    %get3A_7 = arith.constant 0 : index
    %get3A_8 = vector.load %arg1[%get3A_5, %get3A_6, %get3A_7] : memref<2x1000x128xf32, #tpu.memory_space<vmem>>, vector<1x1000x128xf32>
    %get3A_9 = vector.shape_cast %get3A_8 : vector<1x1000x128xf32> to vector<1000x128xf32>
    %get3A_10 = arith.constant 1 : index
    %get3A_11 = arith.constant 0 : index
    %get3A_12 = arith.constant 0 : index
    %get3A_13 = vector.load %arg1[%get3A_10, %get3A_11, %get3A_12] : memref<2x1000x128xf32, #tpu.memory_space<vmem>>, vector<1x1000x128xf32>
    %get3A_14 = vector.shape_cast %get3A_13 : vector<1x1000x128xf32> to vector<1000x128xf32>
    %add3A = arith.addf %get3A_9, %get3A_14 : vector<1000x128xf32>
    %get3A_15 = arith.constant 0 : index
    %get3A_16 = arith.constant 0 : index
    %get3A_17 = vector.load %arg2[%get3A_15, %get3A_16] : memref<1000x128xf32, #tpu.memory_space<vmem>>, vector<1000x128xf32>
    %add3A_18 = arith.addf %add3A, %get3A_17 : vector<1000x128xf32>
    %mul3A_19 = vector.broadcast %mul3A_4 : vector<1000x1xf32> to vector<1000x128xf32>
    %mul3A_20 = arith.mulf %add3A_18, %mul3A_19 : vector<1000x128xf32>
    %get3A_21 = arith.constant 0 : index
    %get3A_22 = arith.constant 0 : index
    %get3A_23 = vector.load %arg4[%get3A_21, %get3A_22] : memref<1x128xf32, #tpu.memory_space<vmem>>, vector<1x128xf32>
    %add3A_24 = vector.broadcast %get3A_23 : vector<1x128xf32> to vector<1000x128xf32>
    %add3A_25 = arith.addf %mul3A_20, %add3A_24 : vector<1000x128xf32>
    %get3A_26 = arith.constant 0 : index
    %get3A_27 = arith.constant 0 : index
    %get3A_28 = vector.load %arg5[%get3A_26, %get3A_27] : memref<1000x128xf32, #tpu.memory_space<vmem>>, vector<1000x128xf32>
    %get3A_29 = arith.constant 0 : index
    %get3A_30 = arith.constant 0 : index
    %get3A_31 = vector.load %arg6[%get3A_29, %get3A_30] : memref<128x384xf32, #tpu.memory_space<vmem>>, vector<128x384xf32>
    %get3A_32 = arith.constant 0 : index
    %get3A_33 = arith.constant 0 : index
    %get3A_34 = vector.load %arg7[%get3A_32, %get3A_33] : memref<128x384xf32, #tpu.memory_space<vmem>>, vector<128x384xf32>
    %get3A_35 = arith.constant 0 : index
    %get3A_36 = arith.constant 0 : index
    %get3A_37 = vector.load %arg8[%get3A_35, %get3A_36] : memref<1x384xf32, #tpu.memory_space<vmem>>, vector<1x384xf32>
    %get3A_38 = arith.constant 0 : index
    %get3A_39 = arith.constant 0 : index
    %get3A_40 = vector.load %arg9[%get3A_38, %get3A_39] : memref<1x384xf32, #tpu.memory_space<vmem>>, vector<1x384xf32>
    %dot_general3A = arith.constant dense<0.000000e+00> : vector<1000x384xf32>
    %dot_general3A_41 = tpu.matmul %add3A_25, %get3A_31, %dot_general3A {dimension_numbers = #tpu.dot_dimension_numbers<[1], [0], [0], [1], [0, 0, 1, 1], [], []>, transpose_lhs_hint = false} : vector<1000x128xf32>, vector<128x384xf32>, vector<1000x384xf32> -> vector<1000x384xf32>
    %add3A_42 = vector.broadcast %get3A_37 : vector<1x384xf32> to vector<1000x384xf32>
    %add3A_43 = arith.addf %dot_general3A_41, %add3A_42 : vector<1000x384xf32>
    %dot_general3A_44 = arith.constant dense<0.000000e+00> : vector<1000x384xf32>
    %dot_general3A_45 = tpu.matmul %get3A_28, %get3A_34, %dot_general3A_44 {dimension_numbers = #tpu.dot_dimension_numbers<[1], [0], [0], [1], [0, 0, 1, 1], [], []>, transpose_lhs_hint = false} : vector<1000x128xf32>, vector<128x384xf32>, vector<1000x384xf32> -> vector<1000x384xf32>
    %add3A_46 = vector.broadcast %get3A_40 : vector<1x384xf32> to vector<1000x384xf32>
    %add3A_47 = arith.addf %dot_general3A_45, %add3A_46 : vector<1000x384xf32>
    %slice3A = vector.extract_strided_slice %add3A_43 {offsets = [0, 0], sizes = [1000, 128], strides = [1, 1]} : vector<1000x384xf32> to vector<1000x128xf32>
    %slice3A_48 = vector.extract_strided_slice %add3A_47 {offsets = [0, 0], sizes = [1000, 128], strides = [1, 1]} : vector<1000x384xf32> to vector<1000x128xf32>
    %add3A_49 = arith.addf %slice3A, %slice3A_48 : vector<1000x128xf32>
    %logistic3A = arith.negf %add3A_49 : vector<1000x128xf32>
    %logistic3A_50 = math.exp %logistic3A : vector<1000x128xf32>
    %logistic3A_51 = arith.constant 1.000000e+00 : f32
    %logistic3A_52 = vector.broadcast %logistic3A_51 : f32 to vector<1000x128xf32>
    %logistic3A_53 = arith.addf %logistic3A_52, %logistic3A_50 : vector<1000x128xf32>
    %logistic3A_54 = arith.divf %logistic3A_52, %logistic3A_53 : vector<1000x128xf32>
    %slice3A_55 = vector.extract_strided_slice %add3A_43 {offsets = [0, 128], sizes = [1000, 128], strides = [1, 1]} : vector<1000x384xf32> to vector<1000x128xf32>
    %slice3A_56 = vector.extract_strided_slice %add3A_47 {offsets = [0, 128], sizes = [1000, 128], strides = [1, 1]} : vector<1000x384xf32> to vector<1000x128xf32>
    %add3A_57 = arith.addf %slice3A_55, %slice3A_56 : vector<1000x128xf32>
    %logistic3A_58 = arith.negf %add3A_57 : vector<1000x128xf32>
    %logistic3A_59 = math.exp %logistic3A_58 : vector<1000x128xf32>
    %logistic3A_60 = arith.constant 1.000000e+00 : f32
    %logistic3A_61 = vector.broadcast %logistic3A_60 : f32 to vector<1000x128xf32>
    %logistic3A_62 = arith.addf %logistic3A_61, %logistic3A_59 : vector<1000x128xf32>
    %logistic3A_63 = arith.divf %logistic3A_61, %logistic3A_62 : vector<1000x128xf32>
    %slice3A_64 = vector.extract_strided_slice %add3A_43 {offsets = [0, 256], sizes = [1000, 128], strides = [1, 1]} : vector<1000x384xf32> to vector<1000x128xf32>
    %slice3A_65 = vector.extract_strided_slice %add3A_47 {offsets = [0, 256], sizes = [1000, 128], strides = [1, 1]} : vector<1000x384xf32> to vector<1000x128xf32>
    %mul3A_66 = arith.mulf %logistic3A_54, %slice3A_65 : vector<1000x128xf32>
    %add3A_67 = arith.addf %slice3A_64, %mul3A_66 : vector<1000x128xf32>
    %tanh3A = math.tanh %add3A_67 : vector<1000x128xf32>
    %sub3A = arith.constant 1.000000e+00 : f32
    %sub3A_68 = vector.broadcast %sub3A : f32 to vector<1000x128xf32>
    %sub3A_69 = arith.subf %sub3A_68, %logistic3A_63 : vector<1000x128xf32>
    %mul3A_70 = arith.mulf %sub3A_69, %tanh3A : vector<1000x128xf32>
    %mul3A_71 = arith.mulf %logistic3A_63, %get3A_28 : vector<1000x128xf32>
    %add3A_72 = arith.addf %mul3A_70, %mul3A_71 : vector<1000x128xf32>
    %max3A = arith.constant 0.000000e+00 : f32
    %max3A_73 = vector.broadcast %max3A : f32 to vector<1000x128xf32>
    %max3A_74 = arith.maximumf %add3A_72, %max3A_73 : vector<1000x128xf32>
    %swap3A = arith.constant 0 : index
    %swap3A_75 = arith.constant 0 : index
    %swap3A_76 = vector.load %arg10[%swap3A, %swap3A_75] : memref<1000x128xf32, #tpu.memory_space<vmem>>, vector<1000x128xf32>
    tpu.vector_store %arg10[%swap3A, %swap3A_75], %max3A_74 {strides = array<i32>} : memref<1000x128xf32, #tpu.memory_space<vmem>>, vector<1000x128xf32>,
    return
  }
  func.func @transform_0(%arg0: i32) -> (i32, i32, i32) {
    %c0_i32 = arith.constant 0 : i32
    %c0_i32_0 = arith.constant 0 : i32
    %c0_i32_1 = arith.constant 0 : i32
    return %c0_i32, %arg0, %c0_i32_0 : i32, i32, i32
  }
  func.func @transform_1(%arg0: i32) -> (i32, i32) {
    %c0_i32 = arith.constant 0 : i32
    %c0_i32_0 = arith.constant 0 : i32
    return %arg0, %c0_i32 : i32, i32
  }
  func.func @transform_2(%arg0: i32) -> (i32, i32) {
    %c0_i32 = arith.constant 0 : i32
    %c0_i32_0 = arith.constant 0 : i32
    return %arg0, %c0_i32 : i32, i32
  }
  func.func @transform_3(%arg0: i32) -> (i32, i32) {
    %c0_i32 = arith.constant 0 : i32
    %c0_i32_0 = arith.constant 0 : i32
    %c0_i32_1 = arith.constant 0 : i32
    return %c0_i32, %c0_i32_0 : i32, i32
  }
  func.func @transform_4(%arg0: i32) -> (i32, i32) {
    %c0_i32 = arith.constant 0 : i32
    %c0_i32_0 = arith.constant 0 : i32
    return %arg0, %c0_i32 : i32, i32
  }
  func.func @transform_5(%arg0: i32) -> (i32, i32) {
    %c0_i32 = arith.constant 0 : i32
    %c0_i32_0 = arith.constant 0 : i32
    %c0_i32_1 = arith.constant 0 : i32
    return %c0_i32, %c0_i32_0 : i32, i32
  }
  func.func @transform_6(%arg0: i32) -> (i32, i32) {
    %c0_i32 = arith.constant 0 : i32
    %c0_i32_0 = arith.constant 0 : i32
    %c0_i32_1 = arith.constant 0 : i32
    return %c0_i32, %c0_i32_0 : i32, i32
  }
  func.func @transform_7(%arg0: i32) -> (i32, i32) {
    %c0_i32 = arith.constant 0 : i32
    %c0_i32_0 = arith.constant 0 : i32
    %c0_i32_1 = arith.constant 0 : i32
    return %c0_i32, %c0_i32_0 : i32, i32
  }
  func.func @transform_8(%arg0: i32) -> (i32, i32) {
    %c0_i32 = arith.constant 0 : i32
    %c0_i32_0 = arith.constant 0 : i32
    %c0_i32_1 = arith.constant 0 : i32
    return %c0_i32, %c0_i32_0 : i32, i32
  }
  func.func @transform_9(%arg0: i32) -> (i32, i32) {
    %c0_i32 = arith.constant 0 : i32
    %c0_i32_0 = arith.constant 0 : i32
    return %arg0, %c0_i32 : i32, i32
  }
}

</mosaic_0001>

<sc_bundles>
// kernel: kernel.11.cloned.1.call-start
scs
__scs_entry_jumppad:
0x0: {  	(pc) =	sbr.rel $0x88, $3  }
0x1: {  	(tag) =	ssettag $0x0;
	lr =	simm.s32 $0x1  }
0x2: {  	[smem:$0x3F90] =	sst lr;
	_ =	strace $0xD0000000  }
0x3: {  	_ = 	snop  }
0x4: {  	_ = 	snop  }
0x5: {  	_ = 	snop  }
0x6: {  	_ = 	snop  }
0x7: {  	_ = 	snop  }
__scs_overlays_trampoline_lowered:
0x8: {  	[smem:$0x3F9F] =	sst s0  }
0x9: {  	[smem:$0x3FA0] =	sst s1  }
0xa: {  	[smem:$0x3FA1] =	sst s2  }
0xb: {  	[smem:$0x3FA2] =	sst s3  }
0xc: {  	[smem:$0x3FA3] =	sst s4  }
0xd: {  	[smem:$0x3FA4] =	sst s5  }
0xe: {  	[smem:$0x3FA5] =	sst s6  }
0xf: {  	[smem:$0x3FA6] =	sst s7  }
0x10: {  	[smem:$0x3FA7] =	sst s8  }
0x11: {  	[smem:$0x3FA8] =	sst s9;
	s0 =	simm.s32 @!p0 $0x0  }
0x12: {  	s1 =	sld [smem:$0x3F8E];
	s0 =	simm.s32 @p0 $0x1  }
0x13: {  	[smem:$0x3FA9] =	sst s0;
	s0 =	simm.s32 @!p1 $0x0  }
0x14: {  	s2 =	sld [smem:$0x3F8D];
	s0 =	simm.s32 @p1 $0x1  }
0x15: {  	[smem:$0x3FAA] =	sst s0;
	s0 =	simm.s32 @!p2 $0x0  }
0x16: {  	s3 =	sld [smem:$0x3FDB];
	s0 =	simm.s32 @p2 $0x1  }
0x17: {  	s4 =	simm.s32 $0x1BF5;
	[smem:$0x3FAC] =	sst s0  }
0x18: {  	s0 =	sld [smem:$0x3F8F];
	_ =	swait.ge [sflag:s4], $0x0  }
0x19: {  	s7 =	sld [smem:$0x3F90]  }
0x1a: {  	s8 =	sadd.s32 $0xFFFFE003, lr  }
0x1b: {  	s9 =	sadd.s32 $0xFFFFFEF7, lr;
	s5 =	simm.s32 $0xFFFFFFFF;
	p2 =	slt.u32 s8, $0xFFFFF086  }
0x1c: {  	p1 =	slt.u32 s9, $0xF7A;
	s5 =	simm.s32 @!p2 $0x0  }
0x1d: {  	s5 =	simm.s32 @p1 $0x1;
	p0 =	seq.s32 s7, s2  }
0x1e: {  	s7 =	smul.u32 @!p0 $0xF7A, s2;
	p2 =	seq.s32 @!p0 s5, $0x0  }
0x1f: {  	s9 =	smul.u32 $0xF7A, s1;
	s8 =	simm.s32 @!p0 $0x1BF5;
	p2 =	por !p2, p0  }
0x20: {  	[sflag:s8] =	ssyncset.s32 @!p0 $0xFFFFF086;
	s6 =	sadd.s32 @!p0 s3, s7;
	s7 =	simm.s32 @!p0 $0x108  }
0x21: {  	s3 =	sadd.s32 s3, s9;
	s6 =	sadd.s32 @!p0 $0x88, s6;
	s7 =	simm.s32 @p2 $0x1082  }
0x22: {  	[simem:s7], [sflag:s8] =	dma.local @!p0 [hbm:s6], $0xF7A  }
0x23: {  	s9 =	sor.u32 $0xD0000000, s2;
	s6 =	simm.s32 $0x108;
	_ =	swait.ge @!p0 [sflag:s8], $0x0  }
0x24: {  	s3 =	sadd.s32 $0x88, s3;
	s6 =	simm.s32 @!p1 $0x1082;
	[sflag:s4] =	ssyncset.s32 $0xFFFFF086  }
0x25: {  	[simem:s6], [sflag:s4] =	dma.local [hbm:s3], $0xF7A  }
0x26: {  	[smem:$0x3F90] =	sst s1;
	(tag) =	ssettag s2;
	_ =	strace s9  }
0x27: {  	s1 =	sld [smem:$0x3FA0]  }
0x28: {  	s2 =	sld [smem:$0x3FA1]  }
0x29: {  	s4 =	sld [smem:$0x3FA3]  }
0x2a: {  	p0 =	seq.s32 s5, $0x0;
	s5 =	sld [smem:$0x3FA4]  }
0x2b: {  	s6 =	sld [smem:$0x3FA5]  }
0x2c: {  	s7 =	sld [smem:$0x3FA6]  }
0x2d: {  	s3 =	simm.s32 $0x108;
	s8 =	sld [smem:$0x3FA7]  }
0x2e: {  	s3 =	simm.s32 @!p0 $0x1082;
	s9 =	sld [smem:$0x3FA8]  }
0x2f: {  	lr =	sadd.s32 s0, s3;
	s0 =	sld [smem:$0x3F9F]  }
0x30: {  	s3 =	sld [smem:$0x3FA2]  }
0x31: {  	[smem:$0x3FAB] =	sst s10  }
0x32: {  	s10 =	sld [smem:$0x3FA9];
	_ =	sdelay $0x3  }
0x33: {  	p0 =	seq.s32 s10, $0x1;
	s10 =	sld [smem:$0x3FAB];
	_ =	sdelay $0x3  }
0x34: {  	[smem:$0x3FAB] =	sst s10  }
0x35: {  	s10 =	sld [smem:$0x3FAA];
	_ =	sdelay $0x3  }
0x36: {  	p1 =	seq.s32 s10, $0x1;
	s10 =	sld [smem:$0x3FAB];
	_ =	sdelay $0x3  }
0x37: {  	[smem:$0x3FAB] =	sst s10  }
0x38: {  	s10 =	sld [smem:$0x3FAC]  }
0x39: {  	_ = 	snop;
	(pc) =	sbr.ind lr, $3  }
0x3a: {  	_ = 	snop  }
0x3b: {  	_ = 	snop  }
0x3c: {  	p2 =	seq.s32 s10, $0x1;
	s10 =	sld [smem:$0x3FAB]  }
0x3d: {  	_ =	shalt  }
0x3e: {  	_ =	shalt  }
0x3f: {  	_ =	shalt  }
0x40: {  	_ =	shalt  }
0x41: {  	_ =	shalt  }
0x42: {  	_ =	shalt  }
0x43: {  	_ =	shalt  }
0x44: {  	_ =	shalt  }
0x45: {  	_ =	shalt  }
0x46: {  	_ =	shalt  }
0x47: {  	_ =	shalt  }
0x48: {  	_ =	shalt  }
0x49: {  	_ =	shalt  }
0x4a: {  	_ =	shalt  }
0x4b: {  	_ =	shalt  }
0x4c: {  	_ =	shalt  }
0x4d: {  	_ =	shalt  }
0x4e: {  	_ =	shalt  }
0x4f: {  	_ =	shalt  }
0x50: {  	_ =	shalt  }
0x51: {  	_ =	shalt  }
0x52: {  	_ =	shalt  }
0x53: {  	_ =	shalt  }
0x54: {  	_ =	shalt  }
0x55: {  	_ =	shalt  }
0x56: {  	_ =	shalt  }
0x57: {  	_ =	shalt  }
0x58: {  	_ =	shalt  }
0x59: {  	_ =	shalt  }
0x5a: {  	_ =	shalt  }
0x5b: {  	_ =	shalt  }
0x5c: {  	_ =	shalt  }
0x5d: {  	_ =	shalt  }
0x5e: {  	_ =	shalt  }
0x5f: {  	_ =	shalt  }
0x60: {  	_ =	shalt  }
0x61: {  	_ =	shalt  }
0x62: {  	_ =	shalt  }
0x63: {  	_ =	shalt  }
0x64: {  	_ =	shalt  }
0x65: {  	_ =	shalt  }
0x66: {  	_ =	shalt  }
0x67: {  	_ =	shalt  }
0x68: {  	_ =	shalt  }
0x69: {  	_ =	shalt  }
0x6a: {  	_ =	shalt  }
0x6b: {  	_ =	shalt  }
0x6c: {  	_ =	shalt  }
0x6d: {  	_ =	shalt  }
0x6e: {  	_ =	shalt  }
0x6f: {  	_ =	shalt  }
0x70: {  	_ =	shalt  }
0x71: {  	_ =	shalt  }
0x72: {  	_ =	shalt  }
0x73: {  	_ =	shalt  }
0x74: {  	_ =	shalt  }
0x75: {  	_ =	shalt  }
0x76: {  	_ =	shalt  }
0x77: {  	_ =	shalt  }
0x78: {  	_ =	shalt  }
0x79: {  	_ =	shalt  }
0x7a: {  	_ =	shalt  }
0x7b: {  	_ =	shalt  }
0x7c: {  	_ =	shalt  }
0x7d: {  	_ =	shalt  }
0x7e: {  	_ =	shalt  }
0x7f: {  	_ =	shalt  }
0x80: {  	_ =	shalt  }
0x81: {  	_ =	shalt  }
0x82: {  	_ =	shalt  }
0x83: {  	_ =	shalt  }
0x84: {  	_ =	shalt  }
0x85: {  	_ =	shalt  }
0x86: {  	_ =	shalt  }
0x87: {  	_ =	shalt  }
.Lfunc_end0:
.L_simem_size_0:
called_computation.1_lowered:
.L_overlay_start_0:
0x88: {  	s2 =	sld [smem:$0x3FD9]  }
0x89: {  	s3 =	sld [smem:$0x3FFE];
	_ =	sdelay $0x1  }
0x8a: {  	s1 =	srdreg.scid  }
0x8b: {  	s0 =	sand.u32 $0x1, s1  }
0x8c: {  	s14 =	sshll.u32 s0, $0xA;
	s2 =	sadd.s32 s3, s2  }
0x8d: {  	s2 =	sadd.s32 s2, s14  }
0x8e: {  	[smem:$0x3FB7] =	sst s2  }
0x8f: {  	_ = 	snop  }
0x90: {  	s2 =	sld [smem:$0x3FD0];
	_ =	sdelay $0x2  }
0x91: {  	s15 =	simm.s32 $0xA;
	s4 =	simm.s32 $0x10  }
0x92: {  	[smem:s4], [sflag:s15] =	dma.local [hbm:s2], $0x1  }
0x93: {  	_ =	swait.eq [sflag:s15], $0x1  }
0x94: {  	[sflag:s15] =	ssyncset.done $0x0  }
0x95: {  	[sflag:s15] =	ssyncadd.s32 $0xFFFFFFFF  }
0x96: {  	s16 =	sld [smem:$0x11];
	(tm) =	ssettm $0x1  }
0x97: {  	s17 =	sld [smem:$0x3FFB];
	_ =	sdelay $0x3  }
0x98: {  	_ =	strace s17  }
0x99: {  	s3 =	sld [smem:$0x3FFC];
	_ =	sdelay $0x3  }
0x9a: {  	_ =	strace s3  }
0x9b: {  	s3 =	sld [smem:$0x3FFD];
	_ =	sdelay $0x3  }
0x9c: {  	_ =	strace s3  }
0x9d: {  	_ =	strace $0x8FFFFFFF  }
0x9e: {  	s18 =	sld [smem:$0x3FDB];
	_ =	sdelay $0x1  }
0x9f: {  	s19 =	simm.s32 $_scs_section_size  }
0xa0: {  	s5 =	simm.s32 $_size__tile_overlayer_lowered;
	s6 =	simm.s32 $_tile_overlayer_lowered  }
0xa1: {  	s22 =	simm.s32 $0x1BFF;
	s21 =	sshll.u32 s6, $0x1;
	s3 =	sadd.s32 s19, s18  }
0xa2: {  	s7 =	simm.s32 $0x0;
	s20 =	sshll.u32 s5, $0x1;
	s5 =	sadd.s32 s21, s3  }
0xa3: {  	[timem:s7], [sflag:s22] =	dma.local [hbm:s5], s20  }
0xa4: {  	_ =	swait.ge [sflag:s22], s20  }
0xa5: {  	s4 =	ssub.s32 $0x0, s20;
	[sflag:s22] =	ssyncset.done $0x0  }
0xa6: {  	[sflag:s22] =	ssyncadd.s32 s4;
	_ =	sdelay $0x1  }
0xa7: {  	s23 =	simm.s32 $0x1B8B  }
0xa8: {  	_ =	swait.ge [sflag:s23], $0x1  }
0xa9: {  	[sflag:s23] =	ssyncset.done $0x0  }
0xaa: {  	s25 =	simm.s32 $0x1B8E;
	s24 =	sld [smem:$0x3FFE];
	[sflag:s23] =	ssyncadd.s32 $0xFFFFFFFF  }
0xab: {  	s26 =	simm.s32 $execute0_lowered;
	[smem:$0x3FD2] =	sst s25  }
0xac: {  	s5 =	sshll.u32 s26, $0x1;
	_ =	strace $0x80000049;
	[dreg:$0x1] =	wrdreg $0xFFFFFFFF  }
0xad: {  	s28 =	simm.s32 $_size_execute0_lowered;
	s3 =	sadd.s32 s3, s5;
	[dreg:$0x0] =	wrdreg $0x0  }
0xae: {  	s5 =	sshll.u32 s28, $0x1;
	[dreg:$0x2] =	wrdreg s3  }
0xaf: {  	[dreg:$0x3] =	wrdreg s5  }
0xb0: {  	[dreg:$0x4] =	wrdreg $0xC0  }
0xb1: {  	_ =	task [dreg:s7], $0x5FFFF  }
0xb2: {  	[dreg:$0x1] =	wrdreg $0xFFFFFFFF  }
0xb3: {  	[dreg:$0x0] =	wrdreg $0x60  }
0xb4: {  	[dreg:$0x2] =	wrdreg s16  }
0xb5: {  	[dreg:$0x3] =	wrdreg s24  }
0xb6: {  	[dreg:$0x4] =	wrdreg $0x90000  }
0xb7: {  	[dreg:$0x5] =	wrdreg $0x9  }
0xb8: {  	_ =	task.clear_ibuf [dreg:s7], $0x6FFFF;
	_ =	strace $0x90000049  }
0xb9: {  	s29 =	simm.s32 $0x9;
	_ =	strace $0x8000004B  }
0xba: {  	_ =	swait.ge [sflag:s29], $0x1  }
0xbb: {  	[sflag:s29] =	ssyncadd.s32 $0xFFFFFFFF  }
0xbc: {  	_ =	strace $0x9000004B  }
0xbd: {  	_ =	sfence  }
0xbe: {  	s30 =	sld [smem:$0x0];
	_ =	sdelay $0x2  }
0xbf: {  	s31 =	sshll.u32 s1, $0xD;
	s1 =	sshrl.u32 s1, $0x2  }
0xc0: {  	s3 =	sand.u32 $0x4000, s31;
	s1 =	sadd.s32 s1, s30  }
0xc1: {  	s0 =	sor.u32 s3, s0;
	s1 =	sshll.u32 s1, $0x11  }
0xc2: {  	s0 =	sor.u32 s1, s0  }
0xc3: {  	s0 =	sadd.s32 $0x8F2B, s0  }
0xc4: {  	[sflag:s0] =	ssyncadd.remote.s32 $0x1  }
0xc5: {  	_ =	sfence.sel $0xFFFF  }
0xc6: {  	[dreg:$0x0] =	wrdreg $0xFFFFFFFF;
	(pc) =	sbr.abs _section_cstart, $3  }
0xc7: {  	[dreg:$0x1] =	wrdreg $0xFFFFFFFF  }
0xc8: {  	_ =	task.clear_ibuf [dreg:s7], $0x2FFFF;
	_ =	strace $0x9FFFFFFF  }
0xc9: {  	(tm) =	ssettm $0x7FFFFFFF  }
tec
execute0_lowered:
.L_overlay_start_1:
0x0: {  	(tag) =	ssettag $0x1  }
0x1: {  	s1 =	rddreg [dreg:$0x0]  }
0x2: {  	s0 =	rddreg [dreg:$0x1]  }
0x3: {  	s3 =	rddreg [dreg:$0x2];
	s4 =	simm.s32 $0x0;
	s2 =	stileid.u32  }
0x4: {  	s5 =	srdreg.scid;
	s14 =	simm.s32 $0x5;
	s15 =	simm.s32 $0x2800  }
0x5: {  	s16 =	simm.s32 $0x40;
	s17 =	simm.s32 $0x5000;
	s18 =	simm.s32 $0x80  }
0x6: {  	s19 =	simm.s32 $0x7000;
	s20 =	simm.s32 $0x1;
	s21 =	simm.s32 $0x3  }
0x7: {  	s22 =	simm.s32 $0x100;
	s23 =	simm.s32 $0x2;
	s24 =	simm.s32 $0x2880  }
0x8: {  	s28 =	simm.s32 $0x4F00;
	s29 =	simm.s32 $0x4F80;
	s30 =	simm.s32 $0x0  }
0x9: {  	[smem:$0x7FF] =	sst s4;
	s8 =	smul.u32 $0x14000, s2;
	s5 =	sand.u32 $0x1, s5  }
0xa: {  	s6 =	sadd.s32 $0x91600, s0;
	s7 =	sadd.s32 $0x5600, s0;
	s11 =	smul.u32 $0x50000, s2  }
0xb: {  	s31 =	sshll.u32 s2, $0x6;
	s9 =	smul.u32 $0x140000, s5;
	s25 =	ssub.s32 $0x2, s5  }
0xc: {  	_ =	strace $0x8000004A;
	s10 =	sshrl.u32 s8, $0x3;
	s12 =	sshrl.u32 s25, $0x1  }
0xd: {  	s26 =	sshrl.u32 s11, $0x2;
	s8 =	sadd.s32 s8, s9;
	s10 =	sadd.s32 s10, s0  }
0xe: {  	s12 =	ssub.s32 s25, s12;
	s13 =	sadd.s32 s26, s3;
	s9 =	sor.u32 $0x1C05, s31  }
0xf: {  	s25 =	simm.s32 $0x4;
	s26 =	simm.s32 $0x2780;
	s8 =	sshrl.u32 s8, $0x3  }
0x10: {  	s12 =	smax.u32 s12, $0x1;
	s13 =	sshrl.u32 s13, $0x3;
	s0 =	sadd.s32 s8, s0  }
0x11: {  	s8 =	sadd.s32 $0x19600, s10;
	s10 =	sshll.u32 s2, $0x2;
	s11 =	sadd.s32 $0x41600, s0  }
.LBB2_1:
0x12: {  	[spmem:s13], [sflag:s9] =	dma.local [hbm:s8], $0x2800  }
0x13: {  	_ =	swait.ge [sflag:s14], $0x2800  }
0x14: {  	[sflag:s14] =	ssyncset.done $0x0  }
0x15: {  	[sflag:s14] =	ssyncadd.s32 $0xFFFFD800  }
0x16: {  	p1 =	por $0x1, $0x1;
	s31 =	simm.s32 $0x0;
	[bflag:$0x0] =	sbarrier.arrive $0xFFFF  }
.LBB2_2:
0x17: {  	s0 =	sor.u32 s31, s10  }
0x18: {  	s0 =	sor.u32 s5, s0  }
0x19: {  	s0 =	smul.u32 $0x500, s0;
	_ =	sdelay $0x1  }
0x1a: {  	s31 =	sadd.s32 s6, s0  }
0x1b: {  	[tilespmem:s4], [sflag:$0x5] =	stream.linear.gather [hbm4b:s31+s4], $0x2800, $0x38;
	[tilespmem:$0x1D000] =	vst v63  }
0x1c: {  	_ =	swait.ge [sflag:s14], $0x2800  }
0x1d: {  	[sflag:s14] =	ssyncset.done $0x0  }
0x1e: {  	s0 =	sadd.s32 s7, s0;
	[sflag:s14] =	ssyncadd.s32 $0xFFFFD800  }
0x1f: {  	[tilespmem:s15], [sflag:$0x5] =	stream.linear.gather [hbm4b:s0+s4], $0x2800, $0x38;
	[tilespmem:$0x1D000] =	vst v63  }
0x20: {  	_ =	swait.ge [sflag:s14], $0x2800  }
0x21: {  	[sflag:s14] =	ssyncset.done $0x0  }
0x22: {  	[sflag:s14] =	ssyncadd.s32 $0xFFFFD800  }
0x23: {  	[tilespmem:s17], [sflag:$0x1] =	stream.indirect.gather [hbm4b:s1+s16], $0x80, s4, s16, $0xb8;
	[tilespmem:$0x1D000] =	vst v63  }
0x24: {  	_ = 	snop  }
0x25: {  	[tilespmem:s19], [sflag:$0x2] =	stream.indirect.gather [hbm4b:s1+s16], $0x80, s18, s16, $0xb8;
	[tilespmem:$0x1D000] =	vst v63  }
0x26: {  	_ =	swait.ge [sflag:s20], $0x2000  }
0x27: {  	[sflag:s20] =	ssyncset.done $0x0  }
0x28: {  	[sflag:s20] =	ssyncadd.s32 $0xFFFFE000  }
0x29: {  	[spmem:s3] =	stream.indirect.scatter.add.f32 [tilespmem:s17], [sflag:$0x3], $0x80, s15, s16, $0xb8;
	[tilespmem:$0x1D000] =	vst v63  }
0x2a: {  	_ =	swait.ge [sflag:s21], $0x2000  }
0x2b: {  	[sflag:s21] =	ssyncset.done $0x0  }
0x2c: {  	[sflag:s21] =	ssyncadd.s32 $0xFFFFE000  }
0x2d: {  	[tilespmem:s17], [sflag:$0x1] =	stream.indirect.gather [hbm4b:s1+s16], $0x80, s22, s16, $0xb8;
	[tilespmem:$0x1D000] =	vst v63  }
0x2e: {  	_ =	swait.ge [sflag:s23], $0x2000  }
0x2f: {  	[sflag:s23] =	ssyncset.done $0x0  }
0x30: {  	[sflag:s23] =	ssyncadd.s32 $0xFFFFE000  }
0x31: {  	[spmem:s3] =	stream.indirect.scatter.add.f32 [tilespmem:s19], [sflag:$0x4], $0x80, s24, s16, $0xb8;
	[tilespmem:$0x1D000] =	vst v63  }
0x32: {  	_ =	swait.ge [sflag:s25], $0x2000  }
0x33: {  	[sflag:s25] =	ssyncset.done $0x0  }
0x34: {  	s2 =	simm.s32 $0x180;
	[sflag:s25] =	ssyncadd.s32 $0xFFFFE000  }
0x35: {  	[tilespmem:s19], [sflag:$0x2] =	stream.indirect.gather [hbm4b:s1+s16], $0x80, s2, s16, $0xb8;
	[tilespmem:$0x1D000] =	vst v63  }
0x36: {  	_ =	swait.ge [sflag:s20], $0x2000  }
0x37: {  	[sflag:s20] =	ssyncset.done $0x0  }
0x38: {  	s2 =	simm.s32 $0x2900;
	[sflag:s20] =	ssyncadd.s32 $0xFFFFE000  }
0x39: {  	[spmem:s3] =	stream.indirect.scatter.add.f32 [tilespmem:s17], [sflag:$0x3], $0x80, s2, s16, $0xb8;
	[tilespmem:$0x1D000] =	vst v63  }
0x3a: {  	_ =	swait.ge [sflag:s21], $0x2000  }
0x3b: {  	[sflag:s21] =	ssyncset.done $0x0  }
0x3c: {  	s2 =	simm.s32 $0x200;
	[sflag:s21] =	ssyncadd.s32 $0xFFFFE000  }
0x3d: {  	[tilespmem:s17], [sflag:$0x1] =	stream.indirect.gather [hbm4b:s1+s16], $0x80, s2, s16, $0xb8;
	[tilespmem:$0x1D000] =	vst v63  }
0x3e: {  	_ =	swait.ge [sflag:s23], $0x2000  }
0x3f: {  	p0 =	por p1, p1;
	[sflag:s23] =	ssyncset.done $0x0  }
0x40: {  	s31 =	simm.s32 $0xFFFF6C00;
	s0 =	simm.s32 $0x2980;
	[sflag:s23] =	ssyncadd.s32 $0xFFFFE000  }
.LBB2_3:
0x41: {  	[spmem:s3] =	stream.indirect.scatter.add.f32 [tilespmem:s19], [sflag:$0x4], $0x80, s0, s16, $0xb8;
	[tilespmem:$0x1D000] =	vst v63  }
0x42: {  	s0 =	smov.u32 s31  }
0x43: {  	p1 =	sne.s32 s31, $0xFFFFFC00;
	s31 =	sadd.s32 $0x400, s31;
	_ =	swait.ge [sflag:s25], $0x2000  }
0x44: {  	s0 =	sshra.s32 s0, $0x2;
	[sflag:s25] =	ssyncset.done $0x0  }
0x45: {  	s2 =	sadd.s32 $0x2780, s0;
	[sflag:s25] =	ssyncadd.s32 $0xFFFFE000  }
0x46: {  	[tilespmem:s19], [sflag:$0x2] =	stream.indirect.gather [hbm4b:s1+s16], $0x80, s2, s16, $0xb8;
	[tilespmem:$0x1D000] =	vst v63  }
0x47: {  	_ =	swait.ge [sflag:s20], $0x2000  }
0x48: {  	[sflag:s20] =	ssyncset.done $0x0  }
0x49: {  	s2 =	sadd.s32 $0x4F00, s0;
	[sflag:s20] =	ssyncadd.s32 $0xFFFFE000  }
0x4a: {  	[spmem:s3] =	stream.indirect.scatter.add.f32 [tilespmem:s17], [sflag:$0x3], $0x80, s2, s16, $0xb8;
	[tilespmem:$0x1D000] =	vst v63  }
0x4b: {  	_ =	swait.ge [sflag:s21], $0x2000  }
0x4c: {  	[sflag:s21] =	ssyncset.done $0x0  }
.Ltmp0:
0x4d: {  	s2 =	sadd.s32 $0x2800, s0;
	[sflag:s21] =	ssyncadd.s32 $0xFFFFE000;
	(pc) =	sbr.rel @p1 .LBB2_3-.Ltmp0, $4  }
0x4e: {  	[tilespmem:s17], [sflag:$0x1] =	stream.indirect.gather [hbm4b:s1+s16], $0x80, s2, s16, $0xb8;
	[tilespmem:$0x1D000] =	vst v63  }
0x4f: {  	_ =	swait.ge [sflag:s23], $0x2000  }
0x50: {  	[sflag:s23] =	ssyncset.done $0x0  }
0x51: {  	s0 =	sadd.s32 $0x4F80, s0;
	[sflag:s23] =	ssyncadd.s32 $0xFFFFE000  }
0x52: {  	[spmem:s3] =	stream.indirect.scatter.add.f32 [tilespmem:s19], [sflag:$0x4], $0x80, s0, s16, $0xb8;
	[tilespmem:$0x1D000] =	vst v63  }
0x53: {  	_ =	swait.ge [sflag:s25], $0x2000  }
0x54: {  	[sflag:s25] =	ssyncset.done $0x0  }
0x55: {  	[sflag:s25] =	ssyncadd.s32 $0xFFFFE000  }
0x56: {  	[tilespmem:s19], [sflag:$0x2] =	stream.indirect.gather [hbm4b:s1+s16], $0x80, s26, s16, $0xb8;
	[tilespmem:$0x1D000] =	vst v63  }
0x57: {  	_ =	swait.ge [sflag:s20], $0x2000  }
0x58: {  	[sflag:s20] =	ssyncset.done $0x0  }
0x59: {  	[sflag:s20] =	ssyncadd.s32 $0xFFFFE000  }
0x5a: {  	[spmem:s3] =	stream.indirect.scatter.add.f32 [tilespmem:s17], [sflag:$0x3], $0x80, s28, s16, $0xb8;
	[tilespmem:$0x1D000] =	vst v63  }
0x5b: {  	_ =	swait.ge [sflag:s21], $0x2000  }
0x5c: {  	[sflag:s21] =	ssyncset.done $0x0  }
0x5d: {  	s31 =	simm.s32 $0x2;
	[sflag:s21] =	ssyncadd.s32 $0xFFFFE000  }
0x5e: {  	_ =	swait.ge [sflag:s31], $0x2000  }
0x5f: {  	[sflag:s31] =	ssyncset.done $0x0  }
.Ltmp1:
0x60: {  	[sflag:s31] =	ssyncadd.s32 $0xFFFFE000;
	(pc) =	sbr.rel @p0 .LBB2_2-.Ltmp1, $4  }
0x61: {  	[spmem:s3] =	stream.indirect.scatter.add.f32 [tilespmem:s19], [sflag:$0x4], $0x80, s29, s16, $0xb8;
	[tilespmem:$0x1D000] =	vst v63  }
0x62: {  	_ =	swait.ge [sflag:s25], $0x2000  }
0x63: {  	[sflag:s25] =	ssyncset.done $0x0  }
0x64: {  	p1 =	por $0x0, $0x0;
	[sflag:s25] =	ssyncadd.s32 $0xFFFFE000  }
0x65: {  	s30 =	sadd.s32 $0x1, s30  }
0x66: {  	p0 =	sne.s32 s30, s12  }
.Ltmp2:
0x67: {  	[bflag:$0x0] =	sbarrier.arrive $0xFFFF;
	(pc) =	sbr.rel @p0 .LBB2_1-.Ltmp2, $4  }
0x68: {  	[hbm:s11], [sflag:s9] =	dma.local [spmem:s13], $0x2800  }
0x69: {  	_ =	swait.ge [sflag:s14], $0x2800  }
0x6a: {  	[sflag:s14] =	ssyncset.done $0x0  }
0x6b: {  	[sflag:s14] =	ssyncadd.s32 $0xFFFFD800  }
0x6c: {  	_ =	sfence.sel $0x180000  }
0x6d: {  	[bflag:$0x0] =	sbarrier.arrive $0xFFFF  }
0x6e: {  	_ =	strace $0x9000004A  }
0x6f: {  	s0 =	stileid.u32;
	[bflag:$0x2] =	sbarrier.arrive $0xFFFF  }
0x70: {  	p0 =	sne.s32 s0, $0x0;
	s0 =	rddreg [dreg:$0x3]  }
0x71: {  	s0 =	sadd.s32 @!p0 $0x100000, s0  }
0x72: {  	[sflag:s0] =	ssyncadd.tile.s32 @!p0 $0x1;
	_ =	shalt  }
.Lfunc_end2:
_tile_overlayer_lowered:
.L_overlay_start_2:
0x73: {  	(tag) =	ssettag $0x2  }
0x74: {  	s0 =	rddreg [dreg:$0x0];
	s2 =	stileid.u32  }
0x75: {  	s1 =	rddreg [dreg:$0x1];
	p0 =	sne.s32 s2, $0x0  }
0x76: {  	s3 =	rddreg [dreg:$0x2];
	[bflag:$0x3] =	sbarrier.arrive $0xFFFF;
	s2 =	simm.s32 @!p0 $0x1C05  }
0x77: {  	[timem:s3], [sflag:s2] =	dma.local @!p0 [hbm:s0], s1  }
0x78: {  	s0 =	simm.s32 @!p0 $0x5  }
0x79: {  	_ =	swait.ge @!p0 [sflag:s0], s1  }
0x7a: {  	s1 =	ssub.s32 @!p0 $0x0, s1;
	[sflag:s0] =	ssyncset.done @!p0 $0x0  }
0x7b: {  	[sflag:s0] =	ssyncadd.s32 @!p0 s1  }
0x7c: {  	[bflag:$0x3] =	sbarrier.arrive $0xFFFF  }
0x7d: {  	_ =	shalt  }

// kernel: kernel.14.cloned.1.call-start
scs
__scs_entry_jumppad:
0x0: {  	(pc) =	sbr.rel $0x88, $3  }
0x1: {  	(tag) =	ssettag $0x0;
	lr =	simm.s32 $0x1  }
0x2: {  	[smem:$0x3F90] =	sst lr;
	_ =	strace $0xD0000000  }
0x3: {  	_ = 	snop  }
0x4: {  	_ = 	snop  }
0x5: {  	_ = 	snop  }
0x6: {  	_ = 	snop  }
0x7: {  	_ = 	snop  }
__scs_overlays_trampoline_lowered:
0x8: {  	[smem:$0x3F9F] =	sst s0  }
0x9: {  	[smem:$0x3FA0] =	sst s1  }
0xa: {  	[smem:$0x3FA1] =	sst s2  }
0xb: {  	[smem:$0x3FA2] =	sst s3  }
0xc: {  	[smem:$0x3FA3] =	sst s4  }
0xd: {  	[smem:$0x3FA4] =	sst s5  }
0xe: {  	[smem:$0x3FA5] =	sst s6  }
0xf: {  	[smem:$0x3FA6] =	sst s7  }
0x10: {  	[smem:$0x3FA7] =	sst s8  }
0x11: {  	[smem:$0x3FA8] =	sst s9;
	s0 =	simm.s32 @!p0 $0x0  }
0x12: {  	s1 =	sld [smem:$0x3F8E];
	s0 =	simm.s32 @p0 $0x1  }
0x13: {  	[smem:$0x3FA9] =	sst s0;
	s0 =	simm.s32 @!p1 $0x0  }
0x14: {  	s2 =	sld [smem:$0x3F8D];
	s0 =	simm.s32 @p1 $0x1  }
0x15: {  	[smem:$0x3FAA] =	sst s0;
	s0 =	simm.s32 @!p2 $0x0  }
0x16: {  	s3 =	sld [smem:$0x3FDB];
	s0 =	simm.s32 @p2 $0x1  }
0x17: {  	s4 =	simm.s32 $0x1BF5;
	[smem:$0x3FAC] =	sst s0  }
0x18: {  	s0 =	sld [smem:$0x3F8F];
	_ =	swait.ge [sflag:s4], $0x0  }
0x19: {  	s7 =	sld [smem:$0x3F90]  }
0x1a: {  	s8 =	sadd.s32 $0xFFFFE003, lr  }
0x1b: {  	s9 =	sadd.s32 $0xFFFFFEF7, lr;
	s5 =	simm.s32 $0xFFFFFFFF;
	p2 =	slt.u32 s8, $0xFFFFF086  }
0x1c: {  	p1 =	slt.u32 s9, $0xF7A;
	s5 =	simm.s32 @!p2 $0x0  }
0x1d: {  	s5 =	simm.s32 @p1 $0x1;
	p0 =	seq.s32 s7, s2  }
0x1e: {  	s7 =	smul.u32 @!p0 $0xF7A, s2;
	p2 =	seq.s32 @!p0 s5, $0x0  }
0x1f: {  	s9 =	smul.u32 $0xF7A, s1;
	s8 =	simm.s32 @!p0 $0x1BF5;
	p2 =	por !p2, p0  }
0x20: {  	[sflag:s8] =	ssyncset.s32 @!p0 $0xFFFFF086;
	s6 =	sadd.s32 @!p0 s3, s7;
	s7 =	simm.s32 @!p0 $0x108  }
0x21: {  	s3 =	sadd.s32 s3, s9;
	s6 =	sadd.s32 @!p0 $0x88, s6;
	s7 =	simm.s32 @p2 $0x1082  }
0x22: {  	[simem:s7], [sflag:s8] =	dma.local @!p0 [hbm:s6], $0xF7A  }
0x23: {  	s9 =	sor.u32 $0xD0000000, s2;
	s6 =	simm.s32 $0x108;
	_ =	swait.ge @!p0 [sflag:s8], $0x0  }
0x24: {  	s3 =	sadd.s32 $0x88, s3;
	s6 =	simm.s32 @!p1 $0x1082;
	[sflag:s4] =	ssyncset.s32 $0xFFFFF086  }
0x25: {  	[simem:s6], [sflag:s4] =	dma.local [hbm:s3], $0xF7A  }
0x26: {  	[smem:$0x3F90] =	sst s1;
	(tag) =	ssettag s2;
	_ =	strace s9  }
0x27: {  	s1 =	sld [smem:$0x3FA0]  }
0x28: {  	s2 =	sld [smem:$0x3FA1]  }
0x29: {  	s4 =	sld [smem:$0x3FA3]  }
0x2a: {  	p0 =	seq.s32 s5, $0x0;
	s5 =	sld [smem:$0x3FA4]  }
0x2b: {  	s6 =	sld [smem:$0x3FA5]  }
0x2c: {  	s7 =	sld [smem:$0x3FA6]  }
0x2d: {  	s3 =	simm.s32 $0x108;
	s8 =	sld [smem:$0x3FA7]  }
0x2e: {  	s3 =	simm.s32 @!p0 $0x1082;
	s9 =	sld [smem:$0x3FA8]  }
0x2f: {  	lr =	sadd.s32 s0, s3;
	s0 =	sld [smem:$0x3F9F]  }
0x30: {  	s3 =	sld [smem:$0x3FA2]  }
0x31: {  	[smem:$0x3FAB] =	sst s10  }
0x32: {  	s10 =	sld [smem:$0x3FA9];
	_ =	sdelay $0x3  }
0x33: {  	p0 =	seq.s32 s10, $0x1;
	s10 =	sld [smem:$0x3FAB];
	_ =	sdelay $0x3  }
0x34: {  	[smem:$0x3FAB] =	sst s10  }
0x35: {  	s10 =	sld [smem:$0x3FAA];
	_ =	sdelay $0x3  }
0x36: {  	p1 =	seq.s32 s10, $0x1;
	s10 =	sld [smem:$0x3FAB];
	_ =	sdelay $0x3  }
0x37: {  	[smem:$0x3FAB] =	sst s10  }
0x38: {  	s10 =	sld [smem:$0x3FAC]  }
0x39: {  	_ = 	snop;
	(pc) =	sbr.ind lr, $3  }
0x3a: {  	_ = 	snop  }
0x3b: {  	_ = 	snop  }
0x3c: {  	p2 =	seq.s32 s10, $0x1;
	s10 =	sld [smem:$0x3FAB]  }
0x3d: {  	_ =	shalt  }
0x3e: {  	_ =	shalt  }
0x3f: {  	_ =	shalt  }
0x40: {  	_ =	shalt  }
0x41: {  	_ =	shalt  }
0x42: {  	_ =	shalt  }
0x43: {  	_ =	shalt  }
0x44: {  	_ =	shalt  }
0x45: {  	_ =	shalt  }
0x46: {  	_ =	shalt  }
0x47: {  	_ =	shalt  }
0x48: {  	_ =	shalt  }
0x49: {  	_ =	shalt  }
0x4a: {  	_ =	shalt  }
0x4b: {  	_ =	shalt  }
0x4c: {  	_ =	shalt  }
0x4d: {  	_ =	shalt  }
0x4e: {  	_ =	shalt  }
0x4f: {  	_ =	shalt  }
0x50: {  	_ =	shalt  }
0x51: {  	_ =	shalt  }
0x52: {  	_ =	shalt  }
0x53: {  	_ =	shalt  }
0x54: {  	_ =	shalt  }
0x55: {  	_ =	shalt  }
0x56: {  	_ =	shalt  }
0x57: {  	_ =	shalt  }
0x58: {  	_ =	shalt  }
0x59: {  	_ =	shalt  }
0x5a: {  	_ =	shalt  }
0x5b: {  	_ =	shalt  }
0x5c: {  	_ =	shalt  }
0x5d: {  	_ =	shalt  }
0x5e: {  	_ =	shalt  }
0x5f: {  	_ =	shalt  }
0x60: {  	_ =	shalt  }
0x61: {  	_ =	shalt  }
0x62: {  	_ =	shalt  }
0x63: {  	_ =	shalt  }
0x64: {  	_ =	shalt  }
0x65: {  	_ =	shalt  }
0x66: {  	_ =	shalt  }
0x67: {  	_ =	shalt  }
0x68: {  	_ =	shalt  }
0x69: {  	_ =	shalt  }
0x6a: {  	_ =	shalt  }
0x6b: {  	_ =	shalt  }
0x6c: {  	_ =	shalt  }
0x6d: {  	_ =	shalt  }
0x6e: {  	_ =	shalt  }
0x6f: {  	_ =	shalt  }
0x70: {  	_ =	shalt  }
0x71: {  	_ =	shalt  }
0x72: {  	_ =	shalt  }
0x73: {  	_ =	shalt  }
0x74: {  	_ =	shalt  }
0x75: {  	_ =	shalt  }
0x76: {  	_ =	shalt  }
0x77: {  	_ =	shalt  }
0x78: {  	_ =	shalt  }
0x79: {  	_ =	shalt  }
0x7a: {  	_ =	shalt  }
0x7b: {  	_ =	shalt  }
0x7c: {  	_ =	shalt  }
0x7d: {  	_ =	shalt  }
0x7e: {  	_ =	shalt  }
0x7f: {  	_ =	shalt  }
0x80: {  	_ =	shalt  }
0x81: {  	_ =	shalt  }
0x82: {  	_ =	shalt  }
0x83: {  	_ =	shalt  }
0x84: {  	_ =	shalt  }
0x85: {  	_ =	shalt  }
0x86: {  	_ =	shalt  }
0x87: {  	_ =	shalt  }
.Lfunc_end0:
.L_simem_size_0:
called_computation.2_lowered:
.L_overlay_start_0:
0x88: {  	s2 =	sld [smem:$0x3FD9]  }
0x89: {  	s3 =	sld [smem:$0x3FFE];
	_ =	sdelay $0x1  }
0x8a: {  	s1 =	srdreg.scid  }
0x8b: {  	s0 =	sand.u32 $0x1, s1  }
0x8c: {  	s14 =	sshll.u32 s0, $0xA;
	s2 =	sadd.s32 s3, s2  }
0x8d: {  	s2 =	sadd.s32 s2, s14  }
0x8e: {  	[smem:$0x3FB7] =	sst s2  }
0x8f: {  	_ = 	snop  }
0x90: {  	s2 =	sld [smem:$0x3FD0];
	_ =	sdelay $0x2  }
0x91: {  	s15 =	simm.s32 $0xA;
	s4 =	simm.s32 $0x10  }
0x92: {  	[smem:s4], [sflag:s15] =	dma.local [hbm:s2], $0x1  }
0x93: {  	_ =	swait.eq [sflag:s15], $0x1  }
0x94: {  	[sflag:s15] =	ssyncset.done $0x0  }
0x95: {  	[sflag:s15] =	ssyncadd.s32 $0xFFFFFFFF  }
0x96: {  	s16 =	sld [smem:$0x11];
	(tm) =	ssettm $0x1  }
0x97: {  	s17 =	sld [smem:$0x3FFB];
	_ =	sdelay $0x3  }
0x98: {  	_ =	strace s17  }
0x99: {  	s3 =	sld [smem:$0x3FFC];
	_ =	sdelay $0x3  }
0x9a: {  	_ =	strace s3  }
0x9b: {  	s3 =	sld [smem:$0x3FFD];
	_ =	sdelay $0x3  }
0x9c: {  	_ =	strace s3  }
0x9d: {  	_ =	strace $0x8FFFFFFF  }
0x9e: {  	s18 =	sld [smem:$0x3FDB];
	_ =	sdelay $0x1  }
0x9f: {  	s19 =	simm.s32 $_scs_section_size  }
0xa0: {  	s5 =	simm.s32 $_size__tile_overlayer_lowered;
	s6 =	simm.s32 $_tile_overlayer_lowered  }
0xa1: {  	s22 =	simm.s32 $0x1BFF;
	s21 =	sshll.u32 s6, $0x1;
	s3 =	sadd.s32 s19, s18  }
0xa2: {  	s7 =	simm.s32 $0x0;
	s20 =	sshll.u32 s5, $0x1;
	s5 =	sadd.s32 s21, s3  }
0xa3: {  	[timem:s7], [sflag:s22] =	dma.local [hbm:s5], s20  }
0xa4: {  	_ =	swait.ge [sflag:s22], s20  }
0xa5: {  	s4 =	ssub.s32 $0x0, s20;
	[sflag:s22] =	ssyncset.done $0x0  }
0xa6: {  	[sflag:s22] =	ssyncadd.s32 s4;
	_ =	sdelay $0x1  }
0xa7: {  	s23 =	simm.s32 $0x1B8B  }
0xa8: {  	_ =	swait.ge [sflag:s23], $0x1  }
0xa9: {  	[sflag:s23] =	ssyncset.done $0x0  }
0xaa: {  	s25 =	simm.s32 $0x1B8E;
	s24 =	sld [smem:$0x3FFE];
	[sflag:s23] =	ssyncadd.s32 $0xFFFFFFFF  }
0xab: {  	s26 =	simm.s32 $execute0_lowered;
	[smem:$0x3FD2] =	sst s25  }
0xac: {  	s5 =	sshll.u32 s26, $0x1;
	_ =	strace $0x8000004C;
	[dreg:$0x1] =	wrdreg $0xFFFFFFFF  }
0xad: {  	s28 =	simm.s32 $_size_execute0_lowered;
	s3 =	sadd.s32 s3, s5;
	[dreg:$0x0] =	wrdreg $0x0  }
0xae: {  	s5 =	sshll.u32 s28, $0x1;
	[dreg:$0x2] =	wrdreg s3  }
0xaf: {  	[dreg:$0x3] =	wrdreg s5  }
0xb0: {  	[dreg:$0x4] =	wrdreg $0xC0  }
0xb1: {  	_ =	task [dreg:s7], $0x5FFFF  }
0xb2: {  	[dreg:$0x1] =	wrdreg $0xFFFFFFFF  }
0xb3: {  	[dreg:$0x0] =	wrdreg $0x60  }
0xb4: {  	[dreg:$0x2] =	wrdreg s16  }
0xb5: {  	[dreg:$0x3] =	wrdreg s24  }
0xb6: {  	[dreg:$0x4] =	wrdreg $0x90000  }
0xb7: {  	[dreg:$0x5] =	wrdreg $0x9  }
0xb8: {  	_ =	task.clear_ibuf [dreg:s7], $0x6FFFF;
	_ =	strace $0x9000004C  }
0xb9: {  	s29 =	simm.s32 $0x9;
	_ =	strace $0x8000004E  }
0xba: {  	_ =	swait.ge [sflag:s29], $0x1  }
0xbb: {  	[sflag:s29] =	ssyncadd.s32 $0xFFFFFFFF  }
0xbc: {  	_ =	strace $0x9000004E  }
0xbd: {  	_ =	sfence  }
0xbe: {  	s30 =	sld [smem:$0x0];
	_ =	sdelay $0x2  }
0xbf: {  	s31 =	sshll.u32 s1, $0xD;
	s1 =	sshrl.u32 s1, $0x2  }
0xc0: {  	s3 =	sand.u32 $0x4000, s31;
	s1 =	sadd.s32 s1, s30  }
0xc1: {  	s0 =	sor.u32 s3, s0;
	s1 =	sshll.u32 s1, $0x11  }
0xc2: {  	s0 =	sor.u32 s1, s0  }
0xc3: {  	s0 =	sadd.s32 $0x8F2B, s0  }
0xc4: {  	[sflag:s0] =	ssyncadd.remote.s32 $0x1  }
0xc5: {  	_ =	sfence.sel $0xFFFF  }
0xc6: {  	[dreg:$0x0] =	wrdreg $0xFFFFFFFF;
	(pc) =	sbr.abs _section_cstart, $3  }
0xc7: {  	[dreg:$0x1] =	wrdreg $0xFFFFFFFF  }
0xc8: {  	_ =	task.clear_ibuf [dreg:s7], $0x2FFFF;
	_ =	strace $0x9FFFFFFF  }
0xc9: {  	(tm) =	ssettm $0x7FFFFFFF  }
tec
execute0_lowered:
.L_overlay_start_1:
0x0: {  	(tag) =	ssettag $0x1  }
0x1: {  	s1 =	rddreg [dreg:$0x0]  }
0x2: {  	s0 =	rddreg [dreg:$0x1]  }
0x3: {  	s3 =	rddreg [dreg:$0x2];
	s4 =	simm.s32 $0x0;
	s2 =	stileid.u32  }
0x4: {  	s5 =	srdreg.scid;
	s14 =	simm.s32 $0x5;
	s15 =	simm.s32 $0x2800  }
0x5: {  	s16 =	simm.s32 $0x40;
	s17 =	simm.s32 $0x5000;
	s18 =	simm.s32 $0x80  }
0x6: {  	s19 =	simm.s32 $0x7000;
	s20 =	simm.s32 $0x1;
	s21 =	simm.s32 $0x3  }
0x7: {  	s22 =	simm.s32 $0x100;
	s23 =	simm.s32 $0x2;
	s24 =	simm.s32 $0x2880  }
0x8: {  	s28 =	simm.s32 $0x4F00;
	s29 =	simm.s32 $0x4F80;
	s30 =	simm.s32 $0x0  }
0x9: {  	[smem:$0x7FF] =	sst s4;
	s8 =	smul.u32 $0x14000, s2;
	s5 =	sand.u32 $0x1, s5  }
0xa: {  	s6 =	sadd.s32 $0x91600, s0;
	s7 =	sadd.s32 $0x5600, s0;
	s11 =	smul.u32 $0x50000, s2  }
0xb: {  	s31 =	sshll.u32 s2, $0x6;
	s9 =	smul.u32 $0x140000, s5;
	s25 =	ssub.s32 $0x2, s5  }
0xc: {  	_ =	strace $0x8000004D;
	s10 =	sshrl.u32 s8, $0x3;
	s12 =	sshrl.u32 s25, $0x1  }
0xd: {  	s26 =	sshrl.u32 s11, $0x2;
	s8 =	sadd.s32 s8, s9;
	s10 =	sadd.s32 s10, s0  }
0xe: {  	s12 =	ssub.s32 s25, s12;
	s13 =	sadd.s32 s26, s3;
	s9 =	sor.u32 $0x1C05, s31  }
0xf: {  	s25 =	simm.s32 $0x4;
	s26 =	simm.s32 $0x2780;
	s8 =	sshrl.u32 s8, $0x3  }
0x10: {  	s12 =	smax.u32 s12, $0x1;
	s13 =	sshrl.u32 s13, $0x3;
	s0 =	sadd.s32 s8, s0  }
0x11: {  	s8 =	sadd.s32 $0x19600, s10;
	s10 =	sshll.u32 s2, $0x2;
	s11 =	sadd.s32 $0x41600, s0  }
.LBB2_1:
0x12: {  	[spmem:s13], [sflag:s9] =	dma.local [hbm:s8], $0x2800  }
0x13: {  	_ =	swait.ge [sflag:s14], $0x2800  }
0x14: {  	[sflag:s14] =	ssyncset.done $0x0  }
0x15: {  	[sflag:s14] =	ssyncadd.s32 $0xFFFFD800  }
0x16: {  	p1 =	por $0x1, $0x1;
	s31 =	simm.s32 $0x0;
	[bflag:$0x0] =	sbarrier.arrive $0xFFFF  }
.LBB2_2:
0x17: {  	s0 =	sor.u32 s31, s10  }
0x18: {  	s0 =	sor.u32 s5, s0  }
0x19: {  	s0 =	smul.u32 $0x500, s0;
	_ =	sdelay $0x1  }
0x1a: {  	s31 =	sadd.s32 s6, s0  }
0x1b: {  	[tilespmem:s4], [sflag:$0x5] =	stream.linear.gather [hbm4b:s31+s4], $0x2800, $0x38;
	[tilespmem:$0x1D000] =	vst v63  }
0x1c: {  	_ =	swait.ge [sflag:s14], $0x2800  }
0x1d: {  	[sflag:s14] =	ssyncset.done $0x0  }
0x1e: {  	s0 =	sadd.s32 s7, s0;
	[sflag:s14] =	ssyncadd.s32 $0xFFFFD800  }
0x1f: {  	[tilespmem:s15], [sflag:$0x5] =	stream.linear.gather [hbm4b:s0+s4], $0x2800, $0x38;
	[tilespmem:$0x1D000] =	vst v63  }
0x20: {  	_ =	swait.ge [sflag:s14], $0x2800  }
0x21: {  	[sflag:s14] =	ssyncset.done $0x0  }
0x22: {  	[sflag:s14] =	ssyncadd.s32 $0xFFFFD800  }
0x23: {  	[tilespmem:s17], [sflag:$0x1] =	stream.indirect.gather [hbm4b:s1+s16], $0x80, s4, s16, $0xb8;
	[tilespmem:$0x1D000] =	vst v63  }
0x24: {  	_ = 	snop  }
0x25: {  	[tilespmem:s19], [sflag:$0x2] =	stream.indirect.gather [hbm4b:s1+s16], $0x80, s18, s16, $0xb8;
	[tilespmem:$0x1D000] =	vst v63  }
0x26: {  	_ =	swait.ge [sflag:s20], $0x2000  }
0x27: {  	[sflag:s20] =	ssyncset.done $0x0  }
0x28: {  	[sflag:s20] =	ssyncadd.s32 $0xFFFFE000  }
0x29: {  	[spmem:s3] =	stream.indirect.scatter.add.f32 [tilespmem:s17], [sflag:$0x3], $0x80, s15, s16, $0xb8;
	[tilespmem:$0x1D000] =	vst v63  }
0x2a: {  	_ =	swait.ge [sflag:s21], $0x2000  }
0x2b: {  	[sflag:s21] =	ssyncset.done $0x0  }
0x2c: {  	[sflag:s21] =	ssyncadd.s32 $0xFFFFE000  }
0x2d: {  	[tilespmem:s17], [sflag:$0x1] =	stream.indirect.gather [hbm4b:s1+s16], $0x80, s22, s16, $0xb8;
	[tilespmem:$0x1D000] =	vst v63  }
0x2e: {  	_ =	swait.ge [sflag:s23], $0x2000  }
0x2f: {  	[sflag:s23] =	ssyncset.done $0x0  }
0x30: {  	[sflag:s23] =	ssyncadd.s32 $0xFFFFE000  }
0x31: {  	[spmem:s3] =	stream.indirect.scatter.add.f32 [tilespmem:s19], [sflag:$0x4], $0x80, s24, s16, $0xb8;
	[tilespmem:$0x1D000] =	vst v63  }
0x32: {  	_ =	swait.ge [sflag:s25], $0x2000  }
0x33: {  	[sflag:s25] =	ssyncset.done $0x0  }
0x34: {  	s2 =	simm.s32 $0x180;
	[sflag:s25] =	ssyncadd.s32 $0xFFFFE000  }
0x35: {  	[tilespmem:s19], [sflag:$0x2] =	stream.indirect.gather [hbm4b:s1+s16], $0x80, s2, s16, $0xb8;
	[tilespmem:$0x1D000] =	vst v63  }
0x36: {  	_ =	swait.ge [sflag:s20], $0x2000  }
0x37: {  	[sflag:s20] =	ssyncset.done $0x0  }
0x38: {  	s2 =	simm.s32 $0x2900;
	[sflag:s20] =	ssyncadd.s32 $0xFFFFE000  }
0x39: {  	[spmem:s3] =	stream.indirect.scatter.add.f32 [tilespmem:s17], [sflag:$0x3], $0x80, s2, s16, $0xb8;
	[tilespmem:$0x1D000] =	vst v63  }
0x3a: {  	_ =	swait.ge [sflag:s21], $0x2000  }
0x3b: {  	[sflag:s21] =	ssyncset.done $0x0  }
0x3c: {  	s2 =	simm.s32 $0x200;
	[sflag:s21] =	ssyncadd.s32 $0xFFFFE000  }
0x3d: {  	[tilespmem:s17], [sflag:$0x1] =	stream.indirect.gather [hbm4b:s1+s16], $0x80, s2, s16, $0xb8;
	[tilespmem:$0x1D000] =	vst v63  }
0x3e: {  	_ =	swait.ge [sflag:s23], $0x2000  }
0x3f: {  	p0 =	por p1, p1;
	[sflag:s23] =	ssyncset.done $0x0  }
0x40: {  	s31 =	simm.s32 $0xFFFF6C00;
	s0 =	simm.s32 $0x2980;
	[sflag:s23] =	ssyncadd.s32 $0xFFFFE000  }
.LBB2_3:
0x41: {  	[spmem:s3] =	stream.indirect.scatter.add.f32 [tilespmem:s19], [sflag:$0x4], $0x80, s0, s16, $0xb8;
	[tilespmem:$0x1D000] =	vst v63  }
0x42: {  	s0 =	smov.u32 s31  }
0x43: {  	p1 =	sne.s32 s31, $0xFFFFFC00;
	s31 =	sadd.s32 $0x400, s31;
	_ =	swait.ge [sflag:s25], $0x2000  }
0x44: {  	s0 =	sshra.s32 s0, $0x2;
	[sflag:s25] =	ssyncset.done $0x0  }
0x45: {  	s2 =	sadd.s32 $0x2780, s0;
	[sflag:s25] =	ssyncadd.s32 $0xFFFFE000  }
0x46: {  	[tilespmem:s19], [sflag:$0x2] =	stream.indirect.gather [hbm4b:s1+s16], $0x80, s2, s16, $0xb8;
	[tilespmem:$0x1D000] =	vst v63  }
0x47: {  	_ =	swait.ge [sflag:s20], $0x2000  }
0x48: {  	[sflag:s20] =	ssyncset.done $0x0  }
0x49: {  	s2 =	sadd.s32 $0x4F00, s0;
	[sflag:s20] =	ssyncadd.s32 $0xFFFFE000  }
0x4a: {  	[spmem:s3] =	stream.indirect.scatter.add.f32 [tilespmem:s17], [sflag:$0x3], $0x80, s2, s16, $0xb8;
	[tilespmem:$0x1D000] =	vst v63  }
0x4b: {  	_ =	swait.ge [sflag:s21], $0x2000  }
0x4c: {  	[sflag:s21] =	ssyncset.done $0x0  }
.Ltmp0:
0x4d: {  	s2 =	sadd.s32 $0x2800, s0;
	[sflag:s21] =	ssyncadd.s32 $0xFFFFE000;
	(pc) =	sbr.rel @p1 .LBB2_3-.Ltmp0, $4  }
0x4e: {  	[tilespmem:s17], [sflag:$0x1] =	stream.indirect.gather [hbm4b:s1+s16], $0x80, s2, s16, $0xb8;
	[tilespmem:$0x1D000] =	vst v63  }
0x4f: {  	_ =	swait.ge [sflag:s23], $0x2000  }
0x50: {  	[sflag:s23] =	ssyncset.done $0x0  }
0x51: {  	s0 =	sadd.s32 $0x4F80, s0;
	[sflag:s23] =	ssyncadd.s32 $0xFFFFE000  }
0x52: {  	[spmem:s3] =	stream.indirect.scatter.add.f32 [tilespmem:s19], [sflag:$0x4], $0x80, s0, s16, $0xb8;
	[tilespmem:$0x1D000] =	vst v63  }
0x53: {  	_ =	swait.ge [sflag:s25], $0x2000  }
0x54: {  	[sflag:s25] =	ssyncset.done $0x0  }
0x55: {  	[sflag:s25] =	ssyncadd.s32 $0xFFFFE000  }
0x56: {  	[tilespmem:s19], [sflag:$0x2] =	stream.indirect.gather [hbm4b:s1+s16], $0x80, s26, s16, $0xb8;
	[tilespmem:$0x1D000] =	vst v63  }
0x57: {  	_ =	swait.ge [sflag:s20], $0x2000  }
0x58: {  	[sflag:s20] =	ssyncset.done $0x0  }
0x59: {  	[sflag:s20] =	ssyncadd.s32 $0xFFFFE000  }
0x5a: {  	[spmem:s3] =	stream.indirect.scatter.add.f32 [tilespmem:s17], [sflag:$0x3], $0x80, s28, s16, $0xb8;
	[tilespmem:$0x1D000] =	vst v63  }
0x5b: {  	_ =	swait.ge [sflag:s21], $0x2000  }
0x5c: {  	[sflag:s21] =	ssyncset.done $0x0  }
0x5d: {  	s31 =	simm.s32 $0x2;
	[sflag:s21] =	ssyncadd.s32 $0xFFFFE000  }
0x5e: {  	_ =	swait.ge [sflag:s31], $0x2000  }
0x5f: {  	[sflag:s31] =	ssyncset.done $0x0  }
.Ltmp1:
0x60: {  	[sflag:s31] =	ssyncadd.s32 $0xFFFFE000;
	(pc) =	sbr.rel @p0 .LBB2_2-.Ltmp1, $4  }
0x61: {  	[spmem:s3] =	stream.indirect.scatter.add.f32 [tilespmem:s19], [sflag:$0x4], $0x80, s29, s16, $0xb8;
	[tilespmem:$0x1D000] =	vst v63  }
0x62: {  	_ =	swait.ge [sflag:s25], $0x2000  }
0x63: {  	[sflag:s25] =	ssyncset.done $0x0  }
0x64: {  	p1 =	por $0x0, $0x0;
	[sflag:s25] =	ssyncadd.s32 $0xFFFFE000  }
0x65: {  	s30 =	sadd.s32 $0x1, s30  }
0x66: {  	p0 =	sne.s32 s30, s12  }
.Ltmp2:
0x67: {  	[bflag:$0x0] =	sbarrier.arrive $0xFFFF;
	(pc) =	sbr.rel @p0 .LBB2_1-.Ltmp2, $4  }
0x68: {  	[hbm:s11], [sflag:s9] =	dma.local [spmem:s13], $0x2800  }
0x69: {  	_ =	swait.ge [sflag:s14], $0x2800  }
0x6a: {  	[sflag:s14] =	ssyncset.done $0x0  }
0x6b: {  	[sflag:s14] =	ssyncadd.s32 $0xFFFFD800  }
0x6c: {  	_ =	sfence.sel $0x180000  }
0x6d: {  	[bflag:$0x0] =	sbarrier.arrive $0xFFFF  }
0x6e: {  	_ =	strace $0x9000004D  }
0x6f: {  	s0 =	stileid.u32;
	[bflag:$0x2] =	sbarrier.arrive $0xFFFF  }
0x70: {  	p0 =	sne.s32 s0, $0x0;
	s0 =	rddreg [dreg:$0x3]  }
0x71: {  	s0 =	sadd.s32 @!p0 $0x100000, s0  }
0x72: {  	[sflag:s0] =	ssyncadd.tile.s32 @!p0 $0x1;
	_ =	shalt  }
.Lfunc_end2:
_tile_overlayer_lowered:
.L_overlay_start_2:
0x73: {  	(tag) =	ssettag $0x2  }
0x74: {  	s0 =	rddreg [dreg:$0x0];
	s2 =	stileid.u32  }
0x75: {  	s1 =	rddreg [dreg:$0x1];
	p0 =	sne.s32 s2, $0x0  }
0x76: {  	s3 =	rddreg [dreg:$0x2];
	[bflag:$0x3] =	sbarrier.arrive $0xFFFF;
	s2 =	simm.s32 @!p0 $0x1C05  }
0x77: {  	[timem:s3], [sflag:s2] =	dma.local @!p0 [hbm:s0], s1  }
0x78: {  	s0 =	simm.s32 @!p0 $0x5  }
0x79: {  	_ =	swait.ge @!p0 [sflag:s0], s1  }
0x7a: {  	s1 =	ssub.s32 @!p0 $0x0, s1;
	[sflag:s0] =	ssyncset.done @!p0 $0x0  }
0x7b: {  	[sflag:s0] =	ssyncadd.s32 @!p0 s1  }
0x7c: {  	[bflag:$0x3] =	sbarrier.arrive $0xFFFF  }
0x7d: {  	_ =	shalt  }

// kernel: kernel.8.cloned.1.call-start
scs
__scs_entry_jumppad:
0x0: {  	(pc) =	sbr.rel $0x88, $3  }
0x1: {  	(tag) =	ssettag $0x0;
	lr =	simm.s32 $0x1  }
0x2: {  	[smem:$0x3F90] =	sst lr;
	_ =	strace $0xD0000000  }
0x3: {  	_ = 	snop  }
0x4: {  	_ = 	snop  }
0x5: {  	_ = 	snop  }
0x6: {  	_ = 	snop  }
0x7: {  	_ = 	snop  }
__scs_overlays_trampoline_lowered:
0x8: {  	[smem:$0x3F9F] =	sst s0  }
0x9: {  	[smem:$0x3FA0] =	sst s1  }
0xa: {  	[smem:$0x3FA1] =	sst s2  }
0xb: {  	[smem:$0x3FA2] =	sst s3  }
0xc: {  	[smem:$0x3FA3] =	sst s4  }
0xd: {  	[smem:$0x3FA4] =	sst s5  }
0xe: {  	[smem:$0x3FA5] =	sst s6  }
0xf: {  	[smem:$0x3FA6] =	sst s7  }
0x10: {  	[smem:$0x3FA7] =	sst s8  }
0x11: {  	[smem:$0x3FA8] =	sst s9;
	s0 =	simm.s32 @!p0 $0x0  }
0x12: {  	s1 =	sld [smem:$0x3F8E];
	s0 =	simm.s32 @p0 $0x1  }
0x13: {  	[smem:$0x3FA9] =	sst s0;
	s0 =	simm.s32 @!p1 $0x0  }
0x14: {  	s2 =	sld [smem:$0x3F8D];
	s0 =	simm.s32 @p1 $0x1  }
0x15: {  	[smem:$0x3FAA] =	sst s0;
	s0 =	simm.s32 @!p2 $0x0  }
0x16: {  	s3 =	sld [smem:$0x3FDB];
	s0 =	simm.s32 @p2 $0x1  }
0x17: {  	s4 =	simm.s32 $0x1BF5;
	[smem:$0x3FAC] =	sst s0  }
0x18: {  	s0 =	sld [smem:$0x3F8F];
	_ =	swait.ge [sflag:s4], $0x0  }
0x19: {  	s7 =	sld [smem:$0x3F90]  }
0x1a: {  	s8 =	sadd.s32 $0xFFFFE003, lr  }
0x1b: {  	s9 =	sadd.s32 $0xFFFFFEF7, lr;
	s5 =	simm.s32 $0xFFFFFFFF;
	p2 =	slt.u32 s8, $0xFFFFF086  }
0x1c: {  	p1 =	slt.u32 s9, $0xF7A;
	s5 =	simm.s32 @!p2 $0x0  }
0x1d: {  	s5 =	simm.s32 @p1 $0x1;
	p0 =	seq.s32 s7, s2  }
0x1e: {  	s7 =	smul.u32 @!p0 $0xF7A, s2;
	p2 =	seq.s32 @!p0 s5, $0x0  }
0x1f: {  	s9 =	smul.u32 $0xF7A, s1;
	s8 =	simm.s32 @!p0 $0x1BF5;
	p2 =	por !p2, p0  }
0x20: {  	[sflag:s8] =	ssyncset.s32 @!p0 $0xFFFFF086;
	s6 =	sadd.s32 @!p0 s3, s7;
	s7 =	simm.s32 @!p0 $0x108  }
0x21: {  	s3 =	sadd.s32 s3, s9;
	s6 =	sadd.s32 @!p0 $0x88, s6;
	s7 =	simm.s32 @p2 $0x1082  }
0x22: {  	[simem:s7], [sflag:s8] =	dma.local @!p0 [hbm:s6], $0xF7A  }
0x23: {  	s9 =	sor.u32 $0xD0000000, s2;
	s6 =	simm.s32 $0x108;
	_ =	swait.ge @!p0 [sflag:s8], $0x0  }
0x24: {  	s3 =	sadd.s32 $0x88, s3;
	s6 =	simm.s32 @!p1 $0x1082;
	[sflag:s4] =	ssyncset.s32 $0xFFFFF086  }
0x25: {  	[simem:s6], [sflag:s4] =	dma.local [hbm:s3], $0xF7A  }
0x26: {  	[smem:$0x3F90] =	sst s1;
	(tag) =	ssettag s2;
	_ =	strace s9  }
0x27: {  	s1 =	sld [smem:$0x3FA0]  }
0x28: {  	s2 =	sld [smem:$0x3FA1]  }
0x29: {  	s4 =	sld [smem:$0x3FA3]  }
0x2a: {  	p0 =	seq.s32 s5, $0x0;
	s5 =	sld [smem:$0x3FA4]  }
0x2b: {  	s6 =	sld [smem:$0x3FA5]  }
0x2c: {  	s7 =	sld [smem:$0x3FA6]  }
0x2d: {  	s3 =	simm.s32 $0x108;
	s8 =	sld [smem:$0x3FA7]  }
0x2e: {  	s3 =	simm.s32 @!p0 $0x1082;
	s9 =	sld [smem:$0x3FA8]  }
0x2f: {  	lr =	sadd.s32 s0, s3;
	s0 =	sld [smem:$0x3F9F]  }
0x30: {  	s3 =	sld [smem:$0x3FA2]  }
0x31: {  	[smem:$0x3FAB] =	sst s10  }
0x32: {  	s10 =	sld [smem:$0x3FA9];
	_ =	sdelay $0x3  }
0x33: {  	p0 =	seq.s32 s10, $0x1;
	s10 =	sld [smem:$0x3FAB];
	_ =	sdelay $0x3  }
0x34: {  	[smem:$0x3FAB] =	sst s10  }
0x35: {  	s10 =	sld [smem:$0x3FAA];
	_ =	sdelay $0x3  }
0x36: {  	p1 =	seq.s32 s10, $0x1;
	s10 =	sld [smem:$0x3FAB];
	_ =	sdelay $0x3  }
0x37: {  	[smem:$0x3FAB] =	sst s10  }
0x38: {  	s10 =	sld [smem:$0x3FAC]  }
0x39: {  	_ = 	snop;
	(pc) =	sbr.ind lr, $3  }
0x3a: {  	_ = 	snop  }
0x3b: {  	_ = 	snop  }
0x3c: {  	p2 =	seq.s32 s10, $0x1;
	s10 =	sld [smem:$0x3FAB]  }
0x3d: {  	_ =	shalt  }
0x3e: {  	_ =	shalt  }
0x3f: {  	_ =	shalt  }
0x40: {  	_ =	shalt  }
0x41: {  	_ =	shalt  }
0x42: {  	_ =	shalt  }
0x43: {  	_ =	shalt  }
0x44: {  	_ =	shalt  }
0x45: {  	_ =	shalt  }
0x46: {  	_ =	shalt  }
0x47: {  	_ =	shalt  }
0x48: {  	_ =	shalt  }
0x49: {  	_ =	shalt  }
0x4a: {  	_ =	shalt  }
0x4b: {  	_ =	shalt  }
0x4c: {  	_ =	shalt  }
0x4d: {  	_ =	shalt  }
0x4e: {  	_ =	shalt  }
0x4f: {  	_ =	shalt  }
0x50: {  	_ =	shalt  }
0x51: {  	_ =	shalt  }
0x52: {  	_ =	shalt  }
0x53: {  	_ =	shalt  }
0x54: {  	_ =	shalt  }
0x55: {  	_ =	shalt  }
0x56: {  	_ =	shalt  }
0x57: {  	_ =	shalt  }
0x58: {  	_ =	shalt  }
0x59: {  	_ =	shalt  }
0x5a: {  	_ =	shalt  }
0x5b: {  	_ =	shalt  }
0x5c: {  	_ =	shalt  }
0x5d: {  	_ =	shalt  }
0x5e: {  	_ =	shalt  }
0x5f: {  	_ =	shalt  }
0x60: {  	_ =	shalt  }
0x61: {  	_ =	shalt  }
0x62: {  	_ =	shalt  }
0x63: {  	_ =	shalt  }
0x64: {  	_ =	shalt  }
0x65: {  	_ =	shalt  }
0x66: {  	_ =	shalt  }
0x67: {  	_ =	shalt  }
0x68: {  	_ =	shalt  }
0x69: {  	_ =	shalt  }
0x6a: {  	_ =	shalt  }
0x6b: {  	_ =	shalt  }
0x6c: {  	_ =	shalt  }
0x6d: {  	_ =	shalt  }
0x6e: {  	_ =	shalt  }
0x6f: {  	_ =	shalt  }
0x70: {  	_ =	shalt  }
0x71: {  	_ =	shalt  }
0x72: {  	_ =	shalt  }
0x73: {  	_ =	shalt  }
0x74: {  	_ =	shalt  }
0x75: {  	_ =	shalt  }
0x76: {  	_ =	shalt  }
0x77: {  	_ =	shalt  }
0x78: {  	_ =	shalt  }
0x79: {  	_ =	shalt  }
0x7a: {  	_ =	shalt  }
0x7b: {  	_ =	shalt  }
0x7c: {  	_ =	shalt  }
0x7d: {  	_ =	shalt  }
0x7e: {  	_ =	shalt  }
0x7f: {  	_ =	shalt  }
0x80: {  	_ =	shalt  }
0x81: {  	_ =	shalt  }
0x82: {  	_ =	shalt  }
0x83: {  	_ =	shalt  }
0x84: {  	_ =	shalt  }
0x85: {  	_ =	shalt  }
0x86: {  	_ =	shalt  }
0x87: {  	_ =	shalt  }
.Lfunc_end0:
.L_simem_size_0:
called_computation_lowered:
.L_overlay_start_0:
0x88: {  	s2 =	sld [smem:$0x3FD9]  }
0x89: {  	s3 =	sld [smem:$0x3FFE];
	_ =	sdelay $0x1  }
0x8a: {  	s1 =	srdreg.scid  }
0x8b: {  	s0 =	sand.u32 $0x1, s1  }
0x8c: {  	s14 =	sshll.u32 s0, $0xA;
	s2 =	sadd.s32 s3, s2  }
0x8d: {  	s2 =	sadd.s32 s2, s14  }
0x8e: {  	[smem:$0x3FB7] =	sst s2  }
0x8f: {  	_ = 	snop  }
0x90: {  	s2 =	sld [smem:$0x3FD0];
	_ =	sdelay $0x2  }
0x91: {  	s15 =	simm.s32 $0xA;
	s4 =	simm.s32 $0x10  }
0x92: {  	[smem:s4], [sflag:s15] =	dma.local [hbm:s2], $0x1  }
0x93: {  	_ =	swait.eq [sflag:s15], $0x1  }
0x94: {  	[sflag:s15] =	ssyncset.done $0x0  }
0x95: {  	[sflag:s15] =	ssyncadd.s32 $0xFFFFFFFF  }
0x96: {  	s16 =	sld [smem:$0x11];
	(tm) =	ssettm $0x1  }
0x97: {  	s17 =	sld [smem:$0x3FFB];
	_ =	sdelay $0x3  }
0x98: {  	_ =	strace s17  }
0x99: {  	s3 =	sld [smem:$0x3FFC];
	_ =	sdelay $0x3  }
0x9a: {  	_ =	strace s3  }
0x9b: {  	s3 =	sld [smem:$0x3FFD];
	_ =	sdelay $0x3  }
0x9c: {  	_ =	strace s3  }
0x9d: {  	_ =	strace $0x8FFFFFFF  }
0x9e: {  	s18 =	sld [smem:$0x3FDB];
	_ =	sdelay $0x1  }
0x9f: {  	s19 =	simm.s32 $_scs_section_size  }
0xa0: {  	s5 =	simm.s32 $_size__tile_overlayer_lowered;
	s6 =	simm.s32 $_tile_overlayer_lowered  }
0xa1: {  	s22 =	simm.s32 $0x1BFF;
	s21 =	sshll.u32 s6, $0x1;
	s3 =	sadd.s32 s19, s18  }
0xa2: {  	s7 =	simm.s32 $0x0;
	s20 =	sshll.u32 s5, $0x1;
	s5 =	sadd.s32 s21, s3  }
0xa3: {  	[timem:s7], [sflag:s22] =	dma.local [hbm:s5], s20  }
0xa4: {  	_ =	swait.ge [sflag:s22], s20  }
0xa5: {  	s4 =	ssub.s32 $0x0, s20;
	[sflag:s22] =	ssyncset.done $0x0  }
0xa6: {  	[sflag:s22] =	ssyncadd.s32 s4;
	_ =	sdelay $0x1  }
0xa7: {  	s23 =	simm.s32 $0x1B8B  }
0xa8: {  	_ =	swait.ge [sflag:s23], $0x1  }
0xa9: {  	[sflag:s23] =	ssyncset.done $0x0  }
0xaa: {  	s25 =	simm.s32 $0x1B8E;
	s24 =	sld [smem:$0x3FFE];
	[sflag:s23] =	ssyncadd.s32 $0xFFFFFFFF  }
0xab: {  	s26 =	simm.s32 $execute0_lowered;
	[smem:$0x3FD2] =	sst s25  }
0xac: {  	s5 =	sshll.u32 s26, $0x1;
	_ =	strace $0x80000046;
	[dreg:$0x1] =	wrdreg $0xFFFFFFFF  }
0xad: {  	s28 =	simm.s32 $_size_execute0_lowered;
	s3 =	sadd.s32 s3, s5;
	[dreg:$0x0] =	wrdreg $0x0  }
0xae: {  	s5 =	sshll.u32 s28, $0x1;
	[dreg:$0x2] =	wrdreg s3  }
0xaf: {  	[dreg:$0x3] =	wrdreg s5  }
0xb0: {  	[dreg:$0x4] =	wrdreg $0xC0  }
0xb1: {  	_ =	task [dreg:s7], $0x5FFFF  }
0xb2: {  	[dreg:$0x1] =	wrdreg $0xFFFFFFFF  }
0xb3: {  	[dreg:$0x0] =	wrdreg $0x60  }
0xb4: {  	[dreg:$0x2] =	wrdreg s24  }
0xb5: {  	[dreg:$0x3] =	wrdreg s16  }
0xb6: {  	[dreg:$0x4] =	wrdreg $0x68000  }
0xb7: {  	[dreg:$0x5] =	wrdreg $0x9  }
0xb8: {  	_ =	task.clear_ibuf [dreg:s7], $0x6FFFF;
	_ =	strace $0x90000046  }
0xb9: {  	s29 =	simm.s32 $0x9;
	_ =	strace $0x80000048  }
0xba: {  	_ =	swait.ge [sflag:s29], $0x1  }
0xbb: {  	[sflag:s29] =	ssyncadd.s32 $0xFFFFFFFF  }
0xbc: {  	_ =	strace $0x90000048  }
0xbd: {  	_ =	sfence  }
0xbe: {  	s30 =	sld [smem:$0x0];
	_ =	sdelay $0x2  }
0xbf: {  	s31 =	sshll.u32 s1, $0xD;
	s1 =	sshrl.u32 s1, $0x2  }
0xc0: {  	s3 =	sand.u32 $0x4000, s31;
	s1 =	sadd.s32 s1, s30  }
0xc1: {  	s0 =	sor.u32 s3, s0;
	s1 =	sshll.u32 s1, $0x11  }
0xc2: {  	s0 =	sor.u32 s1, s0  }
0xc3: {  	s0 =	sadd.s32 $0x8F2B, s0  }
0xc4: {  	[sflag:s0] =	ssyncadd.remote.s32 $0x1  }
0xc5: {  	_ =	sfence.sel $0xFFFF  }
0xc6: {  	[dreg:$0x0] =	wrdreg $0xFFFFFFFF;
	(pc) =	sbr.abs _section_cstart, $3  }
0xc7: {  	[dreg:$0x1] =	wrdreg $0xFFFFFFFF  }
0xc8: {  	_ =	task.clear_ibuf [dreg:s7], $0x2FFFF;
	_ =	strace $0x9FFFFFFF  }
0xc9: {  	(tm) =	ssettm $0x7FFFFFFF  }
tec
execute0_lowered:
.L_overlay_start_1:
0x0: {  	(tag) =	ssettag $0x1  }
0x1: {  	s1 =	srdreg.scid;
	s5 =	rddreg [dreg:$0x0]  }
0x2: {  	s0 =	stileid.u32;
	s2 =	rddreg [dreg:$0x1]  }
0x3: {  	s3 =	rddreg [dreg:$0x2];
	s4 =	simm.s32 $0x0;
	s13 =	simm.s32 $0x2800  }
0x4: {  	s14 =	simm.s32 $0x40;
	s15 =	simm.s32 $0x1;
	s16 =	simm.s32 $0x0  }
0x5: {  	s6 =	sand.u32 $0x1, s1;
	s26 =	sshll.u32 s0, $0x2;
	s8 =	smul.u32 $0x14000, s0  }
0x6: {  	[smem:$0x7FF] =	sst s4;
	s29 =	smul.u32 $0x50000, s0;
	s31 =	sshll.u32 s0, $0x6  }
0x7: {  	s1 =	sor.u32 s6, s26;
	s9 =	smul.u32 $0x140000, s6;
	s6 =	ssub.s32 $0x2, s6  }
0x8: {  	s7 =	smul.u32 $0x500, s1;
	s1 =	rddreg [dreg:$0x3];
	_ =	strace $0x80000047  }
0x9: {  	s28 =	sshrl.u32 s8, $0x3;
	s30 =	sshrl.u32 s6, $0x1;
	s8 =	sadd.s32 s8, s9  }
0xa: {  	s9 =	sshrl.u32 s29, $0x2;
	s11 =	ssub.s32 s6, s30;
	s6 =	sor.u32 $0x1C02, s31  }
0xb: {  	s10 =	sadd.s32 s7, s5;
	s7 =	sadd.s32 s28, s5;
	s8 =	sshrl.u32 s8, $0x3  }
0xc: {  	s12 =	sadd.s32 s9, s3;
	s8 =	sadd.s32 s8, s5;
	s5 =	sadd.s32 $0x19600, s7  }
0xd: {  	s9 =	sadd.s32 $0x5600, s10;
	s10 =	sadd.s32 $0x6000, s10;
	s7 =	sadd.s32 $0x41600, s8  }
0xe: {  	s8 =	smax.u32 s11, $0x1;
	s11 =	sshrl.u32 s12, $0x3;
	s12 =	simm.s32 $0x2  }
.LBB2_1:
0xf: {  	[spmem:s11], [sflag:s6] =	dma.local [hbm:s5], $0x2800  }
0x10: {  	_ =	swait.ge [sflag:s12], $0x2800  }
0x11: {  	[sflag:s12] =	ssyncset.done $0x0  }
0x12: {  	[sflag:s12] =	ssyncadd.s32 $0xFFFFD800  }
0x13: {  	[tilespmem:s13], [sflag:$0x2] =	stream.linear.gather [hbm4b:s2+s4], $0x2000, $0x38;
	[tilespmem:$0x1A800] =	vst v63  }
0x14: {  	_ =	swait.ge [sflag:s12], $0x2000  }
0x15: {  	[sflag:s12] =	ssyncset.done $0x0  }
0x16: {  	[sflag:s12] =	ssyncadd.s32 $0xFFFFE000  }
0x17: {  	[bflag:$0x0] =	sbarrier.arrive $0xFFFF  }
0x18: {  	[tilespmem:s4], [sflag:$0x2] =	stream.linear.gather [hbm4b:s9+s4], $0x2800, $0x38;
	[tilespmem:$0x1A800] =	vst v63  }
0x19: {  	_ =	swait.ge [sflag:s12], $0x2800  }
0x1a: {  	[sflag:s12] =	ssyncset.done $0x0  }
0x1b: {  	s17 =	simm.s32 $0x0;
	[sflag:s12] =	ssyncadd.s32 $0xFFFFD800  }
0x1c: {  	[spmem:s3] =	stream.indirect.scatter.add.f32 [tilespmem:s13], [sflag:$0x1], $0x80, s17, s14, $0xb8;
	[tilespmem:$0x1A800] =	vst v63  }
0x1d: {  	s24 =	simm.s32 $0x80  }
0x1e: {  	[spmem:s3] =	stream.indirect.scatter.add.f32 [tilespmem:s13], [sflag:$0x1], $0x80, s24, s14, $0xb8;
	[tilespmem:$0x1A800] =	vst v63  }
0x1f: {  	s25 =	simm.s32 $0x100  }
0x20: {  	[spmem:s3] =	stream.indirect.scatter.add.f32 [tilespmem:s13], [sflag:$0x1], $0x80, s25, s14, $0xb8;
	[tilespmem:$0x1A800] =	vst v63  }
0x21: {  	s26 =	simm.s32 $0x180  }
0x22: {  	[spmem:s3] =	stream.indirect.scatter.add.f32 [tilespmem:s13], [sflag:$0x1], $0x80, s26, s14, $0xb8;
	[tilespmem:$0x1A800] =	vst v63  }
0x23: {  	s28 =	simm.s32 $0x200  }
0x24: {  	[spmem:s3] =	stream.indirect.scatter.add.f32 [tilespmem:s13], [sflag:$0x1], $0x80, s28, s14, $0xb8;
	[tilespmem:$0x1A800] =	vst v63  }
0x25: {  	s29 =	simm.s32 $0x280  }
0x26: {  	[spmem:s3] =	stream.indirect.scatter.add.f32 [tilespmem:s13], [sflag:$0x1], $0x80, s29, s14, $0xb8;
	[tilespmem:$0x1A800] =	vst v63  }
0x27: {  	s30 =	simm.s32 $0x300  }
0x28: {  	[spmem:s3] =	stream.indirect.scatter.add.f32 [tilespmem:s13], [sflag:$0x1], $0x80, s30, s14, $0xb8;
	[tilespmem:$0x1A800] =	vst v63  }
0x29: {  	s31 =	simm.s32 $0x380  }
0x2a: {  	[spmem:s3] =	stream.indirect.scatter.add.f32 [tilespmem:s13], [sflag:$0x1], $0x80, s31, s14, $0xb8;
	[tilespmem:$0x1A800] =	vst v63  }
0x2b: {  	_ =	swait.ge [sflag:s15], $0x2000  }
0x2c: {  	[sflag:s15] =	ssyncset.done $0x0  }
0x2d: {  	[sflag:s15] =	ssyncadd.s32 $0xFFFFE000  }
0x2e: {  	_ =	swait.ge [sflag:s15], $0x2000  }
0x2f: {  	[sflag:s15] =	ssyncset.done $0x0  }
0x30: {  	[sflag:s15] =	ssyncadd.s32 $0xFFFFE000  }
0x31: {  	_ =	swait.ge [sflag:s15], $0x2000  }
0x32: {  	[sflag:s15] =	ssyncset.done $0x0  }
0x33: {  	[sflag:s15] =	ssyncadd.s32 $0xFFFFE000  }
0x34: {  	_ =	swait.ge [sflag:s15], $0x2000  }
0x35: {  	[sflag:s15] =	ssyncset.done $0x0  }
0x36: {  	[sflag:s15] =	ssyncadd.s32 $0xFFFFE000  }
0x37: {  	_ =	swait.ge [sflag:s15], $0x2000  }
0x38: {  	[sflag:s15] =	ssyncset.done $0x0  }
0x39: {  	[sflag:s15] =	ssyncadd.s32 $0xFFFFE000  }
0x3a: {  	_ =	swait.ge [sflag:s15], $0x2000  }
0x3b: {  	[sflag:s15] =	ssyncset.done $0x0  }
0x3c: {  	[sflag:s15] =	ssyncadd.s32 $0xFFFFE000  }
0x3d: {  	_ =	swait.ge [sflag:s15], $0x2000  }
0x3e: {  	[sflag:s15] =	ssyncset.done $0x0  }
0x3f: {  	[sflag:s15] =	ssyncadd.s32 $0xFFFFE000  }
0x40: {  	_ =	swait.ge [sflag:s15], $0x2000  }
0x41: {  	s19 =	simm.s32 $0x2000;
	s17 =	simm.s32 $0x1000;
	[sflag:s15] =	ssyncset.done $0x0  }
.LBB2_2:
0x42: {  	s20 =	sshra.s32 s17, $0x2  }
0x43: {  	[sflag:s15] =	ssyncadd.s32 $0xFFFFE000;
	s17 =	smov.u32 s19;
	s18 =	sadd.s32 $0x1000, s19  }
0x44: {  	[spmem:s3] =	stream.indirect.scatter.add.f32 [tilespmem:s13], [sflag:$0x1], $0x80, s20, s14, $0xb8;
	[tilespmem:$0x1A800] =	vst v63  }
0x45: {  	p0 =	sne.s32 s19, $0x9000;
	s19 =	sadd.s32 $0x80, s20  }
0x46: {  	[spmem:s3] =	stream.indirect.scatter.add.f32 [tilespmem:s13], [sflag:$0x1], $0x80, s19, s14, $0xb8;
	[tilespmem:$0x1A800] =	vst v63  }
0x47: {  	s19 =	sadd.s32 $0x100, s20  }
0x48: {  	[spmem:s3] =	stream.indirect.scatter.add.f32 [tilespmem:s13], [sflag:$0x1], $0x80, s19, s14, $0xb8;
	[tilespmem:$0x1A800] =	vst v63  }
0x49: {  	s19 =	sadd.s32 $0x180, s20  }
0x4a: {  	[spmem:s3] =	stream.indirect.scatter.add.f32 [tilespmem:s13], [sflag:$0x1], $0x80, s19, s14, $0xb8;
	[tilespmem:$0x1A800] =	vst v63  }
0x4b: {  	s19 =	sadd.s32 $0x200, s20  }
0x4c: {  	[spmem:s3] =	stream.indirect.scatter.add.f32 [tilespmem:s13], [sflag:$0x1], $0x80, s19, s14, $0xb8;
	[tilespmem:$0x1A800] =	vst v63  }
0x4d: {  	s19 =	sadd.s32 $0x280, s20  }
0x4e: {  	[spmem:s3] =	stream.indirect.scatter.add.f32 [tilespmem:s13], [sflag:$0x1], $0x80, s19, s14, $0xb8;
	[tilespmem:$0x1A800] =	vst v63  }
0x4f: {  	s19 =	sadd.s32 $0x300, s20  }
0x50: {  	[spmem:s3] =	stream.indirect.scatter.add.f32 [tilespmem:s13], [sflag:$0x1], $0x80, s19, s14, $0xb8;
	[tilespmem:$0x1A800] =	vst v63  }
0x51: {  	s19 =	sadd.s32 $0x380, s20  }
0x52: {  	[spmem:s3] =	stream.indirect.scatter.add.f32 [tilespmem:s13], [sflag:$0x1], $0x80, s19, s14, $0xb8;
	[tilespmem:$0x1A800] =	vst v63  }
0x53: {  	_ =	swait.ge [sflag:s15], $0x2000  }
0x54: {  	[sflag:s15] =	ssyncset.done $0x0  }
0x55: {  	[sflag:s15] =	ssyncadd.s32 $0xFFFFE000  }
0x56: {  	_ =	swait.ge [sflag:s15], $0x2000  }
0x57: {  	[sflag:s15] =	ssyncset.done $0x0  }
0x58: {  	[sflag:s15] =	ssyncadd.s32 $0xFFFFE000  }
0x59: {  	_ =	swait.ge [sflag:s15], $0x2000  }
0x5a: {  	[sflag:s15] =	ssyncset.done $0x0  }
0x5b: {  	[sflag:s15] =	ssyncadd.s32 $0xFFFFE000  }
0x5c: {  	_ =	swait.ge [sflag:s15], $0x2000  }
0x5d: {  	[sflag:s15] =	ssyncset.done $0x0  }
0x5e: {  	[sflag:s15] =	ssyncadd.s32 $0xFFFFE000  }
0x5f: {  	_ =	swait.ge [sflag:s15], $0x2000  }
0x60: {  	[sflag:s15] =	ssyncset.done $0x0  }
0x61: {  	[sflag:s15] =	ssyncadd.s32 $0xFFFFE000  }
0x62: {  	_ =	swait.ge [sflag:s15], $0x2000  }
0x63: {  	[sflag:s15] =	ssyncset.done $0x0  }
0x64: {  	[sflag:s15] =	ssyncadd.s32 $0xFFFFE000  }
.Ltmp0:
0x65: {  	_ =	swait.ge [sflag:s15], $0x2000;
	(pc) =	sbr.rel @p0 .LBB2_2-.Ltmp0, $4  }
0x66: {  	[sflag:s15] =	ssyncset.done $0x0  }
0x67: {  	[sflag:s15] =	ssyncadd.s32 $0xFFFFE000  }
0x68: {  	_ =	swait.ge [sflag:s15], $0x2000  }
0x69: {  	s19 =	smov.u32 s18;
	[sflag:s15] =	ssyncset.done $0x0  }
0x6a: {  	s17 =	sshra.s32 s17, $0x2;
	[sflag:s15] =	ssyncadd.s32 $0xFFFFE000  }
0x6b: {  	[spmem:s3] =	stream.indirect.scatter.add.f32 [tilespmem:s13], [sflag:$0x1], $0x80, s17, s14, $0xb8;
	[tilespmem:$0x1A800] =	vst v63  }
0x6c: {  	s18 =	sadd.s32 $0x80, s17  }
0x6d: {  	[spmem:s3] =	stream.indirect.scatter.add.f32 [tilespmem:s13], [sflag:$0x1], $0x80, s18, s14, $0xb8;
	[tilespmem:$0x1A800] =	vst v63  }
0x6e: {  	s30 =	sadd.s32 $0x100, s17  }
0x6f: {  	[spmem:s3] =	stream.indirect.scatter.add.f32 [tilespmem:s13], [sflag:$0x1], $0x80, s30, s14, $0xb8;
	[tilespmem:$0x1A800] =	vst v63  }
0x70: {  	s31 =	sadd.s32 $0x180, s17  }
0x71: {  	[spmem:s3] =	stream.indirect.scatter.add.f32 [tilespmem:s13], [sflag:$0x1], $0x80, s31, s14, $0xb8;
	[tilespmem:$0x1A800] =	vst v63  }
0x72: {  	s19 =	sadd.s32 $0x200, s17  }
0x73: {  	[spmem:s3] =	stream.indirect.scatter.add.f32 [tilespmem:s13], [sflag:$0x1], $0x80, s19, s14, $0xb8;
	[tilespmem:$0x1A800] =	vst v63  }
0x74: {  	s20 =	sadd.s32 $0x280, s17  }
0x75: {  	[spmem:s3] =	stream.indirect.scatter.add.f32 [tilespmem:s13], [sflag:$0x1], $0x80, s20, s14, $0xb8;
	[tilespmem:$0x1A800] =	vst v63  }
0x76: {  	s21 =	sadd.s32 $0x300, s17  }
0x77: {  	[spmem:s3] =	stream.indirect.scatter.add.f32 [tilespmem:s13], [sflag:$0x1], $0x80, s21, s14, $0xb8;
	[tilespmem:$0x1A800] =	vst v63  }
0x78: {  	s17 =	sadd.s32 $0x380, s17  }
0x79: {  	[spmem:s3] =	stream.indirect.scatter.add.f32 [tilespmem:s13], [sflag:$0x1], $0x80, s17, s14, $0xb8;
	[tilespmem:$0x1A800] =	vst v63  }
0x7a: {  	_ =	swait.ge [sflag:s15], $0x2000  }
0x7b: {  	[sflag:s15] =	ssyncset.done $0x0  }
0x7c: {  	[sflag:s15] =	ssyncadd.s32 $0xFFFFE000  }
0x7d: {  	_ =	swait.ge [sflag:s15], $0x2000  }
0x7e: {  	[sflag:s15] =	ssyncset.done $0x0  }
0x7f: {  	[sflag:s15] =	ssyncadd.s32 $0xFFFFE000  }
0x80: {  	_ =	swait.ge [sflag:s15], $0x2000  }
0x81: {  	[sflag:s15] =	ssyncset.done $0x0  }
0x82: {  	[sflag:s15] =	ssyncadd.s32 $0xFFFFE000  }
0x83: {  	_ =	swait.ge [sflag:s15], $0x2000  }
0x84: {  	[sflag:s15] =	ssyncset.done $0x0  }
0x85: {  	[sflag:s15] =	ssyncadd.s32 $0xFFFFE000  }
0x86: {  	_ =	swait.ge [sflag:s15], $0x2000  }
0x87: {  	[sflag:s15] =	ssyncset.done $0x0  }
0x88: {  	[sflag:s15] =	ssyncadd.s32 $0xFFFFE000  }
0x89: {  	_ =	swait.ge [sflag:s15], $0x2000  }
0x8a: {  	[sflag:s15] =	ssyncset.done $0x0  }
0x8b: {  	[sflag:s15] =	ssyncadd.s32 $0xFFFFE000  }
0x8c: {  	_ =	swait.ge [sflag:s15], $0x2000  }
0x8d: {  	[sflag:s15] =	ssyncset.done $0x0  }
0x8e: {  	[sflag:s15] =	ssyncadd.s32 $0xFFFFE000  }
0x8f: {  	_ =	swait.ge [sflag:s15], $0x2000  }
0x90: {  	[sflag:s15] =	ssyncset.done $0x0  }
0x91: {  	s22 =	simm.s32 $0x0;
	[sflag:s15] =	ssyncadd.s32 $0xFFFFE000  }
0x92: {  	[tilespmem:s22], [sflag:$0x2] =	stream.linear.gather [hbm4b:s10+s22], $0x2800, $0x38;
	[tilespmem:$0x1A800] =	vst v63  }
0x93: {  	_ =	swait.ge [sflag:s12], $0x2800  }
0x94: {  	[sflag:s12] =	ssyncset.done $0x0  }
0x95: {  	s23 =	simm.s32 $0x0;
	[sflag:s12] =	ssyncadd.s32 $0xFFFFD800  }
0x96: {  	[spmem:s3] =	stream.indirect.scatter.add.f32 [tilespmem:s13], [sflag:$0x1], $0x80, s23, s14, $0xb8;
	[tilespmem:$0x1A800] =	vst v63  }
0x97: {  	s24 =	simm.s32 $0x80  }
0x98: {  	[spmem:s3] =	stream.indirect.scatter.add.f32 [tilespmem:s13], [sflag:$0x1], $0x80, s24, s14, $0xb8;
	[tilespmem:$0x1A800] =	vst v63  }
0x99: {  	s25 =	simm.s32 $0x100  }
0x9a: {  	[spmem:s3] =	stream.indirect.scatter.add.f32 [tilespmem:s13], [sflag:$0x1], $0x80, s25, s14, $0xb8;
	[tilespmem:$0x1A800] =	vst v63  }
0x9b: {  	s26 =	simm.s32 $0x180  }
0x9c: {  	[spmem:s3] =	stream.indirect.scatter.add.f32 [tilespmem:s13], [sflag:$0x1], $0x80, s26, s14, $0xb8;
	[tilespmem:$0x1A800] =	vst v63  }
0x9d: {  	s28 =	simm.s32 $0x200  }
0x9e: {  	[spmem:s3] =	stream.indirect.scatter.add.f32 [tilespmem:s13], [sflag:$0x1], $0x80, s28, s14, $0xb8;
	[tilespmem:$0x1A800] =	vst v63  }
0x9f: {  	s29 =	simm.s32 $0x280  }
0xa0: {  	[spmem:s3] =	stream.indirect.scatter.add.f32 [tilespmem:s13], [sflag:$0x1], $0x80, s29, s14, $0xb8;
	[tilespmem:$0x1A800] =	vst v63  }
0xa1: {  	s30 =	simm.s32 $0x300  }
0xa2: {  	[spmem:s3] =	stream.indirect.scatter.add.f32 [tilespmem:s13], [sflag:$0x1], $0x80, s30, s14, $0xb8;
	[tilespmem:$0x1A800] =	vst v63  }
0xa3: {  	s31 =	simm.s32 $0x380  }
0xa4: {  	[spmem:s3] =	stream.indirect.scatter.add.f32 [tilespmem:s13], [sflag:$0x1], $0x80, s31, s14, $0xb8;
	[tilespmem:$0x1A800] =	vst v63  }
0xa5: {  	_ =	swait.ge [sflag:s15], $0x2000  }
0xa6: {  	[sflag:s15] =	ssyncset.done $0x0  }
0xa7: {  	[sflag:s15] =	ssyncadd.s32 $0xFFFFE000  }
0xa8: {  	_ =	swait.ge [sflag:s15], $0x2000  }
0xa9: {  	[sflag:s15] =	ssyncset.done $0x0  }
0xaa: {  	[sflag:s15] =	ssyncadd.s32 $0xFFFFE000  }
0xab: {  	_ =	swait.ge [sflag:s15], $0x2000  }
0xac: {  	[sflag:s15] =	ssyncset.done $0x0  }
0xad: {  	[sflag:s15] =	ssyncadd.s32 $0xFFFFE000  }
0xae: {  	_ =	swait.ge [sflag:s15], $0x2000  }
0xaf: {  	[sflag:s15] =	ssyncset.done $0x0  }
0xb0: {  	[sflag:s15] =	ssyncadd.s32 $0xFFFFE000  }
0xb1: {  	_ =	swait.ge [sflag:s15], $0x2000  }
0xb2: {  	[sflag:s15] =	ssyncset.done $0x0  }
0xb3: {  	[sflag:s15] =	ssyncadd.s32 $0xFFFFE000  }
0xb4: {  	_ =	swait.ge [sflag:s15], $0x2000  }
0xb5: {  	[sflag:s15] =	ssyncset.done $0x0  }
0xb6: {  	[sflag:s15] =	ssyncadd.s32 $0xFFFFE000  }
0xb7: {  	_ =	swait.ge [sflag:s15], $0x2000  }
0xb8: {  	[sflag:s15] =	ssyncset.done $0x0  }
0xb9: {  	[sflag:s15] =	ssyncadd.s32 $0xFFFFE000  }
0xba: {  	_ =	swait.ge [sflag:s15], $0x2000  }
0xbb: {  	s19 =	simm.s32 $0x2000;
	s17 =	simm.s32 $0x1000;
	[sflag:s15] =	ssyncset.done $0x0  }
.LBB2_4:
0xbc: {  	s20 =	sshra.s32 s17, $0x2  }
0xbd: {  	[sflag:s15] =	ssyncadd.s32 $0xFFFFE000;
	s17 =	smov.u32 s19;
	s18 =	sadd.s32 $0x1000, s19  }
0xbe: {  	[spmem:s3] =	stream.indirect.scatter.add.f32 [tilespmem:s13], [sflag:$0x1], $0x80, s20, s14, $0xb8;
	[tilespmem:$0x1A800] =	vst v63  }
0xbf: {  	p0 =	sne.s32 s19, $0x9000;
	s19 =	sadd.s32 $0x80, s20  }
0xc0: {  	[spmem:s3] =	stream.indirect.scatter.add.f32 [tilespmem:s13], [sflag:$0x1], $0x80, s19, s14, $0xb8;
	[tilespmem:$0x1A800] =	vst v63  }
0xc1: {  	s19 =	sadd.s32 $0x100, s20  }
0xc2: {  	[spmem:s3] =	stream.indirect.scatter.add.f32 [tilespmem:s13], [sflag:$0x1], $0x80, s19, s14, $0xb8;
	[tilespmem:$0x1A800] =	vst v63  }
0xc3: {  	s19 =	sadd.s32 $0x180, s20  }
0xc4: {  	[spmem:s3] =	stream.indirect.scatter.add.f32 [tilespmem:s13], [sflag:$0x1], $0x80, s19, s14, $0xb8;
	[tilespmem:$0x1A800] =	vst v63  }
0xc5: {  	s19 =	sadd.s32 $0x200, s20  }
0xc6: {  	[spmem:s3] =	stream.indirect.scatter.add.f32 [tilespmem:s13], [sflag:$0x1], $0x80, s19, s14, $0xb8;
	[tilespmem:$0x1A800] =	vst v63  }
0xc7: {  	s19 =	sadd.s32 $0x280, s20  }
0xc8: {  	[spmem:s3] =	stream.indirect.scatter.add.f32 [tilespmem:s13], [sflag:$0x1], $0x80, s19, s14, $0xb8;
	[tilespmem:$0x1A800] =	vst v63  }
0xc9: {  	s19 =	sadd.s32 $0x300, s20  }
0xca: {  	[spmem:s3] =	stream.indirect.scatter.add.f32 [tilespmem:s13], [sflag:$0x1], $0x80, s19, s14, $0xb8;
	[tilespmem:$0x1A800] =	vst v63  }
0xcb: {  	s19 =	sadd.s32 $0x380, s20  }
0xcc: {  	[spmem:s3] =	stream.indirect.scatter.add.f32 [tilespmem:s13], [sflag:$0x1], $0x80, s19, s14, $0xb8;
	[tilespmem:$0x1A800] =	vst v63  }
0xcd: {  	_ =	swait.ge [sflag:s15], $0x2000  }
0xce: {  	[sflag:s15] =	ssyncset.done $0x0  }
0xcf: {  	[sflag:s15] =	ssyncadd.s32 $0xFFFFE000  }
0xd0: {  	_ =	swait.ge [sflag:s15], $0x2000  }
0xd1: {  	[sflag:s15] =	ssyncset.done $0x0  }
0xd2: {  	[sflag:s15] =	ssyncadd.s32 $0xFFFFE000  }
0xd3: {  	_ =	swait.ge [sflag:s15], $0x2000  }
0xd4: {  	[sflag:s15] =	ssyncset.done $0x0  }
0xd5: {  	[sflag:s15] =	ssyncadd.s32 $0xFFFFE000  }
0xd6: {  	_ =	swait.ge [sflag:s15], $0x2000  }
0xd7: {  	[sflag:s15] =	ssyncset.done $0x0  }
0xd8: {  	[sflag:s15] =	ssyncadd.s32 $0xFFFFE000  }
0xd9: {  	_ =	swait.ge [sflag:s15], $0x2000  }
0xda: {  	[sflag:s15] =	ssyncset.done $0x0  }
0xdb: {  	[sflag:s15] =	ssyncadd.s32 $0xFFFFE000  }
0xdc: {  	_ =	swait.ge [sflag:s15], $0x2000  }
0xdd: {  	[sflag:s15] =	ssyncset.done $0x0  }
0xde: {  	[sflag:s15] =	ssyncadd.s32 $0xFFFFE000  }
.Ltmp1:
0xdf: {  	_ =	swait.ge [sflag:s15], $0x2000;
	(pc) =	sbr.rel @p0 .LBB2_4-.Ltmp1, $4  }
0xe0: {  	[sflag:s15] =	ssyncset.done $0x0  }
0xe1: {  	[sflag:s15] =	ssyncadd.s32 $0xFFFFE000  }
0xe2: {  	_ =	swait.ge [sflag:s15], $0x2000  }
0xe3: {  	s19 =	smov.u32 s18;
	[sflag:s15] =	ssyncset.done $0x0  }
0xe4: {  	s17 =	sshra.s32 s17, $0x2;
	[sflag:s15] =	ssyncadd.s32 $0xFFFFE000  }
0xe5: {  	[spmem:s3] =	stream.indirect.scatter.add.f32 [tilespmem:s13], [sflag:$0x1], $0x80, s17, s14, $0xb8;
	[tilespmem:$0x1A800] =	vst v63  }
0xe6: {  	s18 =	sadd.s32 $0x80, s17  }
0xe7: {  	[spmem:s3] =	stream.indirect.scatter.add.f32 [tilespmem:s13], [sflag:$0x1], $0x80, s18, s14, $0xb8;
	[tilespmem:$0x1A800] =	vst v63  }
0xe8: {  	s26 =	sadd.s32 $0x100, s17  }
0xe9: {  	[spmem:s3] =	stream.indirect.scatter.add.f32 [tilespmem:s13], [sflag:$0x1], $0x80, s26, s14, $0xb8;
	[tilespmem:$0x1A800] =	vst v63  }
0xea: {  	s28 =	sadd.s32 $0x180, s17  }
0xeb: {  	[spmem:s3] =	stream.indirect.scatter.add.f32 [tilespmem:s13], [sflag:$0x1], $0x80, s28, s14, $0xb8;
	[tilespmem:$0x1A800] =	vst v63  }
0xec: {  	s29 =	sadd.s32 $0x200, s17  }
0xed: {  	[spmem:s3] =	stream.indirect.scatter.add.f32 [tilespmem:s13], [sflag:$0x1], $0x80, s29, s14, $0xb8;
	[tilespmem:$0x1A800] =	vst v63  }
0xee: {  	s30 =	sadd.s32 $0x280, s17  }
0xef: {  	[spmem:s3] =	stream.indirect.scatter.add.f32 [tilespmem:s13], [sflag:$0x1], $0x80, s30, s14, $0xb8;
	[tilespmem:$0x1A800] =	vst v63  }
0xf0: {  	s31 =	sadd.s32 $0x300, s17  }
0xf1: {  	[spmem:s3] =	stream.indirect.scatter.add.f32 [tilespmem:s13], [sflag:$0x1], $0x80, s31, s14, $0xb8;
	[tilespmem:$0x1A800] =	vst v63  }
0xf2: {  	s17 =	sadd.s32 $0x380, s17  }
0xf3: {  	[spmem:s3] =	stream.indirect.scatter.add.f32 [tilespmem:s13], [sflag:$0x1], $0x80, s17, s14, $0xb8;
	[tilespmem:$0x1A800] =	vst v63  }
0xf4: {  	_ =	swait.ge [sflag:s15], $0x2000  }
0xf5: {  	[sflag:s15] =	ssyncset.done $0x0  }
0xf6: {  	[sflag:s15] =	ssyncadd.s32 $0xFFFFE000  }
0xf7: {  	_ =	swait.ge [sflag:s15], $0x2000  }
0xf8: {  	[sflag:s15] =	ssyncset.done $0x0  }
0xf9: {  	[sflag:s15] =	ssyncadd.s32 $0xFFFFE000  }
0xfa: {  	_ =	swait.ge [sflag:s15], $0x2000  }
0xfb: {  	[sflag:s15] =	ssyncset.done $0x0  }
0xfc: {  	[sflag:s15] =	ssyncadd.s32 $0xFFFFE000  }
0xfd: {  	_ =	swait.ge [sflag:s15], $0x2000  }
0xfe: {  	[sflag:s15] =	ssyncset.done $0x0  }
0xff: {  	[sflag:s15] =	ssyncadd.s32 $0xFFFFE000  }
0x100: {  	_ =	swait.ge [sflag:s15], $0x2000  }
0x101: {  	[sflag:s15] =	ssyncset.done $0x0  }
0x102: {  	[sflag:s15] =	ssyncadd.s32 $0xFFFFE000  }
0x103: {  	_ =	swait.ge [sflag:s15], $0x2000  }
0x104: {  	[sflag:s15] =	ssyncset.done $0x0  }
0x105: {  	[sflag:s15] =	ssyncadd.s32 $0xFFFFE000  }
0x106: {  	_ =	swait.ge [sflag:s15], $0x2000  }
0x107: {  	[sflag:s15] =	ssyncset.done $0x0  }
0x108: {  	[sflag:s15] =	ssyncadd.s32 $0xFFFFE000  }
0x109: {  	_ =	swait.ge [sflag:s15], $0x2000  }
0x10a: {  	s16 =	sadd.s32 $0x1, s16;
	[sflag:s15] =	ssyncset.done $0x0  }
0x10b: {  	p0 =	sne.s32 s16, s8;
	[sflag:s15] =	ssyncadd.s32 $0xFFFFE000  }
.Ltmp2:
0x10c: {  	[bflag:$0x0] =	sbarrier.arrive $0xFFFF;
	(pc) =	sbr.rel @p0 .LBB2_1-.Ltmp2, $4  }
0x10d: {  	[hbm:s7], [sflag:s6] =	dma.local [spmem:s11], $0x2800  }
0x10e: {  	_ =	swait.ge [sflag:s12], $0x2800  }
0x10f: {  	[sflag:s12] =	ssyncset.done $0x0  }
0x110: {  	[sflag:s12] =	ssyncadd.s32 $0xFFFFD800  }
0x111: {  	_ =	sfence.sel $0x180000  }
0x112: {  	[bflag:$0x0] =	sbarrier.arrive $0xFFFF  }
0x113: {  	p0 =	sne.s32 s0, $0x0;
	_ =	strace $0x90000047  }
0x114: {  	s0 =	sadd.s32 @!p0 $0x100000, s1;
	[bflag:$0x2] =	sbarrier.arrive $0xFFFF  }
0x115: {  	[sflag:s0] =	ssyncadd.tile.s32 @!p0 $0x1;
	_ =	shalt  }
.Lfunc_end2:
_tile_overlayer_lowered:
.L_overlay_start_2:
0x116: {  	(tag) =	ssettag $0x2  }
0x117: {  	s0 =	rddreg [dreg:$0x0];
	s2 =	stileid.u32  }
0x118: {  	s1 =	rddreg [dreg:$0x1];
	p0 =	sne.s32 s2, $0x0  }
0x119: {  	s3 =	rddreg [dreg:$0x2];
	[bflag:$0x3] =	sbarrier.arrive $0xFFFF;
	s2 =	simm.s32 @!p0 $0x1C02  }
0x11a: {  	[timem:s3], [sflag:s2] =	dma.local @!p0 [hbm:s0], s1  }
0x11b: {  	s0 =	simm.s32 @!p0 $0x2  }
0x11c: {  	_ =	swait.ge @!p0 [sflag:s0], s1  }
0x11d: {  	s1 =	ssub.s32 @!p0 $0x0, s1;
	[sflag:s0] =	ssyncset.done @!p0 $0x0  }
0x11e: {  	[sflag:s0] =	ssyncadd.s32 @!p0 s1  }
0x11f: {  	[bflag:$0x3] =	sbarrier.arrive $0xFFFF  }
0x120: {  	_ =	shalt  }

</sc_bundles>
